<compile_context>
chip_gen: v7x
topology: tpu7x:2x2x1
jax: 0.10.2.dev20260603
libtpu: 0.0.44.dev20260713+nightly
codegen_flags: <defaults>
</compile_context>

<pallas_src>
import functools

import jax
import jax.numpy as jnp
from jax import lax
from jax.experimental import pallas as pl
from jax.experimental.pallas import tpu as pltpu
from jax.experimental.pallas import tpu_sc as plsc

GRID = 128
NF = 10
D = 2 * NF
OUTD = 6 * NF

NC = 2
NS = 16
L = 16
NW = NC * NS

CHUNK = 512

PC = [-1.0, 19.739206314086914, -64.93917083740234, 85.45116424560547,
      -60.17622375488281, 26.000497817993164, -6.575565814971924]
PS = [-6.2831854820251465, 41.34170150756836, -81.60515594482422,
      76.70345306396484, -42.029598236083984, 14.913905143737793,
      -3.258183240890503]


def _poly(coef, s):
    acc = jnp.full((L,), coef[-1], jnp.float32)
    for c in coef[-2::-1]:
        acc = acc * s + jnp.float32(c)
    return acc


@jax.jit
def _lpe_sc(x0, x1, x2, table):
    B = x0.shape[0]
    b_per_w = B // NW
    nchunks = b_per_w // CHUNK
    mesh = plsc.VectorSubcoreMesh(
        core_axis_name="c", subcore_axis_name="s",
        num_cores=NC, num_subcores=NS)

    @functools.partial(
        pl.kernel,
        out_type=jax.ShapeDtypeStruct((8 * (B // 128) * 8 * 128,), jnp.float32),
        scratch_types=[
            pltpu.VMEM((CHUNK,), jnp.float32),
            pltpu.VMEM((CHUNK,), jnp.float32),
            pltpu.VMEM((CHUNK,), jnp.float32),
            pltpu.VMEM((CHUNK // 128, 128), jnp.int32),
            pltpu.VMEM((CHUNK, 2 * D), jnp.float32),
            pltpu.VMEM((8 * (CHUNK // 128) * 8 * 128,), jnp.float32),
            pltpu.SemaphoreType.DMA,
        ],
        mesh=mesh,
        compiler_params=pltpu.CompilerParams(
            needs_layout_passes=False, use_tc_tiling_on_sc=False),
    )
    def sck(x0_hbm, x1_hbm, x2_hbm, tab_hbm, out_hbm,
            x0_v, x1_v, x2_v, idx_v, ape_v, out_v, sem):
        wid = lax.axis_index("s") * NC + lax.axis_index("c")
        base = wid * b_per_w
        lanes = lax.iota(jnp.int32, L)
        xvs = (x0_v, x1_v, x2_v)

        def chunk_body(ci, carry):
            p0 = base + ci * CHUNK
            pltpu.sync_copy(x0_hbm.at[pl.ds(p0, CHUNK)], x0_v)
            pltpu.sync_copy(x1_hbm.at[pl.ds(p0, CHUNK)], x1_v)
            pltpu.sync_copy(x2_hbm.at[pl.ds(p0, CHUNK)], x2_v)

            for g in range(CHUNK // L):
                comps = []
                for j in range(3):
                    xl = xvs[j][pl.ds(g * L, L)] * jnp.float32(GRID)
                    ii = xl.astype(jnp.int32)
                    comps.append(jnp.clip(ii, 0, GRID - 1))
                flat = (comps[0] * GRID + comps[1]) * GRID + comps[2]
                idx_v[g // 8, pl.ds((g % 8) * L, L)] = (
                    lax.shift_right_logical(flat, 1))

            copies = [
                pltpu.async_copy(
                    tab_hbm.at[idx_v.at[k]],
                    ape_v.at[pl.ds(k * 128, 128)],
                    sem,
                )
                for k in range(CHUNK // 128)
            ]
            for cp in copies:
                cp.wait()

            def mod(g, carry2):
                gl = lanes + g * L
                tile_off = (g // 8) * 1024 + (g % 8) * L
                xls = [xvs[j][pl.ds(g * L, L)] * jnp.float32(GRID)
                       for j in range(3)]
                iis = [xl.astype(jnp.int32) for xl in xls]
                half = (jnp.clip(iis[2], 0, GRID - 1) & 1) * D
                gains = [
                    plsc.load_gather(ape_v, [gl, half + f])
                    for f in range(D)
                ]
                for j in range(3):
                    xl = xls[j]
                    fr = xl - iis[j].astype(jnp.float32)
                    z = fr - jnp.float32(0.5)
                    sq = z * z
                    c1 = _poly(PC, sq)
                    s1 = z * _poly(PS, sq)
                    two_c1 = c1 + c1
                    cp2 = jnp.full((L,), 1.0, jnp.float32)
                    sp2 = jnp.full((L,), 0.0, jnp.float32)
                    cc, ss = c1, s1
                    for f in range(NF):
                        if f >= 1:
                            cn = two_c1 * cc - cp2
                            sn = two_c1 * ss - sp2
                            cp2, sp2, cc, ss = cc, ss, cn, sn
                        c_cos = 6 * f + j
                        c_sin = 6 * f + 3 + j
                        out_v[pl.ds((c_cos // 8) * 4096 + (c_cos % 8) * 128
                                    + tile_off, L)] = cc * gains[f]
                        out_v[pl.ds((c_sin // 8) * 4096 + (c_sin % 8) * 128
                                    + tile_off, L)] = ss * gains[f + NF]
                return carry2

            lax.fori_loop(0, CHUNK // L, mod, 0)

            pt0 = p0 // 128
            for a in range(8):
                pltpu.sync_copy(
                    out_v.at[pl.ds(a * 4096, 4096)],
                    out_hbm.at[pl.ds(a * ((B // 128) * 1024) + pt0 * 1024,
                                     4096)],
                )
            return carry

        lax.fori_loop(0, nchunks, chunk_body, 0)

    return sck(x0, x1, x2, table)


def kernel(x, latent_grid):
    B = x.shape[0]
    table = latent_grid.reshape(-1, 2 * latent_grid.shape[-1])
    flat = _lpe_sc(x[:, 0], x[:, 1], x[:, 2], table)
    out4 = flat.reshape(8, B // 128, 8, 128)
    return out4.transpose(1, 3, 0, 2).reshape(B, 64)[:, :OUTD]

# --- scband reference (transcript-rebuilt; emitter-appended) ---
"""Pipeline reference for scband-local-positional-encoding-10806137716875 (READ-ONLY COPY).

The authoritative reference and input builder live on the scoring server;
editing this copy changes nothing except your own understanding.
"""

import jax, jax.numpy as jnp
import numpy as np

GRID = 128
NUM_FREQ = 10
BATCH = 262144


def setup_inputs(seed: int = 0) -> dict:
    key = jax.random.key(seed)
    k1, k2 = jax.random.split(key)
    x = jax.random.uniform(k1, (BATCH, 3), dtype=jnp.float32)
    latent_grid = jax.random.normal(k2, (GRID, GRID, GRID, 2 * NUM_FREQ), dtype=jnp.float32) * 0.01
    return {"x": x, "latent_grid": latent_grid}


def reference(x, latent_grid):
    grid_size = jnp.array([GRID, GRID, GRID], dtype=jnp.float32)
    x_local = x * grid_size
    cell_idx = jnp.floor(x_local).astype(jnp.int32)
    local_pos = x_local - cell_idx.astype(jnp.float32)
    i0 = jnp.clip(cell_idx[:, 0], 0, GRID - 1)
    i1 = jnp.clip(cell_idx[:, 1], 0, GRID - 1)
    i2 = jnp.clip(cell_idx[:, 2], 0, GRID - 1)
    APE = latent_grid[i0, i1, i2]  # gather: [B, 2*NUM_FREQ]
    frequencies = jnp.linspace(1.0, float(NUM_FREQ), NUM_FREQ)
    encodings = []
    for i in range(NUM_FREQ):
        freq = frequencies[i]
        cos_enc = jnp.cos(2.0 * np.pi * freq * local_pos)
        sin_enc = jnp.sin(2.0 * np.pi * freq * local_pos)
        encodings.append(cos_enc * APE[:, i:i + 1])
        encodings.append(sin_enc * APE[:, i + NUM_FREQ:i + NUM_FREQ + 1])
    lpe = jnp.concatenate(encodings, axis=-1)  # [B, 2*NUM_FREQ*3]
    return lpe

if __name__ == "__main__":
    import jax
    _d = setup_inputs()
    print(jax.jit(kernel)(*tuple(_d.values())))

</pallas_src>

<mosaic_0001>
#map = affine_map<(d0, d1) -> (0)>
#map1 = affine_map<(d0, d1) -> (0, 0)>
module attributes {stable_mosaic.version = 14 : i64} {
  func.func @sck(%arg0: i32, %arg1: i32, %arg2: memref<262144xf32, #tpu.memory_space<hbm>>, %arg3: memref<262144xf32, #tpu.memory_space<hbm>>, %arg4: memref<262144xf32, #tpu.memory_space<hbm>>, %arg5: memref<1048576x40xf32, #tpu.memory_space<hbm>>, %arg6: memref<16777216xf32, #tpu.memory_space<hbm>>, %arg7: memref<512xf32, #tpu.memory_space<vmem>>, %arg8: memref<512xf32, #tpu.memory_space<vmem>>, %arg9: memref<512xf32, #tpu.memory_space<vmem>>, %arg10: memref<4x128xi32, #tpu.memory_space<vmem>>, %arg11: memref<512x40xf32, #tpu.memory_space<vmem>>, %arg12: memref<32768xf32, #tpu.memory_space<vmem>>, %arg13: memref<!tpu.dma_semaphore, #tpu.memory_space<semaphore_mem>>) attributes {dimension_semantics = [#tpu.dimension_semantics<core_parallel>, #tpu.dimension_semantics<subcore_parallel>], iteration_bounds = array<i64: 2, 16>, scalar_prefetch = 0 : i64, scratch_operands = 7 : i64, tpu.core_type = #tpu.core_type<sc_vector_subcore>, window_params = [{transform_indices = #map}, {transform_indices = #map}, {transform_indices = #map}, {transform_indices = #map1}, {transform_indices = #map}]} {
    %mul3A = arith.constant 2 : i32
    %mul3A_0 = arith.muli %arg1, %mul3A : i32
    %add3A = arith.addi %mul3A_0, %arg0 : i32
    %mul3A_1 = arith.constant 8192 : i32
    %mul3A_2 = arith.muli %add3A, %mul3A_1 : i32
    %iota3A = tpu.iota {dimensions = array<i32: 0>} : vector<16xi32>
    %scan3A = arith.constant 0 : i32
    %scan3A_3 = arith.constant 0 : i32
    %scan3A_4 = arith.constant 16 : i32
    %scan3A_5 = arith.addi %scan3A_3, %scan3A_4 : i32
    %scan3A_6 = arith.constant 1 : i32
    scf.for %scan3A_8 = %scan3A_3 to %scan3A_5 step %scan3A_6  : i32 {
      %mul3A_9 = arith.constant 512 : i32
      %mul3A_10 = arith.muli %scan3A_8, %mul3A_9 : i32
      %add3A_11 = arith.addi %mul3A_2, %mul3A_10 : i32
      "tpu.region"() ({
        %run_scoped3A = tpu.sem_alloc : memref<!tpu.dma_semaphore, #tpu.memory_space<semaphore_mem>>
        %dma_start3A_1770 = tpu.memref_slice %arg2[%add3A_11] : memref<262144xf32, #tpu.memory_space<hbm>> -> memref<512xf32, #tpu.memory_space<hbm>>
        %dma_start3A_1771 = tpu.memref_slice %arg2[%add3A_11] : memref<262144xf32, #tpu.memory_space<hbm>> -> memref<512xf32, #tpu.memory_space<hbm>>
        tpu.enqueue_dma source(%dma_start3A_1771 : memref<512xf32, #tpu.memory_space<hbm>>) target(%arg7 : memref<512xf32, #tpu.memory_space<vmem>>) target_semaphore(%run_scoped3A : memref<!tpu.dma_semaphore, #tpu.memory_space<semaphore_mem>>)
        %dma_wait3A_1772 = tpu.memref_slice %arg2[%add3A_11] : memref<262144xf32, #tpu.memory_space<hbm>> -> memref<512xf32, #tpu.memory_space<hbm>>
        %dma_wait3A_1773 = tpu.memref_slice %arg2[%add3A_11] : memref<262144xf32, #tpu.memory_space<hbm>> -> memref<512xf32, #tpu.memory_space<hbm>>
        tpu.wait_dma2 semaphore(%run_scoped3A : memref<!tpu.dma_semaphore, #tpu.memory_space<semaphore_mem>>) src(%dma_wait3A_1773 : memref<512xf32, #tpu.memory_space<hbm>>) dst(%arg7 : memref<512xf32, #tpu.memory_space<vmem>>)
        tpu.yield
      }) : () -> ()
      "tpu.region"() ({
        %run_scoped3A = tpu.sem_alloc : memref<!tpu.dma_semaphore, #tpu.memory_space<semaphore_mem>>
        %dma_start3A_1770 = tpu.memref_slice %arg3[%add3A_11] : memref<262144xf32, #tpu.memory_space<hbm>> -> memref<512xf32, #tpu.memory_space<hbm>>
        %dma_start3A_1771 = tpu.memref_slice %arg3[%add3A_11] : memref<262144xf32, #tpu.memory_space<hbm>> -> memref<512xf32, #tpu.memory_space<hbm>>
        tpu.enqueue_dma source(%dma_start3A_1771 : memref<512xf32, #tpu.memory_space<hbm>>) target(%arg8 : memref<512xf32, #tpu.memory_space<vmem>>) target_semaphore(%run_scoped3A : memref<!tpu.dma_semaphore, #tpu.memory_space<semaphore_mem>>)
        %dma_wait3A_1772 = tpu.memref_slice %arg3[%add3A_11] : memref<262144xf32, #tpu.memory_space<hbm>> -> memref<512xf32, #tpu.memory_space<hbm>>
        %dma_wait3A_1773 = tpu.memref_slice %arg3[%add3A_11] : memref<262144xf32, #tpu.memory_space<hbm>> -> memref<512xf32, #tpu.memory_space<hbm>>
        tpu.wait_dma2 semaphore(%run_scoped3A : memref<!tpu.dma_semaphore, #tpu.memory_space<semaphore_mem>>) src(%dma_wait3A_1773 : memref<512xf32, #tpu.memory_space<hbm>>) dst(%arg8 : memref<512xf32, #tpu.memory_space<vmem>>)
        tpu.yield
      }) : () -> ()
      "tpu.region"() ({
        %run_scoped3A = tpu.sem_alloc : memref<!tpu.dma_semaphore, #tpu.memory_space<semaphore_mem>>
        %dma_start3A_1770 = tpu.memref_slice %arg4[%add3A_11] : memref<262144xf32, #tpu.memory_space<hbm>> -> memref<512xf32, #tpu.memory_space<hbm>>
        %dma_start3A_1771 = tpu.memref_slice %arg4[%add3A_11] : memref<262144xf32, #tpu.memory_space<hbm>> -> memref<512xf32, #tpu.memory_space<hbm>>
        tpu.enqueue_dma source(%dma_start3A_1771 : memref<512xf32, #tpu.memory_space<hbm>>) target(%arg9 : memref<512xf32, #tpu.memory_space<vmem>>) target_semaphore(%run_scoped3A : memref<!tpu.dma_semaphore, #tpu.memory_space<semaphore_mem>>)
        %dma_wait3A_1772 = tpu.memref_slice %arg4[%add3A_11] : memref<262144xf32, #tpu.memory_space<hbm>> -> memref<512xf32, #tpu.memory_space<hbm>>
        %dma_wait3A_1773 = tpu.memref_slice %arg4[%add3A_11] : memref<262144xf32, #tpu.memory_space<hbm>> -> memref<512xf32, #tpu.memory_space<hbm>>
        tpu.wait_dma2 semaphore(%run_scoped3A : memref<!tpu.dma_semaphore, #tpu.memory_space<semaphore_mem>>) src(%dma_wait3A_1773 : memref<512xf32, #tpu.memory_space<hbm>>) dst(%arg9 : memref<512xf32, #tpu.memory_space<vmem>>)
        tpu.yield
      }) : () -> ()
      %get3A = arith.constant 0 : index
      %get3A_12 = tpu.vector_load %arg7[%get3A] {strides = array<i32>} : memref<512xf32, #tpu.memory_space<vmem>>, vector<16xf32>,
      %mul3A_13 = arith.constant 1.280000e+02 : f32
      %mul3A_14 = vector.broadcast %mul3A_13 : f32 to vector<16xf32>
      %mul3A_15 = arith.mulf %get3A_12, %mul3A_14 : vector<16xf32>
      %convert_element_type3A = arith.fptosi %mul3A_15 : vector<16xf32> to vector<16xi32>
      %jit3A = arith.constant 0 : i32
      %jit3A_16 = arith.constant 127 : i32
      %max3A = vector.broadcast %jit3A : i32 to vector<16xi32>
      %max3A_17 = arith.maxsi %max3A, %convert_element_type3A : vector<16xi32>
      %min3A = vector.broadcast %jit3A_16 : i32 to vector<16xi32>
      %min3A_18 = arith.minsi %min3A, %max3A_17 : vector<16xi32>
      %get3A_19 = arith.constant 0 : index
      %get3A_20 = tpu.vector_load %arg8[%get3A_19] {strides = array<i32>} : memref<512xf32, #tpu.memory_space<vmem>>, vector<16xf32>,
      %mul3A_21 = arith.constant 1.280000e+02 : f32
      %mul3A_22 = vector.broadcast %mul3A_21 : f32 to vector<16xf32>
      %mul3A_23 = arith.mulf %get3A_20, %mul3A_22 : vector<16xf32>
      %convert_element_type3A_24 = arith.fptosi %mul3A_23 : vector<16xf32> to vector<16xi32>
      %jit3A_25 = arith.constant 0 : i32
      %jit3A_26 = arith.constant 127 : i32
      %max3A_27 = vector.broadcast %jit3A_25 : i32 to vector<16xi32>
      %max3A_28 = arith.maxsi %max3A_27, %convert_element_type3A_24 : vector<16xi32>
      %min3A_29 = vector.broadcast %jit3A_26 : i32 to vector<16xi32>
      %min3A_30 = arith.minsi %min3A_29, %max3A_28 : vector<16xi32>
      %get3A_31 = arith.constant 0 : index
      %get3A_32 = tpu.vector_load %arg9[%get3A_31] {strides = array<i32>} : memref<512xf32, #tpu.memory_space<vmem>>, vector<16xf32>,
      %mul3A_33 = arith.constant 1.280000e+02 : f32
      %mul3A_34 = vector.broadcast %mul3A_33 : f32 to vector<16xf32>
      %mul3A_35 = arith.mulf %get3A_32, %mul3A_34 : vector<16xf32>
      %convert_element_type3A_36 = arith.fptosi %mul3A_35 : vector<16xf32> to vector<16xi32>
      %jit3A_37 = arith.constant 0 : i32
      %jit3A_38 = arith.constant 127 : i32
      %max3A_39 = vector.broadcast %jit3A_37 : i32 to vector<16xi32>
      %max3A_40 = arith.maxsi %max3A_39, %convert_element_type3A_36 : vector<16xi32>
      %min3A_41 = vector.broadcast %jit3A_38 : i32 to vector<16xi32>
      %min3A_42 = arith.minsi %min3A_41, %max3A_40 : vector<16xi32>
      %mul3A_43 = arith.constant 128 : i32
      %mul3A_44 = vector.broadcast %mul3A_43 : i32 to vector<16xi32>
      %mul3A_45 = arith.muli %min3A_18, %mul3A_44 : vector<16xi32>
      %add3A_46 = arith.addi %mul3A_45, %min3A_30 : vector<16xi32>
      %mul3A_47 = arith.constant 128 : i32
      %mul3A_48 = vector.broadcast %mul3A_47 : i32 to vector<16xi32>
      %mul3A_49 = arith.muli %add3A_46, %mul3A_48 : vector<16xi32>
      %add3A_50 = arith.addi %mul3A_49, %min3A_42 : vector<16xi32>
      %shift_right_logical3A = arith.constant 1 : i32
      %shift_right_logical3A_51 = vector.broadcast %shift_right_logical3A : i32 to vector<16xi32>
      %shift_right_logical3A_52 = arith.shrui %add3A_50, %shift_right_logical3A_51 : vector<16xi32>
      %swap3A = arith.constant 0 : i32
      %swap3A_53 = arith.index_cast %swap3A : i32 to index
      %swap3A_54 = arith.constant 0 : index
      %swap3A_55 = tpu.vector_load %arg10[%swap3A_53, %swap3A_54] {strides = array<i32>} : memref<4x128xi32, #tpu.memory_space<vmem>>, vector<16xi32>,
      tpu.vector_store %arg10[%swap3A_53, %swap3A_54], %shift_right_logical3A_52 {strides = array<i32>} : memref<4x128xi32, #tpu.memory_space<vmem>>, vector<16xi32>,
      %get3A_56 = arith.constant 16 : index
      %get3A_57 = tpu.vector_load %arg7[%get3A_56] {strides = array<i32>} : memref<512xf32, #tpu.memory_space<vmem>>, vector<16xf32>,
      %mul3A_58 = arith.constant 1.280000e+02 : f32
      %mul3A_59 = vector.broadcast %mul3A_58 : f32 to vector<16xf32>
      %mul3A_60 = arith.mulf %get3A_57, %mul3A_59 : vector<16xf32>
      %convert_element_type3A_61 = arith.fptosi %mul3A_60 : vector<16xf32> to vector<16xi32>
      %jit3A_62 = arith.constant 0 : i32
      %jit3A_63 = arith.constant 127 : i32
      %max3A_64 = vector.broadcast %jit3A_62 : i32 to vector<16xi32>
      %max3A_65 = arith.maxsi %max3A_64, %convert_element_type3A_61 : vector<16xi32>
      %min3A_66 = vector.broadcast %jit3A_63 : i32 to vector<16xi32>
      %min3A_67 = arith.minsi %min3A_66, %max3A_65 : vector<16xi32>
      %get3A_68 = arith.constant 16 : index
      %get3A_69 = tpu.vector_load %arg8[%get3A_68] {strides = array<i32>} : memref<512xf32, #tpu.memory_space<vmem>>, vector<16xf32>,
      %mul3A_70 = arith.constant 1.280000e+02 : f32
      %mul3A_71 = vector.broadcast %mul3A_70 : f32 to vector<16xf32>
      %mul3A_72 = arith.mulf %get3A_69, %mul3A_71 : vector<16xf32>
      %convert_element_type3A_73 = arith.fptosi %mul3A_72 : vector<16xf32> to vector<16xi32>
      %jit3A_74 = arith.constant 0 : i32
      %jit3A_75 = arith.constant 127 : i32
      %max3A_76 = vector.broadcast %jit3A_74 : i32 to vector<16xi32>
      %max3A_77 = arith.maxsi %max3A_76, %convert_element_type3A_73 : vector<16xi32>
      %min3A_78 = vector.broadcast %jit3A_75 : i32 to vector<16xi32>
      %min3A_79 = arith.minsi %min3A_78, %max3A_77 : vector<16xi32>
      %get3A_80 = arith.constant 16 : index
      %get3A_81 = tpu.vector_load %arg9[%get3A_80] {strides = array<i32>} : memref<512xf32, #tpu.memory_space<vmem>>, vector<16xf32>,
      %mul3A_82 = arith.constant 1.280000e+02 : f32
      %mul3A_83 = vector.broadcast %mul3A_82 : f32 to vector<16xf32>
      %mul3A_84 = arith.mulf %get3A_81, %mul3A_83 : vector<16xf32>
      %convert_element_type3A_85 = arith.fptosi %mul3A_84 : vector<16xf32> to vector<16xi32>
      %jit3A_86 = arith.constant 0 : i32
      %jit3A_87 = arith.constant 127 : i32
      %max3A_88 = vector.broadcast %jit3A_86 : i32 to vector<16xi32>
      %max3A_89 = arith.maxsi %max3A_88, %convert_element_type3A_85 : vector<16xi32>
      %min3A_90 = vector.broadcast %jit3A_87 : i32 to vector<16xi32>
      %min3A_91 = arith.minsi %min3A_90, %max3A_89 : vector<16xi32>
      %mul3A_92 = arith.constant 128 : i32
      %mul3A_93 = vector.broadcast %mul3A_92 : i32 to vector<16xi32>
      %mul3A_94 = arith.muli %min3A_67, %mul3A_93 : vector<16xi32>
      %add3A_95 = arith.addi %mul3A_94, %min3A_79 : vector<16xi32>
      %mul3A_96 = arith.constant 128 : i32
      %mul3A_97 = vector.broadcast %mul3A_96 : i32 to vector<16xi32>
      %mul3A_98 = arith.muli %add3A_95, %mul3A_97 : vector<16xi32>
      %add3A_99 = arith.addi %mul3A_98, %min3A_91 : vector<16xi32>
      %shift_right_logical3A_100 = arith.constant 1 : i32
      %shift_right_logical3A_101 = vector.broadcast %shift_right_logical3A_100 : i32 to vector<16xi32>
      %shift_right_logical3A_102 = arith.shrui %add3A_99, %shift_right_logical3A_101 : vector<16xi32>
      %swap3A_103 = arith.constant 0 : i32
      %swap3A_104 = arith.index_cast %swap3A_103 : i32 to index
      %swap3A_105 = arith.constant 16 : index
      %swap3A_106 = tpu.vector_load %arg10[%swap3A_104, %swap3A_105] {strides = array<i32>} : memref<4x128xi32, #tpu.memory_space<vmem>>, vector<16xi32>,
      tpu.vector_store %arg10[%swap3A_104, %swap3A_105], %shift_right_logical3A_102 {strides = array<i32>} : memref<4x128xi32, #tpu.memory_space<vmem>>, vector<16xi32>,
      %get3A_107 = arith.constant 32 : index
      %get3A_108 = tpu.vector_load %arg7[%get3A_107] {strides = array<i32>} : memref<512xf32, #tpu.memory_space<vmem>>, vector<16xf32>,
      %mul3A_109 = arith.constant 1.280000e+02 : f32
      %mul3A_110 = vector.broadcast %mul3A_109 : f32 to vector<16xf32>
      %mul3A_111 = arith.mulf %get3A_108, %mul3A_110 : vector<16xf32>
      %convert_element_type3A_112 = arith.fptosi %mul3A_111 : vector<16xf32> to vector<16xi32>
      %jit3A_113 = arith.constant 0 : i32
      %jit3A_114 = arith.constant 127 : i32
      %max3A_115 = vector.broadcast %jit3A_113 : i32 to vector<16xi32>
      %max3A_116 = arith.maxsi %max3A_115, %convert_element_type3A_112 : vector<16xi32>
      %min3A_117 = vector.broadcast %jit3A_114 : i32 to vector<16xi32>
      %min3A_118 = arith.minsi %min3A_117, %max3A_116 : vector<16xi32>
      %get3A_119 = arith.constant 32 : index
      %get3A_120 = tpu.vector_load %arg8[%get3A_119] {strides = array<i32>} : memref<512xf32, #tpu.memory_space<vmem>>, vector<16xf32>,
      %mul3A_121 = arith.constant 1.280000e+02 : f32
      %mul3A_122 = vector.broadcast %mul3A_121 : f32 to vector<16xf32>
      %mul3A_123 = arith.mulf %get3A_120, %mul3A_122 : vector<16xf32>
      %convert_element_type3A_124 = arith.fptosi %mul3A_123 : vector<16xf32> to vector<16xi32>
      %jit3A_125 = arith.constant 0 : i32
      %jit3A_126 = arith.constant 127 : i32
      %max3A_127 = vector.broadcast %jit3A_125 : i32 to vector<16xi32>
      %max3A_128 = arith.maxsi %max3A_127, %convert_element_type3A_124 : vector<16xi32>
      %min3A_129 = vector.broadcast %jit3A_126 : i32 to vector<16xi32>
      %min3A_130 = arith.minsi %min3A_129, %max3A_128 : vector<16xi32>
      %get3A_131 = arith.constant 32 : index
      %get3A_132 = tpu.vector_load %arg9[%get3A_131] {strides = array<i32>} : memref<512xf32, #tpu.memory_space<vmem>>, vector<16xf32>,
      %mul3A_133 = arith.constant 1.280000e+02 : f32
      %mul3A_134 = vector.broadcast %mul3A_133 : f32 to vector<16xf32>
      %mul3A_135 = arith.mulf %get3A_132, %mul3A_134 : vector<16xf32>
      %convert_element_type3A_136 = arith.fptosi %mul3A_135 : vector<16xf32> to vector<16xi32>
      %jit3A_137 = arith.constant 0 : i32
      %jit3A_138 = arith.constant 127 : i32
      %max3A_139 = vector.broadcast %jit3A_137 : i32 to vector<16xi32>
      %max3A_140 = arith.maxsi %max3A_139, %convert_element_type3A_136 : vector<16xi32>
      %min3A_141 = vector.broadcast %jit3A_138 : i32 to vector<16xi32>
      %min3A_142 = arith.minsi %min3A_141, %max3A_140 : vector<16xi32>
      %mul3A_143 = arith.constant 128 : i32
      %mul3A_144 = vector.broadcast %mul3A_143 : i32 to vector<16xi32>
      %mul3A_145 = arith.muli %min3A_118, %mul3A_144 : vector<16xi32>
      %add3A_146 = arith.addi %mul3A_145, %min3A_130 : vector<16xi32>
      %mul3A_147 = arith.constant 128 : i32
      %mul3A_148 = vector.broadcast %mul3A_147 : i32 to vector<16xi32>
      %mul3A_149 = arith.muli %add3A_146, %mul3A_148 : vector<16xi32>
      %add3A_150 = arith.addi %mul3A_149, %min3A_142 : vector<16xi32>
      %shift_right_logical3A_151 = arith.constant 1 : i32
      %shift_right_logical3A_152 = vector.broadcast %shift_right_logical3A_151 : i32 to vector<16xi32>
      %shift_right_logical3A_153 = arith.shrui %add3A_150, %shift_right_logical3A_152 : vector<16xi32>
      %swap3A_154 = arith.constant 0 : i32
      %swap3A_155 = arith.index_cast %swap3A_154 : i32 to index
      %swap3A_156 = arith.constant 32 : index
      %swap3A_157 = tpu.vector_load %arg10[%swap3A_155, %swap3A_156] {strides = array<i32>} : memref<4x128xi32, #tpu.memory_space<vmem>>, vector<16xi32>,
      tpu.vector_store %arg10[%swap3A_155, %swap3A_156], %shift_right_logical3A_153 {strides = array<i32>} : memref<4x128xi32, #tpu.memory_space<vmem>>, vector<16xi32>,
      %get3A_158 = arith.constant 48 : index
      %get3A_159 = tpu.vector_load %arg7[%get3A_158] {strides = array<i32>} : memref<512xf32, #tpu.memory_space<vmem>>, vector<16xf32>,
      %mul3A_160 = arith.constant 1.280000e+02 : f32
      %mul3A_161 = vector.broadcast %mul3A_160 : f32 to vector<16xf32>
      %mul3A_162 = arith.mulf %get3A_159, %mul3A_161 : vector<16xf32>
      %convert_element_type3A_163 = arith.fptosi %mul3A_162 : vector<16xf32> to vector<16xi32>
      %jit3A_164 = arith.constant 0 : i32
      %jit3A_165 = arith.constant 127 : i32
      %max3A_166 = vector.broadcast %jit3A_164 : i32 to vector<16xi32>
      %max3A_167 = arith.maxsi %max3A_166, %convert_element_type3A_163 : vector<16xi32>
      %min3A_168 = vector.broadcast %jit3A_165 : i32 to vector<16xi32>
      %min3A_169 = arith.minsi %min3A_168, %max3A_167 : vector<16xi32>
      %get3A_170 = arith.constant 48 : index
      %get3A_171 = tpu.vector_load %arg8[%get3A_170] {strides = array<i32>} : memref<512xf32, #tpu.memory_space<vmem>>, vector<16xf32>,
      %mul3A_172 = arith.constant 1.280000e+02 : f32
      %mul3A_173 = vector.broadcast %mul3A_172 : f32 to vector<16xf32>
      %mul3A_174 = arith.mulf %get3A_171, %mul3A_173 : vector<16xf32>
      %convert_element_type3A_175 = arith.fptosi %mul3A_174 : vector<16xf32> to vector<16xi32>
      %jit3A_176 = arith.constant 0 : i32
      %jit3A_177 = arith.constant 127 : i32
      %max3A_178 = vector.broadcast %jit3A_176 : i32 to vector<16xi32>
      %max3A_179 = arith.maxsi %max3A_178, %convert_element_type3A_175 : vector<16xi32>
      %min3A_180 = vector.broadcast %jit3A_177 : i32 to vector<16xi32>
      %min3A_181 = arith.minsi %min3A_180, %max3A_179 : vector<16xi32>
      %get3A_182 = arith.constant 48 : index
      %get3A_183 = tpu.vector_load %arg9[%get3A_182] {strides = array<i32>} : memref<512xf32, #tpu.memory_space<vmem>>, vector<16xf32>,
      %mul3A_184 = arith.constant 1.280000e+02 : f32
      %mul3A_185 = vector.broadcast %mul3A_184 : f32 to vector<16xf32>
      %mul3A_186 = arith.mulf %get3A_183, %mul3A_185 : vector<16xf32>
      %convert_element_type3A_187 = arith.fptosi %mul3A_186 : vector<16xf32> to vector<16xi32>
      %jit3A_188 = arith.constant 0 : i32
      %jit3A_189 = arith.constant 127 : i32
      %max3A_190 = vector.broadcast %jit3A_188 : i32 to vector<16xi32>
      %max3A_191 = arith.maxsi %max3A_190, %convert_element_type3A_187 : vector<16xi32>
      %min3A_192 = vector.broadcast %jit3A_189 : i32 to vector<16xi32>
      %min3A_193 = arith.minsi %min3A_192, %max3A_191 : vector<16xi32>
      %mul3A_194 = arith.constant 128 : i32
      %mul3A_195 = vector.broadcast %mul3A_194 : i32 to vector<16xi32>
      %mul3A_196 = arith.muli %min3A_169, %mul3A_195 : vector<16xi32>
      %add3A_197 = arith.addi %mul3A_196, %min3A_181 : vector<16xi32>
      %mul3A_198 = arith.constant 128 : i32
      %mul3A_199 = vector.broadcast %mul3A_198 : i32 to vector<16xi32>
      %mul3A_200 = arith.muli %add3A_197, %mul3A_199 : vector<16xi32>
      %add3A_201 = arith.addi %mul3A_200, %min3A_193 : vector<16xi32>
      %shift_right_logical3A_202 = arith.constant 1 : i32
      %shift_right_logical3A_203 = vector.broadcast %shift_right_logical3A_202 : i32 to vector<16xi32>
      %shift_right_logical3A_204 = arith.shrui %add3A_201, %shift_right_logical3A_203 : vector<16xi32>
      %swap3A_205 = arith.constant 0 : i32
      %swap3A_206 = arith.index_cast %swap3A_205 : i32 to index
      %swap3A_207 = arith.constant 48 : index
      %swap3A_208 = tpu.vector_load %arg10[%swap3A_206, %swap3A_207] {strides = array<i32>} : memref<4x128xi32, #tpu.memory_space<vmem>>, vector<16xi32>,
      tpu.vector_store %arg10[%swap3A_206, %swap3A_207], %shift_right_logical3A_204 {strides = array<i32>} : memref<4x128xi32, #tpu.memory_space<vmem>>, vector<16xi32>,
      %get3A_209 = arith.constant 64 : index
      %get3A_210 = tpu.vector_load %arg7[%get3A_209] {strides = array<i32>} : memref<512xf32, #tpu.memory_space<vmem>>, vector<16xf32>,
      %mul3A_211 = arith.constant 1.280000e+02 : f32
      %mul3A_212 = vector.broadcast %mul3A_211 : f32 to vector<16xf32>
      %mul3A_213 = arith.mulf %get3A_210, %mul3A_212 : vector<16xf32>
      %convert_element_type3A_214 = arith.fptosi %mul3A_213 : vector<16xf32> to vector<16xi32>
      %jit3A_215 = arith.constant 0 : i32
      %jit3A_216 = arith.constant 127 : i32
      %max3A_217 = vector.broadcast %jit3A_215 : i32 to vector<16xi32>
      %max3A_218 = arith.maxsi %max3A_217, %convert_element_type3A_214 : vector<16xi32>
      %min3A_219 = vector.broadcast %jit3A_216 : i32 to vector<16xi32>
      %min3A_220 = arith.minsi %min3A_219, %max3A_218 : vector<16xi32>
      %get3A_221 = arith.constant 64 : index
      %get3A_222 = tpu.vector_load %arg8[%get3A_221] {strides = array<i32>} : memref<512xf32, #tpu.memory_space<vmem>>, vector<16xf32>,
      %mul3A_223 = arith.constant 1.280000e+02 : f32
      %mul3A_224 = vector.broadcast %mul3A_223 : f32 to vector<16xf32>
      %mul3A_225 = arith.mulf %get3A_222, %mul3A_224 : vector<16xf32>
      %convert_element_type3A_226 = arith.fptosi %mul3A_225 : vector<16xf32> to vector<16xi32>
      %jit3A_227 = arith.constant 0 : i32
      %jit3A_228 = arith.constant 127 : i32
      %max3A_229 = vector.broadcast %jit3A_227 : i32 to vector<16xi32>
      %max3A_230 = arith.maxsi %max3A_229, %convert_element_type3A_226 : vector<16xi32>
      %min3A_231 = vector.broadcast %jit3A_228 : i32 to vector<16xi32>
      %min3A_232 = arith.minsi %min3A_231, %max3A_230 : vector<16xi32>
      %get3A_233 = arith.constant 64 : index
      %get3A_234 = tpu.vector_load %arg9[%get3A_233] {strides = array<i32>} : memref<512xf32, #tpu.memory_space<vmem>>, vector<16xf32>,
      %mul3A_235 = arith.constant 1.280000e+02 : f32
      %mul3A_236 = vector.broadcast %mul3A_235 : f32 to vector<16xf32>
      %mul3A_237 = arith.mulf %get3A_234, %mul3A_236 : vector<16xf32>
      %convert_element_type3A_238 = arith.fptosi %mul3A_237 : vector<16xf32> to vector<16xi32>
      %jit3A_239 = arith.constant 0 : i32
      %jit3A_240 = arith.constant 127 : i32
      %max3A_241 = vector.broadcast %jit3A_239 : i32 to vector<16xi32>
      %max3A_242 = arith.maxsi %max3A_241, %convert_element_type3A_238 : vector<16xi32>
      %min3A_243 = vector.broadcast %jit3A_240 : i32 to vector<16xi32>
      %min3A_244 = arith.minsi %min3A_243, %max3A_242 : vector<16xi32>
      %mul3A_245 = arith.constant 128 : i32
      %mul3A_246 = vector.broadcast %mul3A_245 : i32 to vector<16xi32>
      %mul3A_247 = arith.muli %min3A_220, %mul3A_246 : vector<16xi32>
      %add3A_248 = arith.addi %mul3A_247, %min3A_232 : vector<16xi32>
      %mul3A_249 = arith.constant 128 : i32
      %mul3A_250 = vector.broadcast %mul3A_249 : i32 to vector<16xi32>
      %mul3A_251 = arith.muli %add3A_248, %mul3A_250 : vector<16xi32>
      %add3A_252 = arith.addi %mul3A_251, %min3A_244 : vector<16xi32>
      %shift_right_logical3A_253 = arith.constant 1 : i32
      %shift_right_logical3A_254 = vector.broadcast %shift_right_logical3A_253 : i32 to vector<16xi32>
      %shift_right_logical3A_255 = arith.shrui %add3A_252, %shift_right_logical3A_254 : vector<16xi32>
      %swap3A_256 = arith.constant 0 : i32
      %swap3A_257 = arith.index_cast %swap3A_256 : i32 to index
      %swap3A_258 = arith.constant 64 : index
      %swap3A_259 = tpu.vector_load %arg10[%swap3A_257, %swap3A_258] {strides = array<i32>} : memref<4x128xi32, #tpu.memory_space<vmem>>, vector<16xi32>,
      tpu.vector_store %arg10[%swap3A_257, %swap3A_258], %shift_right_logical3A_255 {strides = array<i32>} : memref<4x128xi32, #tpu.memory_space<vmem>>, vector<16xi32>,
      %get3A_260 = arith.constant 80 : index
      %get3A_261 = tpu.vector_load %arg7[%get3A_260] {strides = array<i32>} : memref<512xf32, #tpu.memory_space<vmem>>, vector<16xf32>,
      %mul3A_262 = arith.constant 1.280000e+02 : f32
      %mul3A_263 = vector.broadcast %mul3A_262 : f32 to vector<16xf32>
      %mul3A_264 = arith.mulf %get3A_261, %mul3A_263 : vector<16xf32>
      %convert_element_type3A_265 = arith.fptosi %mul3A_264 : vector<16xf32> to vector<16xi32>
      %jit3A_266 = arith.constant 0 : i32
      %jit3A_267 = arith.constant 127 : i32
      %max3A_268 = vector.broadcast %jit3A_266 : i32 to vector<16xi32>
      %max3A_269 = arith.maxsi %max3A_268, %convert_element_type3A_265 : vector<16xi32>
      %min3A_270 = vector.broadcast %jit3A_267 : i32 to vector<16xi32>
      %min3A_271 = arith.minsi %min3A_270, %max3A_269 : vector<16xi32>
      %get3A_272 = arith.constant 80 : index
      %get3A_273 = tpu.vector_load %arg8[%get3A_272] {strides = array<i32>} : memref<512xf32, #tpu.memory_space<vmem>>, vector<16xf32>,
      %mul3A_274 = arith.constant 1.280000e+02 : f32
      %mul3A_275 = vector.broadcast %mul3A_274 : f32 to vector<16xf32>
      %mul3A_276 = arith.mulf %get3A_273, %mul3A_275 : vector<16xf32>
      %convert_element_type3A_277 = arith.fptosi %mul3A_276 : vector<16xf32> to vector<16xi32>
      %jit3A_278 = arith.constant 0 : i32
      %jit3A_279 = arith.constant 127 : i32
      %max3A_280 = vector.broadcast %jit3A_278 : i32 to vector<16xi32>
      %max3A_281 = arith.maxsi %max3A_280, %convert_element_type3A_277 : vector<16xi32>
      %min3A_282 = vector.broadcast %jit3A_279 : i32 to vector<16xi32>
      %min3A_283 = arith.minsi %min3A_282, %max3A_281 : vector<16xi32>
      %get3A_284 = arith.constant 80 : index
      %get3A_285 = tpu.vector_load %arg9[%get3A_284] {strides = array<i32>} : memref<512xf32, #tpu.memory_space<vmem>>, vector<16xf32>,
      %mul3A_286 = arith.constant 1.280000e+02 : f32
      %mul3A_287 = vector.broadcast %mul3A_286 : f32 to vector<16xf32>
      %mul3A_288 = arith.mulf %get3A_285, %mul3A_287 : vector<16xf32>
      %convert_element_type3A_289 = arith.fptosi %mul3A_288 : vector<16xf32> to vector<16xi32>
      %jit3A_290 = arith.constant 0 : i32
      %jit3A_291 = arith.constant 127 : i32
      %max3A_292 = vector.broadcast %jit3A_290 : i32 to vector<16xi32>
      %max3A_293 = arith.maxsi %max3A_292, %convert_element_type3A_289 : vector<16xi32>
      %min3A_294 = vector.broadcast %jit3A_291 : i32 to vector<16xi32>
      %min3A_295 = arith.minsi %min3A_294, %max3A_293 : vector<16xi32>
      %mul3A_296 = arith.constant 128 : i32
      %mul3A_297 = vector.broadcast %mul3A_296 : i32 to vector<16xi32>
      %mul3A_298 = arith.muli %min3A_271, %mul3A_297 : vector<16xi32>
      %add3A_299 = arith.addi %mul3A_298, %min3A_283 : vector<16xi32>
      %mul3A_300 = arith.constant 128 : i32
      %mul3A_301 = vector.broadcast %mul3A_300 : i32 to vector<16xi32>
      %mul3A_302 = arith.muli %add3A_299, %mul3A_301 : vector<16xi32>
      %add3A_303 = arith.addi %mul3A_302, %min3A_295 : vector<16xi32>
      %shift_right_logical3A_304 = arith.constant 1 : i32
      %shift_right_logical3A_305 = vector.broadcast %shift_right_logical3A_304 : i32 to vector<16xi32>
      %shift_right_logical3A_306 = arith.shrui %add3A_303, %shift_right_logical3A_305 : vector<16xi32>
      %swap3A_307 = arith.constant 0 : i32
      %swap3A_308 = arith.index_cast %swap3A_307 : i32 to index
      %swap3A_309 = arith.constant 80 : index
      %swap3A_310 = tpu.vector_load %arg10[%swap3A_308, %swap3A_309] {strides = array<i32>} : memref<4x128xi32, #tpu.memory_space<vmem>>, vector<16xi32>,
      tpu.vector_store %arg10[%swap3A_308, %swap3A_309], %shift_right_logical3A_306 {strides = array<i32>} : memref<4x128xi32, #tpu.memory_space<vmem>>, vector<16xi32>,
      %get3A_311 = arith.constant 96 : index
      %get3A_312 = tpu.vector_load %arg7[%get3A_311] {strides = array<i32>} : memref<512xf32, #tpu.memory_space<vmem>>, vector<16xf32>,
      %mul3A_313 = arith.constant 1.280000e+02 : f32
      %mul3A_314 = vector.broadcast %mul3A_313 : f32 to vector<16xf32>
      %mul3A_315 = arith.mulf %get3A_312, %mul3A_314 : vector<16xf32>
      %convert_element_type3A_316 = arith.fptosi %mul3A_315 : vector<16xf32> to vector<16xi32>
      %jit3A_317 = arith.constant 0 : i32
      %jit3A_318 = arith.constant 127 : i32
      %max3A_319 = vector.broadcast %jit3A_317 : i32 to vector<16xi32>
      %max3A_320 = arith.maxsi %max3A_319, %convert_element_type3A_316 : vector<16xi32>
      %min3A_321 = vector.broadcast %jit3A_318 : i32 to vector<16xi32>
      %min3A_322 = arith.minsi %min3A_321, %max3A_320 : vector<16xi32>
      %get3A_323 = arith.constant 96 : index
      %get3A_324 = tpu.vector_load %arg8[%get3A_323] {strides = array<i32>} : memref<512xf32, #tpu.memory_space<vmem>>, vector<16xf32>,
      %mul3A_325 = arith.constant 1.280000e+02 : f32
      %mul3A_326 = vector.broadcast %mul3A_325 : f32 to vector<16xf32>
      %mul3A_327 = arith.mulf %get3A_324, %mul3A_326 : vector<16xf32>
      %convert_element_type3A_328 = arith.fptosi %mul3A_327 : vector<16xf32> to vector<16xi32>
      %jit3A_329 = arith.constant 0 : i32
      %jit3A_330 = arith.constant 127 : i32
      %max3A_331 = vector.broadcast %jit3A_329 : i32 to vector<16xi32>
      %max3A_332 = arith.maxsi %max3A_331, %convert_element_type3A_328 : vector<16xi32>
      %min3A_333 = vector.broadcast %jit3A_330 : i32 to vector<16xi32>
      %min3A_334 = arith.minsi %min3A_333, %max3A_332 : vector<16xi32>
      %get3A_335 = arith.constant 96 : index
      %get3A_336 = tpu.vector_load %arg9[%get3A_335] {strides = array<i32>} : memref<512xf32, #tpu.memory_space<vmem>>, vector<16xf32>,
      %mul3A_337 = arith.constant 1.280000e+02 : f32
      %mul3A_338 = vector.broadcast %mul3A_337 : f32 to vector<16xf32>
      %mul3A_339 = arith.mulf %get3A_336, %mul3A_338 : vector<16xf32>
      %convert_element_type3A_340 = arith.fptosi %mul3A_339 : vector<16xf32> to vector<16xi32>
      %jit3A_341 = arith.constant 0 : i32
      %jit3A_342 = arith.constant 127 : i32
      %max3A_343 = vector.broadcast %jit3A_341 : i32 to vector<16xi32>
      %max3A_344 = arith.maxsi %max3A_343, %convert_element_type3A_340 : vector<16xi32>
      %min3A_345 = vector.broadcast %jit3A_342 : i32 to vector<16xi32>
      %min3A_346 = arith.minsi %min3A_345, %max3A_344 : vector<16xi32>
      %mul3A_347 = arith.constant 128 : i32
      %mul3A_348 = vector.broadcast %mul3A_347 : i32 to vector<16xi32>
      %mul3A_349 = arith.muli %min3A_322, %mul3A_348 : vector<16xi32>
      %add3A_350 = arith.addi %mul3A_349, %min3A_334 : vector<16xi32>
      %mul3A_351 = arith.constant 128 : i32
      %mul3A_352 = vector.broadcast %mul3A_351 : i32 to vector<16xi32>
      %mul3A_353 = arith.muli %add3A_350, %mul3A_352 : vector<16xi32>
      %add3A_354 = arith.addi %mul3A_353, %min3A_346 : vector<16xi32>
      %shift_right_logical3A_355 = arith.constant 1 : i32
      %shift_right_logical3A_356 = vector.broadcast %shift_right_logical3A_355 : i32 to vector<16xi32>
      %shift_right_logical3A_357 = arith.shrui %add3A_354, %shift_right_logical3A_356 : vector<16xi32>
      %swap3A_358 = arith.constant 0 : i32
      %swap3A_359 = arith.index_cast %swap3A_358 : i32 to index
      %swap3A_360 = arith.constant 96 : index
      %swap3A_361 = tpu.vector_load %arg10[%swap3A_359, %swap3A_360] {strides = array<i32>} : memref<4x128xi32, #tpu.memory_space<vmem>>, vector<16xi32>,
      tpu.vector_store %arg10[%swap3A_359, %swap3A_360], %shift_right_logical3A_357 {strides = array<i32>} : memref<4x128xi32, #tpu.memory_space<vmem>>, vector<16xi32>,
      %get3A_362 = arith.constant 112 : index
      %get3A_363 = tpu.vector_load %arg7[%get3A_362] {strides = array<i32>} : memref<512xf32, #tpu.memory_space<vmem>>, vector<16xf32>,
      %mul3A_364 = arith.constant 1.280000e+02 : f32
      %mul3A_365 = vector.broadcast %mul3A_364 : f32 to vector<16xf32>
      %mul3A_366 = arith.mulf %get3A_363, %mul3A_365 : vector<16xf32>
      %convert_element_type3A_367 = arith.fptosi %mul3A_366 : vector<16xf32> to vector<16xi32>
      %jit3A_368 = arith.constant 0 : i32
      %jit3A_369 = arith.constant 127 : i32
      %max3A_370 = vector.broadcast %jit3A_368 : i32 to vector<16xi32>
      %max3A_371 = arith.maxsi %max3A_370, %convert_element_type3A_367 : vector<16xi32>
      %min3A_372 = vector.broadcast %jit3A_369 : i32 to vector<16xi32>
      %min3A_373 = arith.minsi %min3A_372, %max3A_371 : vector<16xi32>
      %get3A_374 = arith.constant 112 : index
      %get3A_375 = tpu.vector_load %arg8[%get3A_374] {strides = array<i32>} : memref<512xf32, #tpu.memory_space<vmem>>, vector<16xf32>,
      %mul3A_376 = arith.constant 1.280000e+02 : f32
      %mul3A_377 = vector.broadcast %mul3A_376 : f32 to vector<16xf32>
      %mul3A_378 = arith.mulf %get3A_375, %mul3A_377 : vector<16xf32>
      %convert_element_type3A_379 = arith.fptosi %mul3A_378 : vector<16xf32> to vector<16xi32>
      %jit3A_380 = arith.constant 0 : i32
      %jit3A_381 = arith.constant 127 : i32
      %max3A_382 = vector.broadcast %jit3A_380 : i32 to vector<16xi32>
      %max3A_383 = arith.maxsi %max3A_382, %convert_element_type3A_379 : vector<16xi32>
      %min3A_384 = vector.broadcast %jit3A_381 : i32 to vector<16xi32>
      %min3A_385 = arith.minsi %min3A_384, %max3A_383 : vector<16xi32>
      %get3A_386 = arith.constant 112 : index
      %get3A_387 = tpu.vector_load %arg9[%get3A_386] {strides = array<i32>} : memref<512xf32, #tpu.memory_space<vmem>>, vector<16xf32>,
      %mul3A_388 = arith.constant 1.280000e+02 : f32
      %mul3A_389 = vector.broadcast %mul3A_388 : f32 to vector<16xf32>
      %mul3A_390 = arith.mulf %get3A_387, %mul3A_389 : vector<16xf32>
      %convert_element_type3A_391 = arith.fptosi %mul3A_390 : vector<16xf32> to vector<16xi32>
      %jit3A_392 = arith.constant 0 : i32
      %jit3A_393 = arith.constant 127 : i32
      %max3A_394 = vector.broadcast %jit3A_392 : i32 to vector<16xi32>
      %max3A_395 = arith.maxsi %max3A_394, %convert_element_type3A_391 : vector<16xi32>
      %min3A_396 = vector.broadcast %jit3A_393 : i32 to vector<16xi32>
      %min3A_397 = arith.minsi %min3A_396, %max3A_395 : vector<16xi32>
      %mul3A_398 = arith.constant 128 : i32
      %mul3A_399 = vector.broadcast %mul3A_398 : i32 to vector<16xi32>
      %mul3A_400 = arith.muli %min3A_373, %mul3A_399 : vector<16xi32>
      %add3A_401 = arith.addi %mul3A_400, %min3A_385 : vector<16xi32>
      %mul3A_402 = arith.constant 128 : i32
      %mul3A_403 = vector.broadcast %mul3A_402 : i32 to vector<16xi32>
      %mul3A_404 = arith.muli %add3A_401, %mul3A_403 : vector<16xi32>
      %add3A_405 = arith.addi %mul3A_404, %min3A_397 : vector<16xi32>
      %shift_right_logical3A_406 = arith.constant 1 : i32
      %shift_right_logical3A_407 = vector.broadcast %shift_right_logical3A_406 : i32 to vector<16xi32>
      %shift_right_logical3A_408 = arith.shrui %add3A_405, %shift_right_logical3A_407 : vector<16xi32>
      %swap3A_409 = arith.constant 0 : i32
      %swap3A_410 = arith.index_cast %swap3A_409 : i32 to index
      %swap3A_411 = arith.constant 112 : index
      %swap3A_412 = tpu.vector_load %arg10[%swap3A_410, %swap3A_411] {strides = array<i32>} : memref<4x128xi32, #tpu.memory_space<vmem>>, vector<16xi32>,
      tpu.vector_store %arg10[%swap3A_410, %swap3A_411], %shift_right_logical3A_408 {strides = array<i32>} : memref<4x128xi32, #tpu.memory_space<vmem>>, vector<16xi32>,
      %get3A_413 = arith.constant 128 : index
      %get3A_414 = tpu.vector_load %arg7[%get3A_413] {strides = array<i32>} : memref<512xf32, #tpu.memory_space<vmem>>, vector<16xf32>,
      %mul3A_415 = arith.constant 1.280000e+02 : f32
      %mul3A_416 = vector.broadcast %mul3A_415 : f32 to vector<16xf32>
      %mul3A_417 = arith.mulf %get3A_414, %mul3A_416 : vector<16xf32>
      %convert_element_type3A_418 = arith.fptosi %mul3A_417 : vector<16xf32> to vector<16xi32>
      %jit3A_419 = arith.constant 0 : i32
      %jit3A_420 = arith.constant 127 : i32
      %max3A_421 = vector.broadcast %jit3A_419 : i32 to vector<16xi32>
      %max3A_422 = arith.maxsi %max3A_421, %convert_element_type3A_418 : vector<16xi32>
      %min3A_423 = vector.broadcast %jit3A_420 : i32 to vector<16xi32>
      %min3A_424 = arith.minsi %min3A_423, %max3A_422 : vector<16xi32>
      %get3A_425 = arith.constant 128 : index
      %get3A_426 = tpu.vector_load %arg8[%get3A_425] {strides = array<i32>} : memref<512xf32, #tpu.memory_space<vmem>>, vector<16xf32>,
      %mul3A_427 = arith.constant 1.280000e+02 : f32
      %mul3A_428 = vector.broadcast %mul3A_427 : f32 to vector<16xf32>
      %mul3A_429 = arith.mulf %get3A_426, %mul3A_428 : vector<16xf32>
      %convert_element_type3A_430 = arith.fptosi %mul3A_429 : vector<16xf32> to vector<16xi32>
      %jit3A_431 = arith.constant 0 : i32
      %jit3A_432 = arith.constant 127 : i32
      %max3A_433 = vector.broadcast %jit3A_431 : i32 to vector<16xi32>
      %max3A_434 = arith.maxsi %max3A_433, %convert_element_type3A_430 : vector<16xi32>
      %min3A_435 = vector.broadcast %jit3A_432 : i32 to vector<16xi32>
      %min3A_436 = arith.minsi %min3A_435, %max3A_434 : vector<16xi32>
      %get3A_437 = arith.constant 128 : index
      %get3A_438 = tpu.vector_load %arg9[%get3A_437] {strides = array<i32>} : memref<512xf32, #tpu.memory_space<vmem>>, vector<16xf32>,
      %mul3A_439 = arith.constant 1.280000e+02 : f32
      %mul3A_440 = vector.broadcast %mul3A_439 : f32 to vector<16xf32>
      %mul3A_441 = arith.mulf %get3A_438, %mul3A_440 : vector<16xf32>
      %convert_element_type3A_442 = arith.fptosi %mul3A_441 : vector<16xf32> to vector<16xi32>
      %jit3A_443 = arith.constant 0 : i32
      %jit3A_444 = arith.constant 127 : i32
      %max3A_445 = vector.broadcast %jit3A_443 : i32 to vector<16xi32>
      %max3A_446 = arith.maxsi %max3A_445, %convert_element_type3A_442 : vector<16xi32>
      %min3A_447 = vector.broadcast %jit3A_444 : i32 to vector<16xi32>
      %min3A_448 = arith.minsi %min3A_447, %max3A_446 : vector<16xi32>
      %mul3A_449 = arith.constant 128 : i32
      %mul3A_450 = vector.broadcast %mul3A_449 : i32 to vector<16xi32>
      %mul3A_451 = arith.muli %min3A_424, %mul3A_450 : vector<16xi32>
      %add3A_452 = arith.addi %mul3A_451, %min3A_436 : vector<16xi32>
      %mul3A_453 = arith.constant 128 : i32
      %mul3A_454 = vector.broadcast %mul3A_453 : i32 to vector<16xi32>
      %mul3A_455 = arith.muli %add3A_452, %mul3A_454 : vector<16xi32>
      %add3A_456 = arith.addi %mul3A_455, %min3A_448 : vector<16xi32>
      %shift_right_logical3A_457 = arith.constant 1 : i32
      %shift_right_logical3A_458 = vector.broadcast %shift_right_logical3A_457 : i32 to vector<16xi32>
      %shift_right_logical3A_459 = arith.shrui %add3A_456, %shift_right_logical3A_458 : vector<16xi32>
      %swap3A_460 = arith.constant 1 : i32
      %swap3A_461 = arith.index_cast %swap3A_460 : i32 to index
      %swap3A_462 = arith.constant 0 : index
      %swap3A_463 = tpu.vector_load %arg10[%swap3A_461, %swap3A_462] {strides = array<i32>} : memref<4x128xi32, #tpu.memory_space<vmem>>, vector<16xi32>,
      tpu.vector_store %arg10[%swap3A_461, %swap3A_462], %shift_right_logical3A_459 {strides = array<i32>} : memref<4x128xi32, #tpu.memory_space<vmem>>, vector<16xi32>,
      %get3A_464 = arith.constant 144 : index
      %get3A_465 = tpu.vector_load %arg7[%get3A_464] {strides = array<i32>} : memref<512xf32, #tpu.memory_space<vmem>>, vector<16xf32>,
      %mul3A_466 = arith.constant 1.280000e+02 : f32
      %mul3A_467 = vector.broadcast %mul3A_466 : f32 to vector<16xf32>
      %mul3A_468 = arith.mulf %get3A_465, %mul3A_467 : vector<16xf32>
      %convert_element_type3A_469 = arith.fptosi %mul3A_468 : vector<16xf32> to vector<16xi32>
      %jit3A_470 = arith.constant 0 : i32
      %jit3A_471 = arith.constant 127 : i32
      %max3A_472 = vector.broadcast %jit3A_470 : i32 to vector<16xi32>
      %max3A_473 = arith.maxsi %max3A_472, %convert_element_type3A_469 : vector<16xi32>
      %min3A_474 = vector.broadcast %jit3A_471 : i32 to vector<16xi32>
      %min3A_475 = arith.minsi %min3A_474, %max3A_473 : vector<16xi32>
      %get3A_476 = arith.constant 144 : index
      %get3A_477 = tpu.vector_load %arg8[%get3A_476] {strides = array<i32>} : memref<512xf32, #tpu.memory_space<vmem>>, vector<16xf32>,
      %mul3A_478 = arith.constant 1.280000e+02 : f32
      %mul3A_479 = vector.broadcast %mul3A_478 : f32 to vector<16xf32>
      %mul3A_480 = arith.mulf %get3A_477, %mul3A_479 : vector<16xf32>
      %convert_element_type3A_481 = arith.fptosi %mul3A_480 : vector<16xf32> to vector<16xi32>
      %jit3A_482 = arith.constant 0 : i32
      %jit3A_483 = arith.constant 127 : i32
      %max3A_484 = vector.broadcast %jit3A_482 : i32 to vector<16xi32>
      %max3A_485 = arith.maxsi %max3A_484, %convert_element_type3A_481 : vector<16xi32>
      %min3A_486 = vector.broadcast %jit3A_483 : i32 to vector<16xi32>
      %min3A_487 = arith.minsi %min3A_486, %max3A_485 : vector<16xi32>
      %get3A_488 = arith.constant 144 : index
      %get3A_489 = tpu.vector_load %arg9[%get3A_488] {strides = array<i32>} : memref<512xf32, #tpu.memory_space<vmem>>, vector<16xf32>,
      %mul3A_490 = arith.constant 1.280000e+02 : f32
      %mul3A_491 = vector.broadcast %mul3A_490 : f32 to vector<16xf32>
      %mul3A_492 = arith.mulf %get3A_489, %mul3A_491 : vector<16xf32>
      %convert_element_type3A_493 = arith.fptosi %mul3A_492 : vector<16xf32> to vector<16xi32>
      %jit3A_494 = arith.constant 0 : i32
      %jit3A_495 = arith.constant 127 : i32
      %max3A_496 = vector.broadcast %jit3A_494 : i32 to vector<16xi32>
      %max3A_497 = arith.maxsi %max3A_496, %convert_element_type3A_493 : vector<16xi32>
      %min3A_498 = vector.broadcast %jit3A_495 : i32 to vector<16xi32>
      %min3A_499 = arith.minsi %min3A_498, %max3A_497 : vector<16xi32>
      %mul3A_500 = arith.constant 128 : i32
      %mul3A_501 = vector.broadcast %mul3A_500 : i32 to vector<16xi32>
      %mul3A_502 = arith.muli %min3A_475, %mul3A_501 : vector<16xi32>
      %add3A_503 = arith.addi %mul3A_502, %min3A_487 : vector<16xi32>
      %mul3A_504 = arith.constant 128 : i32
      %mul3A_505 = vector.broadcast %mul3A_504 : i32 to vector<16xi32>
      %mul3A_506 = arith.muli %add3A_503, %mul3A_505 : vector<16xi32>
      %add3A_507 = arith.addi %mul3A_506, %min3A_499 : vector<16xi32>
      %shift_right_logical3A_508 = arith.constant 1 : i32
      %shift_right_logical3A_509 = vector.broadcast %shift_right_logical3A_508 : i32 to vector<16xi32>
      %shift_right_logical3A_510 = arith.shrui %add3A_507, %shift_right_logical3A_509 : vector<16xi32>
      %swap3A_511 = arith.constant 1 : i32
      %swap3A_512 = arith.index_cast %swap3A_511 : i32 to index
      %swap3A_513 = arith.constant 16 : index
      %swap3A_514 = tpu.vector_load %arg10[%swap3A_512, %swap3A_513] {strides = array<i32>} : memref<4x128xi32, #tpu.memory_space<vmem>>, vector<16xi32>,
      tpu.vector_store %arg10[%swap3A_512, %swap3A_513], %shift_right_logical3A_510 {strides = array<i32>} : memref<4x128xi32, #tpu.memory_space<vmem>>, vector<16xi32>,
      %get3A_515 = arith.constant 160 : index
      %get3A_516 = tpu.vector_load %arg7[%get3A_515] {strides = array<i32>} : memref<512xf32, #tpu.memory_space<vmem>>, vector<16xf32>,
      %mul3A_517 = arith.constant 1.280000e+02 : f32
      %mul3A_518 = vector.broadcast %mul3A_517 : f32 to vector<16xf32>
      %mul3A_519 = arith.mulf %get3A_516, %mul3A_518 : vector<16xf32>
      %convert_element_type3A_520 = arith.fptosi %mul3A_519 : vector<16xf32> to vector<16xi32>
      %jit3A_521 = arith.constant 0 : i32
      %jit3A_522 = arith.constant 127 : i32
      %max3A_523 = vector.broadcast %jit3A_521 : i32 to vector<16xi32>
      %max3A_524 = arith.maxsi %max3A_523, %convert_element_type3A_520 : vector<16xi32>
      %min3A_525 = vector.broadcast %jit3A_522 : i32 to vector<16xi32>
      %min3A_526 = arith.minsi %min3A_525, %max3A_524 : vector<16xi32>
      %get3A_527 = arith.constant 160 : index
      %get3A_528 = tpu.vector_load %arg8[%get3A_527] {strides = array<i32>} : memref<512xf32, #tpu.memory_space<vmem>>, vector<16xf32>,
      %mul3A_529 = arith.constant 1.280000e+02 : f32
      %mul3A_530 = vector.broadcast %mul3A_529 : f32 to vector<16xf32>
      %mul3A_531 = arith.mulf %get3A_528, %mul3A_530 : vector<16xf32>
      %convert_element_type3A_532 = arith.fptosi %mul3A_531 : vector<16xf32> to vector<16xi32>
      %jit3A_533 = arith.constant 0 : i32
      %jit3A_534 = arith.constant 127 : i32
      %max3A_535 = vector.broadcast %jit3A_533 : i32 to vector<16xi32>
      %max3A_536 = arith.maxsi %max3A_535, %convert_element_type3A_532 : vector<16xi32>
      %min3A_537 = vector.broadcast %jit3A_534 : i32 to vector<16xi32>
      %min3A_538 = arith.minsi %min3A_537, %max3A_536 : vector<16xi32>
      %get3A_539 = arith.constant 160 : index
      %get3A_540 = tpu.vector_load %arg9[%get3A_539] {strides = array<i32>} : memref<512xf32, #tpu.memory_space<vmem>>, vector<16xf32>,
      %mul3A_541 = arith.constant 1.280000e+02 : f32
      %mul3A_542 = vector.broadcast %mul3A_541 : f32 to vector<16xf32>
      %mul3A_543 = arith.mulf %get3A_540, %mul3A_542 : vector<16xf32>
      %convert_element_type3A_544 = arith.fptosi %mul3A_543 : vector<16xf32> to vector<16xi32>
      %jit3A_545 = arith.constant 0 : i32
      %jit3A_546 = arith.constant 127 : i32
      %max3A_547 = vector.broadcast %jit3A_545 : i32 to vector<16xi32>
      %max3A_548 = arith.maxsi %max3A_547, %convert_element_type3A_544 : vector<16xi32>
      %min3A_549 = vector.broadcast %jit3A_546 : i32 to vector<16xi32>
      %min3A_550 = arith.minsi %min3A_549, %max3A_548 : vector<16xi32>
      %mul3A_551 = arith.constant 128 : i32
      %mul3A_552 = vector.broadcast %mul3A_551 : i32 to vector<16xi32>
      %mul3A_553 = arith.muli %min3A_526, %mul3A_552 : vector<16xi32>
      %add3A_554 = arith.addi %mul3A_553, %min3A_538 : vector<16xi32>
      %mul3A_555 = arith.constant 128 : i32
      %mul3A_556 = vector.broadcast %mul3A_555 : i32 to vector<16xi32>
      %mul3A_557 = arith.muli %add3A_554, %mul3A_556 : vector<16xi32>
      %add3A_558 = arith.addi %mul3A_557, %min3A_550 : vector<16xi32>
      %shift_right_logical3A_559 = arith.constant 1 : i32
      %shift_right_logical3A_560 = vector.broadcast %shift_right_logical3A_559 : i32 to vector<16xi32>
      %shift_right_logical3A_561 = arith.shrui %add3A_558, %shift_right_logical3A_560 : vector<16xi32>
      %swap3A_562 = arith.constant 1 : i32
      %swap3A_563 = arith.index_cast %swap3A_562 : i32 to index
      %swap3A_564 = arith.constant 32 : index
      %swap3A_565 = tpu.vector_load %arg10[%swap3A_563, %swap3A_564] {strides = array<i32>} : memref<4x128xi32, #tpu.memory_space<vmem>>, vector<16xi32>,
      tpu.vector_store %arg10[%swap3A_563, %swap3A_564], %shift_right_logical3A_561 {strides = array<i32>} : memref<4x128xi32, #tpu.memory_space<vmem>>, vector<16xi32>,
      %get3A_566 = arith.constant 176 : index
      %get3A_567 = tpu.vector_load %arg7[%get3A_566] {strides = array<i32>} : memref<512xf32, #tpu.memory_space<vmem>>, vector<16xf32>,
      %mul3A_568 = arith.constant 1.280000e+02 : f32
      %mul3A_569 = vector.broadcast %mul3A_568 : f32 to vector<16xf32>
      %mul3A_570 = arith.mulf %get3A_567, %mul3A_569 : vector<16xf32>
      %convert_element_type3A_571 = arith.fptosi %mul3A_570 : vector<16xf32> to vector<16xi32>
      %jit3A_572 = arith.constant 0 : i32
      %jit3A_573 = arith.constant 127 : i32
      %max3A_574 = vector.broadcast %jit3A_572 : i32 to vector<16xi32>
      %max3A_575 = arith.maxsi %max3A_574, %convert_element_type3A_571 : vector<16xi32>
      %min3A_576 = vector.broadcast %jit3A_573 : i32 to vector<16xi32>
      %min3A_577 = arith.minsi %min3A_576, %max3A_575 : vector<16xi32>
      %get3A_578 = arith.constant 176 : index
      %get3A_579 = tpu.vector_load %arg8[%get3A_578] {strides = array<i32>} : memref<512xf32, #tpu.memory_space<vmem>>, vector<16xf32>,
      %mul3A_580 = arith.constant 1.280000e+02 : f32
      %mul3A_581 = vector.broadcast %mul3A_580 : f32 to vector<16xf32>
      %mul3A_582 = arith.mulf %get3A_579, %mul3A_581 : vector<16xf32>
      %convert_element_type3A_583 = arith.fptosi %mul3A_582 : vector<16xf32> to vector<16xi32>
      %jit3A_584 = arith.constant 0 : i32
      %jit3A_585 = arith.constant 127 : i32
      %max3A_586 = vector.broadcast %jit3A_584 : i32 to vector<16xi32>
      %max3A_587 = arith.maxsi %max3A_586, %convert_element_type3A_583 : vector<16xi32>
      %min3A_588 = vector.broadcast %jit3A_585 : i32 to vector<16xi32>
      %min3A_589 = arith.minsi %min3A_588, %max3A_587 : vector<16xi32>
      %get3A_590 = arith.constant 176 : index
      %get3A_591 = tpu.vector_load %arg9[%get3A_590] {strides = array<i32>} : memref<512xf32, #tpu.memory_space<vmem>>, vector<16xf32>,
      %mul3A_592 = arith.constant 1.280000e+02 : f32
      %mul3A_593 = vector.broadcast %mul3A_592 : f32 to vector<16xf32>
      %mul3A_594 = arith.mulf %get3A_591, %mul3A_593 : vector<16xf32>
      %convert_element_type3A_595 = arith.fptosi %mul3A_594 : vector<16xf32> to vector<16xi32>
      %jit3A_596 = arith.constant 0 : i32
      %jit3A_597 = arith.constant 127 : i32
      %max3A_598 = vector.broadcast %jit3A_596 : i32 to vector<16xi32>
      %max3A_599 = arith.maxsi %max3A_598, %convert_element_type3A_595 : vector<16xi32>
      %min3A_600 = vector.broadcast %jit3A_597 : i32 to vector<16xi32>
      %min3A_601 = arith.minsi %min3A_600, %max3A_599 : vector<16xi32>
      %mul3A_602 = arith.constant 128 : i32
      %mul3A_603 = vector.broadcast %mul3A_602 : i32 to vector<16xi32>
      %mul3A_604 = arith.muli %min3A_577, %mul3A_603 : vector<16xi32>
      %add3A_605 = arith.addi %mul3A_604, %min3A_589 : vector<16xi32>
      %mul3A_606 = arith.constant 128 : i32
      %mul3A_607 = vector.broadcast %mul3A_606 : i32 to vector<16xi32>
      %mul3A_608 = arith.muli %add3A_605, %mul3A_607 : vector<16xi32>
      %add3A_609 = arith.addi %mul3A_608, %min3A_601 : vector<16xi32>
      %shift_right_logical3A_610 = arith.constant 1 : i32
      %shift_right_logical3A_611 = vector.broadcast %shift_right_logical3A_610 : i32 to vector<16xi32>
      %shift_right_logical3A_612 = arith.shrui %add3A_609, %shift_right_logical3A_611 : vector<16xi32>
      %swap3A_613 = arith.constant 1 : i32
      %swap3A_614 = arith.index_cast %swap3A_613 : i32 to index
      %swap3A_615 = arith.constant 48 : index
      %swap3A_616 = tpu.vector_load %arg10[%swap3A_614, %swap3A_615] {strides = array<i32>} : memref<4x128xi32, #tpu.memory_space<vmem>>, vector<16xi32>,
      tpu.vector_store %arg10[%swap3A_614, %swap3A_615], %shift_right_logical3A_612 {strides = array<i32>} : memref<4x128xi32, #tpu.memory_space<vmem>>, vector<16xi32>,
      %get3A_617 = arith.constant 192 : index
      %get3A_618 = tpu.vector_load %arg7[%get3A_617] {strides = array<i32>} : memref<512xf32, #tpu.memory_space<vmem>>, vector<16xf32>,
      %mul3A_619 = arith.constant 1.280000e+02 : f32
      %mul3A_620 = vector.broadcast %mul3A_619 : f32 to vector<16xf32>
      %mul3A_621 = arith.mulf %get3A_618, %mul3A_620 : vector<16xf32>
      %convert_element_type3A_622 = arith.fptosi %mul3A_621 : vector<16xf32> to vector<16xi32>
      %jit3A_623 = arith.constant 0 : i32
      %jit3A_624 = arith.constant 127 : i32
      %max3A_625 = vector.broadcast %jit3A_623 : i32 to vector<16xi32>
      %max3A_626 = arith.maxsi %max3A_625, %convert_element_type3A_622 : vector<16xi32>
      %min3A_627 = vector.broadcast %jit3A_624 : i32 to vector<16xi32>
      %min3A_628 = arith.minsi %min3A_627, %max3A_626 : vector<16xi32>
      %get3A_629 = arith.constant 192 : index
      %get3A_630 = tpu.vector_load %arg8[%get3A_629] {strides = array<i32>} : memref<512xf32, #tpu.memory_space<vmem>>, vector<16xf32>,
      %mul3A_631 = arith.constant 1.280000e+02 : f32
      %mul3A_632 = vector.broadcast %mul3A_631 : f32 to vector<16xf32>
      %mul3A_633 = arith.mulf %get3A_630, %mul3A_632 : vector<16xf32>
      %convert_element_type3A_634 = arith.fptosi %mul3A_633 : vector<16xf32> to vector<16xi32>
      %jit3A_635 = arith.constant 0 : i32
      %jit3A_636 = arith.constant 127 : i32
      %max3A_637 = vector.broadcast %jit3A_635 : i32 to vector<16xi32>
      %max3A_638 = arith.maxsi %max3A_637, %convert_element_type3A_634 : vector<16xi32>
      %min3A_639 = vector.broadcast %jit3A_636 : i32 to vector<16xi32>
      %min3A_640 = arith.minsi %min3A_639, %max3A_638 : vector<16xi32>
      %get3A_641 = arith.constant 192 : index
      %get3A_642 = tpu.vector_load %arg9[%get3A_641] {strides = array<i32>} : memref<512xf32, #tpu.memory_space<vmem>>, vector<16xf32>,
      %mul3A_643 = arith.constant 1.280000e+02 : f32
      %mul3A_644 = vector.broadcast %mul3A_643 : f32 to vector<16xf32>
      %mul3A_645 = arith.mulf %get3A_642, %mul3A_644 : vector<16xf32>
      %convert_element_type3A_646 = arith.fptosi %mul3A_645 : vector<16xf32> to vector<16xi32>
      %jit3A_647 = arith.constant 0 : i32
      %jit3A_648 = arith.constant 127 : i32
      %max3A_649 = vector.broadcast %jit3A_647 : i32 to vector<16xi32>
      %max3A_650 = arith.maxsi %max3A_649, %convert_element_type3A_646 : vector<16xi32>
      %min3A_651 = vector.broadcast %jit3A_648 : i32 to vector<16xi32>
      %min3A_652 = arith.minsi %min3A_651, %max3A_650 : vector<16xi32>
      %mul3A_653 = arith.constant 128 : i32
      %mul3A_654 = vector.broadcast %mul3A_653 : i32 to vector<16xi32>
      %mul3A_655 = arith.muli %min3A_628, %mul3A_654 : vector<16xi32>
      %add3A_656 = arith.addi %mul3A_655, %min3A_640 : vector<16xi32>
      %mul3A_657 = arith.constant 128 : i32
      %mul3A_658 = vector.broadcast %mul3A_657 : i32 to vector<16xi32>
      %mul3A_659 = arith.muli %add3A_656, %mul3A_658 : vector<16xi32>
      %add3A_660 = arith.addi %mul3A_659, %min3A_652 : vector<16xi32>
      %shift_right_logical3A_661 = arith.constant 1 : i32
      %shift_right_logical3A_662 = vector.broadcast %shift_right_logical3A_661 : i32 to vector<16xi32>
      %shift_right_logical3A_663 = arith.shrui %add3A_660, %shift_right_logical3A_662 : vector<16xi32>
      %swap3A_664 = arith.constant 1 : i32
      %swap3A_665 = arith.index_cast %swap3A_664 : i32 to index
      %swap3A_666 = arith.constant 64 : index
      %swap3A_667 = tpu.vector_load %arg10[%swap3A_665, %swap3A_666] {strides = array<i32>} : memref<4x128xi32, #tpu.memory_space<vmem>>, vector<16xi32>,
      tpu.vector_store %arg10[%swap3A_665, %swap3A_666], %shift_right_logical3A_663 {strides = array<i32>} : memref<4x128xi32, #tpu.memory_space<vmem>>, vector<16xi32>,
      %get3A_668 = arith.constant 208 : index
      %get3A_669 = tpu.vector_load %arg7[%get3A_668] {strides = array<i32>} : memref<512xf32, #tpu.memory_space<vmem>>, vector<16xf32>,
      %mul3A_670 = arith.constant 1.280000e+02 : f32
      %mul3A_671 = vector.broadcast %mul3A_670 : f32 to vector<16xf32>
      %mul3A_672 = arith.mulf %get3A_669, %mul3A_671 : vector<16xf32>
      %convert_element_type3A_673 = arith.fptosi %mul3A_672 : vector<16xf32> to vector<16xi32>
      %jit3A_674 = arith.constant 0 : i32
      %jit3A_675 = arith.constant 127 : i32
      %max3A_676 = vector.broadcast %jit3A_674 : i32 to vector<16xi32>
      %max3A_677 = arith.maxsi %max3A_676, %convert_element_type3A_673 : vector<16xi32>
      %min3A_678 = vector.broadcast %jit3A_675 : i32 to vector<16xi32>
      %min3A_679 = arith.minsi %min3A_678, %max3A_677 : vector<16xi32>
      %get3A_680 = arith.constant 208 : index
      %get3A_681 = tpu.vector_load %arg8[%get3A_680] {strides = array<i32>} : memref<512xf32, #tpu.memory_space<vmem>>, vector<16xf32>,
      %mul3A_682 = arith.constant 1.280000e+02 : f32
      %mul3A_683 = vector.broadcast %mul3A_682 : f32 to vector<16xf32>
      %mul3A_684 = arith.mulf %get3A_681, %mul3A_683 : vector<16xf32>
      %convert_element_type3A_685 = arith.fptosi %mul3A_684 : vector<16xf32> to vector<16xi32>
      %jit3A_686 = arith.constant 0 : i32
      %jit3A_687 = arith.constant 127 : i32
      %max3A_688 = vector.broadcast %jit3A_686 : i32 to vector<16xi32>
      %max3A_689 = arith.maxsi %max3A_688, %convert_element_type3A_685 : vector<16xi32>
      %min3A_690 = vector.broadcast %jit3A_687 : i32 to vector<16xi32>
      %min3A_691 = arith.minsi %min3A_690, %max3A_689 : vector<16xi32>
      %get3A_692 = arith.constant 208 : index
      %get3A_693 = tpu.vector_load %arg9[%get3A_692] {strides = array<i32>} : memref<512xf32, #tpu.memory_space<vmem>>, vector<16xf32>,
      %mul3A_694 = arith.constant 1.280000e+02 : f32
      %mul3A_695 = vector.broadcast %mul3A_694 : f32 to vector<16xf32>
      %mul3A_696 = arith.mulf %get3A_693, %mul3A_695 : vector<16xf32>
      %convert_element_type3A_697 = arith.fptosi %mul3A_696 : vector<16xf32> to vector<16xi32>
      %jit3A_698 = arith.constant 0 : i32
      %jit3A_699 = arith.constant 127 : i32
      %max3A_700 = vector.broadcast %jit3A_698 : i32 to vector<16xi32>
      %max3A_701 = arith.maxsi %max3A_700, %convert_element_type3A_697 : vector<16xi32>
      %min3A_702 = vector.broadcast %jit3A_699 : i32 to vector<16xi32>
      %min3A_703 = arith.minsi %min3A_702, %max3A_701 : vector<16xi32>
      %mul3A_704 = arith.constant 128 : i32
      %mul3A_705 = vector.broadcast %mul3A_704 : i32 to vector<16xi32>
      %mul3A_706 = arith.muli %min3A_679, %mul3A_705 : vector<16xi32>
      %add3A_707 = arith.addi %mul3A_706, %min3A_691 : vector<16xi32>
      %mul3A_708 = arith.constant 128 : i32
      %mul3A_709 = vector.broadcast %mul3A_708 : i32 to vector<16xi32>
      %mul3A_710 = arith.muli %add3A_707, %mul3A_709 : vector<16xi32>
      %add3A_711 = arith.addi %mul3A_710, %min3A_703 : vector<16xi32>
      %shift_right_logical3A_712 = arith.constant 1 : i32
      %shift_right_logical3A_713 = vector.broadcast %shift_right_logical3A_712 : i32 to vector<16xi32>
      %shift_right_logical3A_714 = arith.shrui %add3A_711, %shift_right_logical3A_713 : vector<16xi32>
      %swap3A_715 = arith.constant 1 : i32
      %swap3A_716 = arith.index_cast %swap3A_715 : i32 to index
      %swap3A_717 = arith.constant 80 : index
      %swap3A_718 = tpu.vector_load %arg10[%swap3A_716, %swap3A_717] {strides = array<i32>} : memref<4x128xi32, #tpu.memory_space<vmem>>, vector<16xi32>,
      tpu.vector_store %arg10[%swap3A_716, %swap3A_717], %shift_right_logical3A_714 {strides = array<i32>} : memref<4x128xi32, #tpu.memory_space<vmem>>, vector<16xi32>,
      %get3A_719 = arith.constant 224 : index
      %get3A_720 = tpu.vector_load %arg7[%get3A_719] {strides = array<i32>} : memref<512xf32, #tpu.memory_space<vmem>>, vector<16xf32>,
      %mul3A_721 = arith.constant 1.280000e+02 : f32
      %mul3A_722 = vector.broadcast %mul3A_721 : f32 to vector<16xf32>
      %mul3A_723 = arith.mulf %get3A_720, %mul3A_722 : vector<16xf32>
      %convert_element_type3A_724 = arith.fptosi %mul3A_723 : vector<16xf32> to vector<16xi32>
      %jit3A_725 = arith.constant 0 : i32
      %jit3A_726 = arith.constant 127 : i32
      %max3A_727 = vector.broadcast %jit3A_725 : i32 to vector<16xi32>
      %max3A_728 = arith.maxsi %max3A_727, %convert_element_type3A_724 : vector<16xi32>
      %min3A_729 = vector.broadcast %jit3A_726 : i32 to vector<16xi32>
      %min3A_730 = arith.minsi %min3A_729, %max3A_728 : vector<16xi32>
      %get3A_731 = arith.constant 224 : index
      %get3A_732 = tpu.vector_load %arg8[%get3A_731] {strides = array<i32>} : memref<512xf32, #tpu.memory_space<vmem>>, vector<16xf32>,
      %mul3A_733 = arith.constant 1.280000e+02 : f32
      %mul3A_734 = vector.broadcast %mul3A_733 : f32 to vector<16xf32>
      %mul3A_735 = arith.mulf %get3A_732, %mul3A_734 : vector<16xf32>
      %convert_element_type3A_736 = arith.fptosi %mul3A_735 : vector<16xf32> to vector<16xi32>
      %jit3A_737 = arith.constant 0 : i32
      %jit3A_738 = arith.constant 127 : i32
      %max3A_739 = vector.broadcast %jit3A_737 : i32 to vector<16xi32>
      %max3A_740 = arith.maxsi %max3A_739, %convert_element_type3A_736 : vector<16xi32>
      %min3A_741 = vector.broadcast %jit3A_738 : i32 to vector<16xi32>
      %min3A_742 = arith.minsi %min3A_741, %max3A_740 : vector<16xi32>
      %get3A_743 = arith.constant 224 : index
      %get3A_744 = tpu.vector_load %arg9[%get3A_743] {strides = array<i32>} : memref<512xf32, #tpu.memory_space<vmem>>, vector<16xf32>,
      %mul3A_745 = arith.constant 1.280000e+02 : f32
      %mul3A_746 = vector.broadcast %mul3A_745 : f32 to vector<16xf32>
      %mul3A_747 = arith.mulf %get3A_744, %mul3A_746 : vector<16xf32>
      %convert_element_type3A_748 = arith.fptosi %mul3A_747 : vector<16xf32> to vector<16xi32>
      %jit3A_749 = arith.constant 0 : i32
      %jit3A_750 = arith.constant 127 : i32
      %max3A_751 = vector.broadcast %jit3A_749 : i32 to vector<16xi32>
      %max3A_752 = arith.maxsi %max3A_751, %convert_element_type3A_748 : vector<16xi32>
      %min3A_753 = vector.broadcast %jit3A_750 : i32 to vector<16xi32>
      %min3A_754 = arith.minsi %min3A_753, %max3A_752 : vector<16xi32>
      %mul3A_755 = arith.constant 128 : i32
      %mul3A_756 = vector.broadcast %mul3A_755 : i32 to vector<16xi32>
      %mul3A_757 = arith.muli %min3A_730, %mul3A_756 : vector<16xi32>
      %add3A_758 = arith.addi %mul3A_757, %min3A_742 : vector<16xi32>
      %mul3A_759 = arith.constant 128 : i32
      %mul3A_760 = vector.broadcast %mul3A_759 : i32 to vector<16xi32>
      %mul3A_761 = arith.muli %add3A_758, %mul3A_760 : vector<16xi32>
      %add3A_762 = arith.addi %mul3A_761, %min3A_754 : vector<16xi32>
      %shift_right_logical3A_763 = arith.constant 1 : i32
      %shift_right_logical3A_764 = vector.broadcast %shift_right_logical3A_763 : i32 to vector<16xi32>
      %shift_right_logical3A_765 = arith.shrui %add3A_762, %shift_right_logical3A_764 : vector<16xi32>
      %swap3A_766 = arith.constant 1 : i32
      %swap3A_767 = arith.index_cast %swap3A_766 : i32 to index
      %swap3A_768 = arith.constant 96 : index
      %swap3A_769 = tpu.vector_load %arg10[%swap3A_767, %swap3A_768] {strides = array<i32>} : memref<4x128xi32, #tpu.memory_space<vmem>>, vector<16xi32>,
      tpu.vector_store %arg10[%swap3A_767, %swap3A_768], %shift_right_logical3A_765 {strides = array<i32>} : memref<4x128xi32, #tpu.memory_space<vmem>>, vector<16xi32>,
      %get3A_770 = arith.constant 240 : index
      %get3A_771 = tpu.vector_load %arg7[%get3A_770] {strides = array<i32>} : memref<512xf32, #tpu.memory_space<vmem>>, vector<16xf32>,
      %mul3A_772 = arith.constant 1.280000e+02 : f32
      %mul3A_773 = vector.broadcast %mul3A_772 : f32 to vector<16xf32>
      %mul3A_774 = arith.mulf %get3A_771, %mul3A_773 : vector<16xf32>
      %convert_element_type3A_775 = arith.fptosi %mul3A_774 : vector<16xf32> to vector<16xi32>
      %jit3A_776 = arith.constant 0 : i32
      %jit3A_777 = arith.constant 127 : i32
      %max3A_778 = vector.broadcast %jit3A_776 : i32 to vector<16xi32>
      %max3A_779 = arith.maxsi %max3A_778, %convert_element_type3A_775 : vector<16xi32>
      %min3A_780 = vector.broadcast %jit3A_777 : i32 to vector<16xi32>
      %min3A_781 = arith.minsi %min3A_780, %max3A_779 : vector<16xi32>
      %get3A_782 = arith.constant 240 : index
      %get3A_783 = tpu.vector_load %arg8[%get3A_782] {strides = array<i32>} : memref<512xf32, #tpu.memory_space<vmem>>, vector<16xf32>,
      %mul3A_784 = arith.constant 1.280000e+02 : f32
      %mul3A_785 = vector.broadcast %mul3A_784 : f32 to vector<16xf32>
      %mul3A_786 = arith.mulf %get3A_783, %mul3A_785 : vector<16xf32>
      %convert_element_type3A_787 = arith.fptosi %mul3A_786 : vector<16xf32> to vector<16xi32>
      %jit3A_788 = arith.constant 0 : i32
      %jit3A_789 = arith.constant 127 : i32
      %max3A_790 = vector.broadcast %jit3A_788 : i32 to vector<16xi32>
      %max3A_791 = arith.maxsi %max3A_790, %convert_element_type3A_787 : vector<16xi32>
      %min3A_792 = vector.broadcast %jit3A_789 : i32 to vector<16xi32>
      %min3A_793 = arith.minsi %min3A_792, %max3A_791 : vector<16xi32>
      %get3A_794 = arith.constant 240 : index
      %get3A_795 = tpu.vector_load %arg9[%get3A_794] {strides = array<i32>} : memref<512xf32, #tpu.memory_space<vmem>>, vector<16xf32>,
      %mul3A_796 = arith.constant 1.280000e+02 : f32
      %mul3A_797 = vector.broadcast %mul3A_796 : f32 to vector<16xf32>
      %mul3A_798 = arith.mulf %get3A_795, %mul3A_797 : vector<16xf32>
      %convert_element_type3A_799 = arith.fptosi %mul3A_798 : vector<16xf32> to vector<16xi32>
      %jit3A_800 = arith.constant 0 : i32
      %jit3A_801 = arith.constant 127 : i32
      %max3A_802 = vector.broadcast %jit3A_800 : i32 to vector<16xi32>
      %max3A_803 = arith.maxsi %max3A_802, %convert_element_type3A_799 : vector<16xi32>
      %min3A_804 = vector.broadcast %jit3A_801 : i32 to vector<16xi32>
      %min3A_805 = arith.minsi %min3A_804, %max3A_803 : vector<16xi32>
      %mul3A_806 = arith.constant 128 : i32
      %mul3A_807 = vector.broadcast %mul3A_806 : i32 to vector<16xi32>
      %mul3A_808 = arith.muli %min3A_781, %mul3A_807 : vector<16xi32>
      %add3A_809 = arith.addi %mul3A_808, %min3A_793 : vector<16xi32>
      %mul3A_810 = arith.constant 128 : i32
      %mul3A_811 = vector.broadcast %mul3A_810 : i32 to vector<16xi32>
      %mul3A_812 = arith.muli %add3A_809, %mul3A_811 : vector<16xi32>
      %add3A_813 = arith.addi %mul3A_812, %min3A_805 : vector<16xi32>
      %shift_right_logical3A_814 = arith.constant 1 : i32
      %shift_right_logical3A_815 = vector.broadcast %shift_right_logical3A_814 : i32 to vector<16xi32>
      %shift_right_logical3A_816 = arith.shrui %add3A_813, %shift_right_logical3A_815 : vector<16xi32>
      %swap3A_817 = arith.constant 1 : i32
      %swap3A_818 = arith.index_cast %swap3A_817 : i32 to index
      %swap3A_819 = arith.constant 112 : index
      %swap3A_820 = tpu.vector_load %arg10[%swap3A_818, %swap3A_819] {strides = array<i32>} : memref<4x128xi32, #tpu.memory_space<vmem>>, vector<16xi32>,
      tpu.vector_store %arg10[%swap3A_818, %swap3A_819], %shift_right_logical3A_816 {strides = array<i32>} : memref<4x128xi32, #tpu.memory_space<vmem>>, vector<16xi32>,
      %get3A_821 = arith.constant 256 : index
      %get3A_822 = tpu.vector_load %arg7[%get3A_821] {strides = array<i32>} : memref<512xf32, #tpu.memory_space<vmem>>, vector<16xf32>,
      %mul3A_823 = arith.constant 1.280000e+02 : f32
      %mul3A_824 = vector.broadcast %mul3A_823 : f32 to vector<16xf32>
      %mul3A_825 = arith.mulf %get3A_822, %mul3A_824 : vector<16xf32>
      %convert_element_type3A_826 = arith.fptosi %mul3A_825 : vector<16xf32> to vector<16xi32>
      %jit3A_827 = arith.constant 0 : i32
      %jit3A_828 = arith.constant 127 : i32
      %max3A_829 = vector.broadcast %jit3A_827 : i32 to vector<16xi32>
      %max3A_830 = arith.maxsi %max3A_829, %convert_element_type3A_826 : vector<16xi32>
      %min3A_831 = vector.broadcast %jit3A_828 : i32 to vector<16xi32>
      %min3A_832 = arith.minsi %min3A_831, %max3A_830 : vector<16xi32>
      %get3A_833 = arith.constant 256 : index
      %get3A_834 = tpu.vector_load %arg8[%get3A_833] {strides = array<i32>} : memref<512xf32, #tpu.memory_space<vmem>>, vector<16xf32>,
      %mul3A_835 = arith.constant 1.280000e+02 : f32
      %mul3A_836 = vector.broadcast %mul3A_835 : f32 to vector<16xf32>
      %mul3A_837 = arith.mulf %get3A_834, %mul3A_836 : vector<16xf32>
      %convert_element_type3A_838 = arith.fptosi %mul3A_837 : vector<16xf32> to vector<16xi32>
      %jit3A_839 = arith.constant 0 : i32
      %jit3A_840 = arith.constant 127 : i32
      %max3A_841 = vector.broadcast %jit3A_839 : i32 to vector<16xi32>
      %max3A_842 = arith.maxsi %max3A_841, %convert_element_type3A_838 : vector<16xi32>
      %min3A_843 = vector.broadcast %jit3A_840 : i32 to vector<16xi32>
      %min3A_844 = arith.minsi %min3A_843, %max3A_842 : vector<16xi32>
      %get3A_845 = arith.constant 256 : index
      %get3A_846 = tpu.vector_load %arg9[%get3A_845] {strides = array<i32>} : memref<512xf32, #tpu.memory_space<vmem>>, vector<16xf32>,
      %mul3A_847 = arith.constant 1.280000e+02 : f32
      %mul3A_848 = vector.broadcast %mul3A_847 : f32 to vector<16xf32>
      %mul3A_849 = arith.mulf %get3A_846, %mul3A_848 : vector<16xf32>
      %convert_element_type3A_850 = arith.fptosi %mul3A_849 : vector<16xf32> to vector<16xi32>
      %jit3A_851 = arith.constant 0 : i32
      %jit3A_852 = arith.constant 127 : i32
      %max3A_853 = vector.broadcast %jit3A_851 : i32 to vector<16xi32>
      %max3A_854 = arith.maxsi %max3A_853, %convert_element_type3A_850 : vector<16xi32>
      %min3A_855 = vector.broadcast %jit3A_852 : i32 to vector<16xi32>
      %min3A_856 = arith.minsi %min3A_855, %max3A_854 : vector<16xi32>
      %mul3A_857 = arith.constant 128 : i32
      %mul3A_858 = vector.broadcast %mul3A_857 : i32 to vector<16xi32>
      %mul3A_859 = arith.muli %min3A_832, %mul3A_858 : vector<16xi32>
      %add3A_860 = arith.addi %mul3A_859, %min3A_844 : vector<16xi32>
      %mul3A_861 = arith.constant 128 : i32
      %mul3A_862 = vector.broadcast %mul3A_861 : i32 to vector<16xi32>
      %mul3A_863 = arith.muli %add3A_860, %mul3A_862 : vector<16xi32>
      %add3A_864 = arith.addi %mul3A_863, %min3A_856 : vector<16xi32>
      %shift_right_logical3A_865 = arith.constant 1 : i32
      %shift_right_logical3A_866 = vector.broadcast %shift_right_logical3A_865 : i32 to vector<16xi32>
      %shift_right_logical3A_867 = arith.shrui %add3A_864, %shift_right_logical3A_866 : vector<16xi32>
      %swap3A_868 = arith.constant 2 : i32
      %swap3A_869 = arith.index_cast %swap3A_868 : i32 to index
      %swap3A_870 = arith.constant 0 : index
      %swap3A_871 = tpu.vector_load %arg10[%swap3A_869, %swap3A_870] {strides = array<i32>} : memref<4x128xi32, #tpu.memory_space<vmem>>, vector<16xi32>,
      tpu.vector_store %arg10[%swap3A_869, %swap3A_870], %shift_right_logical3A_867 {strides = array<i32>} : memref<4x128xi32, #tpu.memory_space<vmem>>, vector<16xi32>,
      %get3A_872 = arith.constant 272 : index
      %get3A_873 = tpu.vector_load %arg7[%get3A_872] {strides = array<i32>} : memref<512xf32, #tpu.memory_space<vmem>>, vector<16xf32>,
      %mul3A_874 = arith.constant 1.280000e+02 : f32
      %mul3A_875 = vector.broadcast %mul3A_874 : f32 to vector<16xf32>
      %mul3A_876 = arith.mulf %get3A_873, %mul3A_875 : vector<16xf32>
      %convert_element_type3A_877 = arith.fptosi %mul3A_876 : vector<16xf32> to vector<16xi32>
      %jit3A_878 = arith.constant 0 : i32
      %jit3A_879 = arith.constant 127 : i32
      %max3A_880 = vector.broadcast %jit3A_878 : i32 to vector<16xi32>
      %max3A_881 = arith.maxsi %max3A_880, %convert_element_type3A_877 : vector<16xi32>
      %min3A_882 = vector.broadcast %jit3A_879 : i32 to vector<16xi32>
      %min3A_883 = arith.minsi %min3A_882, %max3A_881 : vector<16xi32>
      %get3A_884 = arith.constant 272 : index
      %get3A_885 = tpu.vector_load %arg8[%get3A_884] {strides = array<i32>} : memref<512xf32, #tpu.memory_space<vmem>>, vector<16xf32>,
      %mul3A_886 = arith.constant 1.280000e+02 : f32
      %mul3A_887 = vector.broadcast %mul3A_886 : f32 to vector<16xf32>
      %mul3A_888 = arith.mulf %get3A_885, %mul3A_887 : vector<16xf32>
      %convert_element_type3A_889 = arith.fptosi %mul3A_888 : vector<16xf32> to vector<16xi32>
      %jit3A_890 = arith.constant 0 : i32
      %jit3A_891 = arith.constant 127 : i32
      %max3A_892 = vector.broadcast %jit3A_890 : i32 to vector<16xi32>
      %max3A_893 = arith.maxsi %max3A_892, %convert_element_type3A_889 : vector<16xi32>
      %min3A_894 = vector.broadcast %jit3A_891 : i32 to vector<16xi32>
      %min3A_895 = arith.minsi %min3A_894, %max3A_893 : vector<16xi32>
      %get3A_896 = arith.constant 272 : index
      %get3A_897 = tpu.vector_load %arg9[%get3A_896] {strides = array<i32>} : memref<512xf32, #tpu.memory_space<vmem>>, vector<16xf32>,
      %mul3A_898 = arith.constant 1.280000e+02 : f32
      %mul3A_899 = vector.broadcast %mul3A_898 : f32 to vector<16xf32>
      %mul3A_900 = arith.mulf %get3A_897, %mul3A_899 : vector<16xf32>
      %convert_element_type3A_901 = arith.fptosi %mul3A_900 : vector<16xf32> to vector<16xi32>
      %jit3A_902 = arith.constant 0 : i32
      %jit3A_903 = arith.constant 127 : i32
      %max3A_904 = vector.broadcast %jit3A_902 : i32 to vector<16xi32>
      %max3A_905 = arith.maxsi %max3A_904, %convert_element_type3A_901 : vector<16xi32>
      %min3A_906 = vector.broadcast %jit3A_903 : i32 to vector<16xi32>
      %min3A_907 = arith.minsi %min3A_906, %max3A_905 : vector<16xi32>
      %mul3A_908 = arith.constant 128 : i32
      %mul3A_909 = vector.broadcast %mul3A_908 : i32 to vector<16xi32>
      %mul3A_910 = arith.muli %min3A_883, %mul3A_909 : vector<16xi32>
      %add3A_911 = arith.addi %mul3A_910, %min3A_895 : vector<16xi32>
      %mul3A_912 = arith.constant 128 : i32
      %mul3A_913 = vector.broadcast %mul3A_912 : i32 to vector<16xi32>
      %mul3A_914 = arith.muli %add3A_911, %mul3A_913 : vector<16xi32>
      %add3A_915 = arith.addi %mul3A_914, %min3A_907 : vector<16xi32>
      %shift_right_logical3A_916 = arith.constant 1 : i32
      %shift_right_logical3A_917 = vector.broadcast %shift_right_logical3A_916 : i32 to vector<16xi32>
      %shift_right_logical3A_918 = arith.shrui %add3A_915, %shift_right_logical3A_917 : vector<16xi32>
      %swap3A_919 = arith.constant 2 : i32
      %swap3A_920 = arith.index_cast %swap3A_919 : i32 to index
      %swap3A_921 = arith.constant 16 : index
      %swap3A_922 = tpu.vector_load %arg10[%swap3A_920, %swap3A_921] {strides = array<i32>} : memref<4x128xi32, #tpu.memory_space<vmem>>, vector<16xi32>,
      tpu.vector_store %arg10[%swap3A_920, %swap3A_921], %shift_right_logical3A_918 {strides = array<i32>} : memref<4x128xi32, #tpu.memory_space<vmem>>, vector<16xi32>,
      %get3A_923 = arith.constant 288 : index
      %get3A_924 = tpu.vector_load %arg7[%get3A_923] {strides = array<i32>} : memref<512xf32, #tpu.memory_space<vmem>>, vector<16xf32>,
      %mul3A_925 = arith.constant 1.280000e+02 : f32
      %mul3A_926 = vector.broadcast %mul3A_925 : f32 to vector<16xf32>
      %mul3A_927 = arith.mulf %get3A_924, %mul3A_926 : vector<16xf32>
      %convert_element_type3A_928 = arith.fptosi %mul3A_927 : vector<16xf32> to vector<16xi32>
      %jit3A_929 = arith.constant 0 : i32
      %jit3A_930 = arith.constant 127 : i32
      %max3A_931 = vector.broadcast %jit3A_929 : i32 to vector<16xi32>
      %max3A_932 = arith.maxsi %max3A_931, %convert_element_type3A_928 : vector<16xi32>
      %min3A_933 = vector.broadcast %jit3A_930 : i32 to vector<16xi32>
      %min3A_934 = arith.minsi %min3A_933, %max3A_932 : vector<16xi32>
      %get3A_935 = arith.constant 288 : index
      %get3A_936 = tpu.vector_load %arg8[%get3A_935] {strides = array<i32>} : memref<512xf32, #tpu.memory_space<vmem>>, vector<16xf32>,
      %mul3A_937 = arith.constant 1.280000e+02 : f32
      %mul3A_938 = vector.broadcast %mul3A_937 : f32 to vector<16xf32>
      %mul3A_939 = arith.mulf %get3A_936, %mul3A_938 : vector<16xf32>
      %convert_element_type3A_940 = arith.fptosi %mul3A_939 : vector<16xf32> to vector<16xi32>
      %jit3A_941 = arith.constant 0 : i32
      %jit3A_942 = arith.constant 127 : i32
      %max3A_943 = vector.broadcast %jit3A_941 : i32 to vector<16xi32>
      %max3A_944 = arith.maxsi %max3A_943, %convert_element_type3A_940 : vector<16xi32>
      %min3A_945 = vector.broadcast %jit3A_942 : i32 to vector<16xi32>
      %min3A_946 = arith.minsi %min3A_945, %max3A_944 : vector<16xi32>
      %get3A_947 = arith.constant 288 : index
      %get3A_948 = tpu.vector_load %arg9[%get3A_947] {strides = array<i32>} : memref<512xf32, #tpu.memory_space<vmem>>, vector<16xf32>,
      %mul3A_949 = arith.constant 1.280000e+02 : f32
      %mul3A_950 = vector.broadcast %mul3A_949 : f32 to vector<16xf32>
      %mul3A_951 = arith.mulf %get3A_948, %mul3A_950 : vector<16xf32>
      %convert_element_type3A_952 = arith.fptosi %mul3A_951 : vector<16xf32> to vector<16xi32>
      %jit3A_953 = arith.constant 0 : i32
      %jit3A_954 = arith.constant 127 : i32
      %max3A_955 = vector.broadcast %jit3A_953 : i32 to vector<16xi32>
      %max3A_956 = arith.maxsi %max3A_955, %convert_element_type3A_952 : vector<16xi32>
      %min3A_957 = vector.broadcast %jit3A_954 : i32 to vector<16xi32>
      %min3A_958 = arith.minsi %min3A_957, %max3A_956 : vector<16xi32>
      %mul3A_959 = arith.constant 128 : i32
      %mul3A_960 = vector.broadcast %mul3A_959 : i32 to vector<16xi32>
      %mul3A_961 = arith.muli %min3A_934, %mul3A_960 : vector<16xi32>
      %add3A_962 = arith.addi %mul3A_961, %min3A_946 : vector<16xi32>
      %mul3A_963 = arith.constant 128 : i32
      %mul3A_964 = vector.broadcast %mul3A_963 : i32 to vector<16xi32>
      %mul3A_965 = arith.muli %add3A_962, %mul3A_964 : vector<16xi32>
      %add3A_966 = arith.addi %mul3A_965, %min3A_958 : vector<16xi32>
      %shift_right_logical3A_967 = arith.constant 1 : i32
      %shift_right_logical3A_968 = vector.broadcast %shift_right_logical3A_967 : i32 to vector<16xi32>
      %shift_right_logical3A_969 = arith.shrui %add3A_966, %shift_right_logical3A_968 : vector<16xi32>
      %swap3A_970 = arith.constant 2 : i32
      %swap3A_971 = arith.index_cast %swap3A_970 : i32 to index
      %swap3A_972 = arith.constant 32 : index
      %swap3A_973 = tpu.vector_load %arg10[%swap3A_971, %swap3A_972] {strides = array<i32>} : memref<4x128xi32, #tpu.memory_space<vmem>>, vector<16xi32>,
      tpu.vector_store %arg10[%swap3A_971, %swap3A_972], %shift_right_logical3A_969 {strides = array<i32>} : memref<4x128xi32, #tpu.memory_space<vmem>>, vector<16xi32>,
      %get3A_974 = arith.constant 304 : index
      %get3A_975 = tpu.vector_load %arg7[%get3A_974] {strides = array<i32>} : memref<512xf32, #tpu.memory_space<vmem>>, vector<16xf32>,
      %mul3A_976 = arith.constant 1.280000e+02 : f32
      %mul3A_977 = vector.broadcast %mul3A_976 : f32 to vector<16xf32>
      %mul3A_978 = arith.mulf %get3A_975, %mul3A_977 : vector<16xf32>
      %convert_element_type3A_979 = arith.fptosi %mul3A_978 : vector<16xf32> to vector<16xi32>
      %jit3A_980 = arith.constant 0 : i32
      %jit3A_981 = arith.constant 127 : i32
      %max3A_982 = vector.broadcast %jit3A_980 : i32 to vector<16xi32>
      %max3A_983 = arith.maxsi %max3A_982, %convert_element_type3A_979 : vector<16xi32>
      %min3A_984 = vector.broadcast %jit3A_981 : i32 to vector<16xi32>
      %min3A_985 = arith.minsi %min3A_984, %max3A_983 : vector<16xi32>
      %get3A_986 = arith.constant 304 : index
      %get3A_987 = tpu.vector_load %arg8[%get3A_986] {strides = array<i32>} : memref<512xf32, #tpu.memory_space<vmem>>, vector<16xf32>,
      %mul3A_988 = arith.constant 1.280000e+02 : f32
      %mul3A_989 = vector.broadcast %mul3A_988 : f32 to vector<16xf32>
      %mul3A_990 = arith.mulf %get3A_987, %mul3A_989 : vector<16xf32>
      %convert_element_type3A_991 = arith.fptosi %mul3A_990 : vector<16xf32> to vector<16xi32>
      %jit3A_992 = arith.constant 0 : i32
      %jit3A_993 = arith.constant 127 : i32
      %max3A_994 = vector.broadcast %jit3A_992 : i32 to vector<16xi32>
      %max3A_995 = arith.maxsi %max3A_994, %convert_element_type3A_991 : vector<16xi32>
      %min3A_996 = vector.broadcast %jit3A_993 : i32 to vector<16xi32>
      %min3A_997 = arith.minsi %min3A_996, %max3A_995 : vector<16xi32>
      %get3A_998 = arith.constant 304 : index
      %get3A_999 = tpu.vector_load %arg9[%get3A_998] {strides = array<i32>} : memref<512xf32, #tpu.memory_space<vmem>>, vector<16xf32>,
      %mul3A_1000 = arith.constant 1.280000e+02 : f32
      %mul3A_1001 = vector.broadcast %mul3A_1000 : f32 to vector<16xf32>
      %mul3A_1002 = arith.mulf %get3A_999, %mul3A_1001 : vector<16xf32>
      %convert_element_type3A_1003 = arith.fptosi %mul3A_1002 : vector<16xf32> to vector<16xi32>
      %jit3A_1004 = arith.constant 0 : i32
      %jit3A_1005 = arith.constant 127 : i32
      %max3A_1006 = vector.broadcast %jit3A_1004 : i32 to vector<16xi32>
      %max3A_1007 = arith.maxsi %max3A_1006, %convert_element_type3A_1003 : vector<16xi32>
      %min3A_1008 = vector.broadcast %jit3A_1005 : i32 to vector<16xi32>
      %min3A_1009 = arith.minsi %min3A_1008, %max3A_1007 : vector<16xi32>
      %mul3A_1010 = arith.constant 128 : i32
      %mul3A_1011 = vector.broadcast %mul3A_1010 : i32 to vector<16xi32>
      %mul3A_1012 = arith.muli %min3A_985, %mul3A_1011 : vector<16xi32>
      %add3A_1013 = arith.addi %mul3A_1012, %min3A_997 : vector<16xi32>
      %mul3A_1014 = arith.constant 128 : i32
      %mul3A_1015 = vector.broadcast %mul3A_1014 : i32 to vector<16xi32>
      %mul3A_1016 = arith.muli %add3A_1013, %mul3A_1015 : vector<16xi32>
      %add3A_1017 = arith.addi %mul3A_1016, %min3A_1009 : vector<16xi32>
      %shift_right_logical3A_1018 = arith.constant 1 : i32
      %shift_right_logical3A_1019 = vector.broadcast %shift_right_logical3A_1018 : i32 to vector<16xi32>
      %shift_right_logical3A_1020 = arith.shrui %add3A_1017, %shift_right_logical3A_1019 : vector<16xi32>
      %swap3A_1021 = arith.constant 2 : i32
      %swap3A_1022 = arith.index_cast %swap3A_1021 : i32 to index
      %swap3A_1023 = arith.constant 48 : index
      %swap3A_1024 = tpu.vector_load %arg10[%swap3A_1022, %swap3A_1023] {strides = array<i32>} : memref<4x128xi32, #tpu.memory_space<vmem>>, vector<16xi32>,
      tpu.vector_store %arg10[%swap3A_1022, %swap3A_1023], %shift_right_logical3A_1020 {strides = array<i32>} : memref<4x128xi32, #tpu.memory_space<vmem>>, vector<16xi32>,
      %get3A_1025 = arith.constant 320 : index
      %get3A_1026 = tpu.vector_load %arg7[%get3A_1025] {strides = array<i32>} : memref<512xf32, #tpu.memory_space<vmem>>, vector<16xf32>,
      %mul3A_1027 = arith.constant 1.280000e+02 : f32
      %mul3A_1028 = vector.broadcast %mul3A_1027 : f32 to vector<16xf32>
      %mul3A_1029 = arith.mulf %get3A_1026, %mul3A_1028 : vector<16xf32>
      %convert_element_type3A_1030 = arith.fptosi %mul3A_1029 : vector<16xf32> to vector<16xi32>
      %jit3A_1031 = arith.constant 0 : i32
      %jit3A_1032 = arith.constant 127 : i32
      %max3A_1033 = vector.broadcast %jit3A_1031 : i32 to vector<16xi32>
      %max3A_1034 = arith.maxsi %max3A_1033, %convert_element_type3A_1030 : vector<16xi32>
      %min3A_1035 = vector.broadcast %jit3A_1032 : i32 to vector<16xi32>
      %min3A_1036 = arith.minsi %min3A_1035, %max3A_1034 : vector<16xi32>
      %get3A_1037 = arith.constant 320 : index
      %get3A_1038 = tpu.vector_load %arg8[%get3A_1037] {strides = array<i32>} : memref<512xf32, #tpu.memory_space<vmem>>, vector<16xf32>,
      %mul3A_1039 = arith.constant 1.280000e+02 : f32
      %mul3A_1040 = vector.broadcast %mul3A_1039 : f32 to vector<16xf32>
      %mul3A_1041 = arith.mulf %get3A_1038, %mul3A_1040 : vector<16xf32>
      %convert_element_type3A_1042 = arith.fptosi %mul3A_1041 : vector<16xf32> to vector<16xi32>
      %jit3A_1043 = arith.constant 0 : i32
      %jit3A_1044 = arith.constant 127 : i32
      %max3A_1045 = vector.broadcast %jit3A_1043 : i32 to vector<16xi32>
      %max3A_1046 = arith.maxsi %max3A_1045, %convert_element_type3A_1042 : vector<16xi32>
      %min3A_1047 = vector.broadcast %jit3A_1044 : i32 to vector<16xi32>
      %min3A_1048 = arith.minsi %min3A_1047, %max3A_1046 : vector<16xi32>
      %get3A_1049 = arith.constant 320 : index
      %get3A_1050 = tpu.vector_load %arg9[%get3A_1049] {strides = array<i32>} : memref<512xf32, #tpu.memory_space<vmem>>, vector<16xf32>,
      %mul3A_1051 = arith.constant 1.280000e+02 : f32
      %mul3A_1052 = vector.broadcast %mul3A_1051 : f32 to vector<16xf32>
      %mul3A_1053 = arith.mulf %get3A_1050, %mul3A_1052 : vector<16xf32>
      %convert_element_type3A_1054 = arith.fptosi %mul3A_1053 : vector<16xf32> to vector<16xi32>
      %jit3A_1055 = arith.constant 0 : i32
      %jit3A_1056 = arith.constant 127 : i32
      %max3A_1057 = vector.broadcast %jit3A_1055 : i32 to vector<16xi32>
      %max3A_1058 = arith.maxsi %max3A_1057, %convert_element_type3A_1054 : vector<16xi32>
      %min3A_1059 = vector.broadcast %jit3A_1056 : i32 to vector<16xi32>
      %min3A_1060 = arith.minsi %min3A_1059, %max3A_1058 : vector<16xi32>
      %mul3A_1061 = arith.constant 128 : i32
      %mul3A_1062 = vector.broadcast %mul3A_1061 : i32 to vector<16xi32>
      %mul3A_1063 = arith.muli %min3A_1036, %mul3A_1062 : vector<16xi32>
      %add3A_1064 = arith.addi %mul3A_1063, %min3A_1048 : vector<16xi32>
      %mul3A_1065 = arith.constant 128 : i32
      %mul3A_1066 = vector.broadcast %mul3A_1065 : i32 to vector<16xi32>
      %mul3A_1067 = arith.muli %add3A_1064, %mul3A_1066 : vector<16xi32>
      %add3A_1068 = arith.addi %mul3A_1067, %min3A_1060 : vector<16xi32>
      %shift_right_logical3A_1069 = arith.constant 1 : i32
      %shift_right_logical3A_1070 = vector.broadcast %shift_right_logical3A_1069 : i32 to vector<16xi32>
      %shift_right_logical3A_1071 = arith.shrui %add3A_1068, %shift_right_logical3A_1070 : vector<16xi32>
      %swap3A_1072 = arith.constant 2 : i32
      %swap3A_1073 = arith.index_cast %swap3A_1072 : i32 to index
      %swap3A_1074 = arith.constant 64 : index
      %swap3A_1075 = tpu.vector_load %arg10[%swap3A_1073, %swap3A_1074] {strides = array<i32>} : memref<4x128xi32, #tpu.memory_space<vmem>>, vector<16xi32>,
      tpu.vector_store %arg10[%swap3A_1073, %swap3A_1074], %shift_right_logical3A_1071 {strides = array<i32>} : memref<4x128xi32, #tpu.memory_space<vmem>>, vector<16xi32>,
      %get3A_1076 = arith.constant 336 : index
      %get3A_1077 = tpu.vector_load %arg7[%get3A_1076] {strides = array<i32>} : memref<512xf32, #tpu.memory_space<vmem>>, vector<16xf32>,
      %mul3A_1078 = arith.constant 1.280000e+02 : f32
      %mul3A_1079 = vector.broadcast %mul3A_1078 : f32 to vector<16xf32>
      %mul3A_1080 = arith.mulf %get3A_1077, %mul3A_1079 : vector<16xf32>
      %convert_element_type3A_1081 = arith.fptosi %mul3A_1080 : vector<16xf32> to vector<16xi32>
      %jit3A_1082 = arith.constant 0 : i32
      %jit3A_1083 = arith.constant 127 : i32
      %max3A_1084 = vector.broadcast %jit3A_1082 : i32 to vector<16xi32>
      %max3A_1085 = arith.maxsi %max3A_1084, %convert_element_type3A_1081 : vector<16xi32>
      %min3A_1086 = vector.broadcast %jit3A_1083 : i32 to vector<16xi32>
      %min3A_1087 = arith.minsi %min3A_1086, %max3A_1085 : vector<16xi32>
      %get3A_1088 = arith.constant 336 : index
      %get3A_1089 = tpu.vector_load %arg8[%get3A_1088] {strides = array<i32>} : memref<512xf32, #tpu.memory_space<vmem>>, vector<16xf32>,
      %mul3A_1090 = arith.constant 1.280000e+02 : f32
      %mul3A_1091 = vector.broadcast %mul3A_1090 : f32 to vector<16xf32>
      %mul3A_1092 = arith.mulf %get3A_1089, %mul3A_1091 : vector<16xf32>
      %convert_element_type3A_1093 = arith.fptosi %mul3A_1092 : vector<16xf32> to vector<16xi32>
      %jit3A_1094 = arith.constant 0 : i32
      %jit3A_1095 = arith.constant 127 : i32
      %max3A_1096 = vector.broadcast %jit3A_1094 : i32 to vector<16xi32>
      %max3A_1097 = arith.maxsi %max3A_1096, %convert_element_type3A_1093 : vector<16xi32>
      %min3A_1098 = vector.broadcast %jit3A_1095 : i32 to vector<16xi32>
      %min3A_1099 = arith.minsi %min3A_1098, %max3A_1097 : vector<16xi32>
      %get3A_1100 = arith.constant 336 : index
      %get3A_1101 = tpu.vector_load %arg9[%get3A_1100] {strides = array<i32>} : memref<512xf32, #tpu.memory_space<vmem>>, vector<16xf32>,
      %mul3A_1102 = arith.constant 1.280000e+02 : f32
      %mul3A_1103 = vector.broadcast %mul3A_1102 : f32 to vector<16xf32>
      %mul3A_1104 = arith.mulf %get3A_1101, %mul3A_1103 : vector<16xf32>
      %convert_element_type3A_1105 = arith.fptosi %mul3A_1104 : vector<16xf32> to vector<16xi32>
      %jit3A_1106 = arith.constant 0 : i32
      %jit3A_1107 = arith.constant 127 : i32
      %max3A_1108 = vector.broadcast %jit3A_1106 : i32 to vector<16xi32>
      %max3A_1109 = arith.maxsi %max3A_1108, %convert_element_type3A_1105 : vector<16xi32>
      %min3A_1110 = vector.broadcast %jit3A_1107 : i32 to vector<16xi32>
      %min3A_1111 = arith.minsi %min3A_1110, %max3A_1109 : vector<16xi32>
      %mul3A_1112 = arith.constant 128 : i32
      %mul3A_1113 = vector.broadcast %mul3A_1112 : i32 to vector<16xi32>
      %mul3A_1114 = arith.muli %min3A_1087, %mul3A_1113 : vector<16xi32>
      %add3A_1115 = arith.addi %mul3A_1114, %min3A_1099 : vector<16xi32>
      %mul3A_1116 = arith.constant 128 : i32
      %mul3A_1117 = vector.broadcast %mul3A_1116 : i32 to vector<16xi32>
      %mul3A_1118 = arith.muli %add3A_1115, %mul3A_1117 : vector<16xi32>
      %add3A_1119 = arith.addi %mul3A_1118, %min3A_1111 : vector<16xi32>
      %shift_right_logical3A_1120 = arith.constant 1 : i32
      %shift_right_logical3A_1121 = vector.broadcast %shift_right_logical3A_1120 : i32 to vector<16xi32>
      %shift_right_logical3A_1122 = arith.shrui %add3A_1119, %shift_right_logical3A_1121 : vector<16xi32>
      %swap3A_1123 = arith.constant 2 : i32
      %swap3A_1124 = arith.index_cast %swap3A_1123 : i32 to index
      %swap3A_1125 = arith.constant 80 : index
      %swap3A_1126 = tpu.vector_load %arg10[%swap3A_1124, %swap3A_1125] {strides = array<i32>} : memref<4x128xi32, #tpu.memory_space<vmem>>, vector<16xi32>,
      tpu.vector_store %arg10[%swap3A_1124, %swap3A_1125], %shift_right_logical3A_1122 {strides = array<i32>} : memref<4x128xi32, #tpu.memory_space<vmem>>, vector<16xi32>,
      %get3A_1127 = arith.constant 352 : index
      %get3A_1128 = tpu.vector_load %arg7[%get3A_1127] {strides = array<i32>} : memref<512xf32, #tpu.memory_space<vmem>>, vector<16xf32>,
      %mul3A_1129 = arith.constant 1.280000e+02 : f32
      %mul3A_1130 = vector.broadcast %mul3A_1129 : f32 to vector<16xf32>
      %mul3A_1131 = arith.mulf %get3A_1128, %mul3A_1130 : vector<16xf32>
      %convert_element_type3A_1132 = arith.fptosi %mul3A_1131 : vector<16xf32> to vector<16xi32>
      %jit3A_1133 = arith.constant 0 : i32
      %jit3A_1134 = arith.constant 127 : i32
      %max3A_1135 = vector.broadcast %jit3A_1133 : i32 to vector<16xi32>
      %max3A_1136 = arith.maxsi %max3A_1135, %convert_element_type3A_1132 : vector<16xi32>
      %min3A_1137 = vector.broadcast %jit3A_1134 : i32 to vector<16xi32>
      %min3A_1138 = arith.minsi %min3A_1137, %max3A_1136 : vector<16xi32>
      %get3A_1139 = arith.constant 352 : index
      %get3A_1140 = tpu.vector_load %arg8[%get3A_1139] {strides = array<i32>} : memref<512xf32, #tpu.memory_space<vmem>>, vector<16xf32>,
      %mul3A_1141 = arith.constant 1.280000e+02 : f32
      %mul3A_1142 = vector.broadcast %mul3A_1141 : f32 to vector<16xf32>
      %mul3A_1143 = arith.mulf %get3A_1140, %mul3A_1142 : vector<16xf32>
      %convert_element_type3A_1144 = arith.fptosi %mul3A_1143 : vector<16xf32> to vector<16xi32>
      %jit3A_1145 = arith.constant 0 : i32
      %jit3A_1146 = arith.constant 127 : i32
      %max3A_1147 = vector.broadcast %jit3A_1145 : i32 to vector<16xi32>
      %max3A_1148 = arith.maxsi %max3A_1147, %convert_element_type3A_1144 : vector<16xi32>
      %min3A_1149 = vector.broadcast %jit3A_1146 : i32 to vector<16xi32>
      %min3A_1150 = arith.minsi %min3A_1149, %max3A_1148 : vector<16xi32>
      %get3A_1151 = arith.constant 352 : index
      %get3A_1152 = tpu.vector_load %arg9[%get3A_1151] {strides = array<i32>} : memref<512xf32, #tpu.memory_space<vmem>>, vector<16xf32>,
      %mul3A_1153 = arith.constant 1.280000e+02 : f32
      %mul3A_1154 = vector.broadcast %mul3A_1153 : f32 to vector<16xf32>
      %mul3A_1155 = arith.mulf %get3A_1152, %mul3A_1154 : vector<16xf32>
      %convert_element_type3A_1156 = arith.fptosi %mul3A_1155 : vector<16xf32> to vector<16xi32>
      %jit3A_1157 = arith.constant 0 : i32
      %jit3A_1158 = arith.constant 127 : i32
      %max3A_1159 = vector.broadcast %jit3A_1157 : i32 to vector<16xi32>
      %max3A_1160 = arith.maxsi %max3A_1159, %convert_element_type3A_1156 : vector<16xi32>
      %min3A_1161 = vector.broadcast %jit3A_1158 : i32 to vector<16xi32>
      %min3A_1162 = arith.minsi %min3A_1161, %max3A_1160 : vector<16xi32>
      %mul3A_1163 = arith.constant 128 : i32
      %mul3A_1164 = vector.broadcast %mul3A_1163 : i32 to vector<16xi32>
      %mul3A_1165 = arith.muli %min3A_1138, %mul3A_1164 : vector<16xi32>
      %add3A_1166 = arith.addi %mul3A_1165, %min3A_1150 : vector<16xi32>
      %mul3A_1167 = arith.constant 128 : i32
      %mul3A_1168 = vector.broadcast %mul3A_1167 : i32 to vector<16xi32>
      %mul3A_1169 = arith.muli %add3A_1166, %mul3A_1168 : vector<16xi32>
      %add3A_1170 = arith.addi %mul3A_1169, %min3A_1162 : vector<16xi32>
      %shift_right_logical3A_1171 = arith.constant 1 : i32
      %shift_right_logical3A_1172 = vector.broadcast %shift_right_logical3A_1171 : i32 to vector<16xi32>
      %shift_right_logical3A_1173 = arith.shrui %add3A_1170, %shift_right_logical3A_1172 : vector<16xi32>
      %swap3A_1174 = arith.constant 2 : i32
      %swap3A_1175 = arith.index_cast %swap3A_1174 : i32 to index
      %swap3A_1176 = arith.constant 96 : index
      %swap3A_1177 = tpu.vector_load %arg10[%swap3A_1175, %swap3A_1176] {strides = array<i32>} : memref<4x128xi32, #tpu.memory_space<vmem>>, vector<16xi32>,
      tpu.vector_store %arg10[%swap3A_1175, %swap3A_1176], %shift_right_logical3A_1173 {strides = array<i32>} : memref<4x128xi32, #tpu.memory_space<vmem>>, vector<16xi32>,
      %get3A_1178 = arith.constant 368 : index
      %get3A_1179 = tpu.vector_load %arg7[%get3A_1178] {strides = array<i32>} : memref<512xf32, #tpu.memory_space<vmem>>, vector<16xf32>,
      %mul3A_1180 = arith.constant 1.280000e+02 : f32
      %mul3A_1181 = vector.broadcast %mul3A_1180 : f32 to vector<16xf32>
      %mul3A_1182 = arith.mulf %get3A_1179, %mul3A_1181 : vector<16xf32>
      %convert_element_type3A_1183 = arith.fptosi %mul3A_1182 : vector<16xf32> to vector<16xi32>
      %jit3A_1184 = arith.constant 0 : i32
      %jit3A_1185 = arith.constant 127 : i32
      %max3A_1186 = vector.broadcast %jit3A_1184 : i32 to vector<16xi32>
      %max3A_1187 = arith.maxsi %max3A_1186, %convert_element_type3A_1183 : vector<16xi32>
      %min3A_1188 = vector.broadcast %jit3A_1185 : i32 to vector<16xi32>
      %min3A_1189 = arith.minsi %min3A_1188, %max3A_1187 : vector<16xi32>
      %get3A_1190 = arith.constant 368 : index
      %get3A_1191 = tpu.vector_load %arg8[%get3A_1190] {strides = array<i32>} : memref<512xf32, #tpu.memory_space<vmem>>, vector<16xf32>,
      %mul3A_1192 = arith.constant 1.280000e+02 : f32
      %mul3A_1193 = vector.broadcast %mul3A_1192 : f32 to vector<16xf32>
      %mul3A_1194 = arith.mulf %get3A_1191, %mul3A_1193 : vector<16xf32>
      %convert_element_type3A_1195 = arith.fptosi %mul3A_1194 : vector<16xf32> to vector<16xi32>
      %jit3A_1196 = arith.constant 0 : i32
      %jit3A_1197 = arith.constant 127 : i32
      %max3A_1198 = vector.broadcast %jit3A_1196 : i32 to vector<16xi32>
      %max3A_1199 = arith.maxsi %max3A_1198, %convert_element_type3A_1195 : vector<16xi32>
      %min3A_1200 = vector.broadcast %jit3A_1197 : i32 to vector<16xi32>
      %min3A_1201 = arith.minsi %min3A_1200, %max3A_1199 : vector<16xi32>
      %get3A_1202 = arith.constant 368 : index
      %get3A_1203 = tpu.vector_load %arg9[%get3A_1202] {strides = array<i32>} : memref<512xf32, #tpu.memory_space<vmem>>, vector<16xf32>,
      %mul3A_1204 = arith.constant 1.280000e+02 : f32
      %mul3A_1205 = vector.broadcast %mul3A_1204 : f32 to vector<16xf32>
      %mul3A_1206 = arith.mulf %get3A_1203, %mul3A_1205 : vector<16xf32>
      %convert_element_type3A_1207 = arith.fptosi %mul3A_1206 : vector<16xf32> to vector<16xi32>
      %jit3A_1208 = arith.constant 0 : i32
      %jit3A_1209 = arith.constant 127 : i32
      %max3A_1210 = vector.broadcast %jit3A_1208 : i32 to vector<16xi32>
      %max3A_1211 = arith.maxsi %max3A_1210, %convert_element_type3A_1207 : vector<16xi32>
      %min3A_1212 = vector.broadcast %jit3A_1209 : i32 to vector<16xi32>
      %min3A_1213 = arith.minsi %min3A_1212, %max3A_1211 : vector<16xi32>
      %mul3A_1214 = arith.constant 128 : i32
      %mul3A_1215 = vector.broadcast %mul3A_1214 : i32 to vector<16xi32>
      %mul3A_1216 = arith.muli %min3A_1189, %mul3A_1215 : vector<16xi32>
      %add3A_1217 = arith.addi %mul3A_1216, %min3A_1201 : vector<16xi32>
      %mul3A_1218 = arith.constant 128 : i32
      %mul3A_1219 = vector.broadcast %mul3A_1218 : i32 to vector<16xi32>
      %mul3A_1220 = arith.muli %add3A_1217, %mul3A_1219 : vector<16xi32>
      %add3A_1221 = arith.addi %mul3A_1220, %min3A_1213 : vector<16xi32>
      %shift_right_logical3A_1222 = arith.constant 1 : i32
      %shift_right_logical3A_1223 = vector.broadcast %shift_right_logical3A_1222 : i32 to vector<16xi32>
      %shift_right_logical3A_1224 = arith.shrui %add3A_1221, %shift_right_logical3A_1223 : vector<16xi32>
      %swap3A_1225 = arith.constant 2 : i32
      %swap3A_1226 = arith.index_cast %swap3A_1225 : i32 to index
      %swap3A_1227 = arith.constant 112 : index
      %swap3A_1228 = tpu.vector_load %arg10[%swap3A_1226, %swap3A_1227] {strides = array<i32>} : memref<4x128xi32, #tpu.memory_space<vmem>>, vector<16xi32>,
      tpu.vector_store %arg10[%swap3A_1226, %swap3A_1227], %shift_right_logical3A_1224 {strides = array<i32>} : memref<4x128xi32, #tpu.memory_space<vmem>>, vector<16xi32>,
      %get3A_1229 = arith.constant 384 : index
      %get3A_1230 = tpu.vector_load %arg7[%get3A_1229] {strides = array<i32>} : memref<512xf32, #tpu.memory_space<vmem>>, vector<16xf32>,
      %mul3A_1231 = arith.constant 1.280000e+02 : f32
      %mul3A_1232 = vector.broadcast %mul3A_1231 : f32 to vector<16xf32>
      %mul3A_1233 = arith.mulf %get3A_1230, %mul3A_1232 : vector<16xf32>
      %convert_element_type3A_1234 = arith.fptosi %mul3A_1233 : vector<16xf32> to vector<16xi32>
      %jit3A_1235 = arith.constant 0 : i32
      %jit3A_1236 = arith.constant 127 : i32
      %max3A_1237 = vector.broadcast %jit3A_1235 : i32 to vector<16xi32>
      %max3A_1238 = arith.maxsi %max3A_1237, %convert_element_type3A_1234 : vector<16xi32>
      %min3A_1239 = vector.broadcast %jit3A_1236 : i32 to vector<16xi32>
      %min3A_1240 = arith.minsi %min3A_1239, %max3A_1238 : vector<16xi32>
      %get3A_1241 = arith.constant 384 : index
      %get3A_1242 = tpu.vector_load %arg8[%get3A_1241] {strides = array<i32>} : memref<512xf32, #tpu.memory_space<vmem>>, vector<16xf32>,
      %mul3A_1243 = arith.constant 1.280000e+02 : f32
      %mul3A_1244 = vector.broadcast %mul3A_1243 : f32 to vector<16xf32>
      %mul3A_1245 = arith.mulf %get3A_1242, %mul3A_1244 : vector<16xf32>
      %convert_element_type3A_1246 = arith.fptosi %mul3A_1245 : vector<16xf32> to vector<16xi32>
      %jit3A_1247 = arith.constant 0 : i32
      %jit3A_1248 = arith.constant 127 : i32
      %max3A_1249 = vector.broadcast %jit3A_1247 : i32 to vector<16xi32>
      %max3A_1250 = arith.maxsi %max3A_1249, %convert_element_type3A_1246 : vector<16xi32>
      %min3A_1251 = vector.broadcast %jit3A_1248 : i32 to vector<16xi32>
      %min3A_1252 = arith.minsi %min3A_1251, %max3A_1250 : vector<16xi32>
      %get3A_1253 = arith.constant 384 : index
      %get3A_1254 = tpu.vector_load %arg9[%get3A_1253] {strides = array<i32>} : memref<512xf32, #tpu.memory_space<vmem>>, vector<16xf32>,
      %mul3A_1255 = arith.constant 1.280000e+02 : f32
      %mul3A_1256 = vector.broadcast %mul3A_1255 : f32 to vector<16xf32>
      %mul3A_1257 = arith.mulf %get3A_1254, %mul3A_1256 : vector<16xf32>
      %convert_element_type3A_1258 = arith.fptosi %mul3A_1257 : vector<16xf32> to vector<16xi32>
      %jit3A_1259 = arith.constant 0 : i32
      %jit3A_1260 = arith.constant 127 : i32
      %max3A_1261 = vector.broadcast %jit3A_1259 : i32 to vector<16xi32>
      %max3A_1262 = arith.maxsi %max3A_1261, %convert_element_type3A_1258 : vector<16xi32>
      %min3A_1263 = vector.broadcast %jit3A_1260 : i32 to vector<16xi32>
      %min3A_1264 = arith.minsi %min3A_1263, %max3A_1262 : vector<16xi32>
      %mul3A_1265 = arith.constant 128 : i32
      %mul3A_1266 = vector.broadcast %mul3A_1265 : i32 to vector<16xi32>
      %mul3A_1267 = arith.muli %min3A_1240, %mul3A_1266 : vector<16xi32>
      %add3A_1268 = arith.addi %mul3A_1267, %min3A_1252 : vector<16xi32>
      %mul3A_1269 = arith.constant 128 : i32
      %mul3A_1270 = vector.broadcast %mul3A_1269 : i32 to vector<16xi32>
      %mul3A_1271 = arith.muli %add3A_1268, %mul3A_1270 : vector<16xi32>
      %add3A_1272 = arith.addi %mul3A_1271, %min3A_1264 : vector<16xi32>
      %shift_right_logical3A_1273 = arith.constant 1 : i32
      %shift_right_logical3A_1274 = vector.broadcast %shift_right_logical3A_1273 : i32 to vector<16xi32>
      %shift_right_logical3A_1275 = arith.shrui %add3A_1272, %shift_right_logical3A_1274 : vector<16xi32>
      %swap3A_1276 = arith.constant 3 : i32
      %swap3A_1277 = arith.index_cast %swap3A_1276 : i32 to index
      %swap3A_1278 = arith.constant 0 : index
      %swap3A_1279 = tpu.vector_load %arg10[%swap3A_1277, %swap3A_1278] {strides = array<i32>} : memref<4x128xi32, #tpu.memory_space<vmem>>, vector<16xi32>,
      tpu.vector_store %arg10[%swap3A_1277, %swap3A_1278], %shift_right_logical3A_1275 {strides = array<i32>} : memref<4x128xi32, #tpu.memory_space<vmem>>, vector<16xi32>,
      %get3A_1280 = arith.constant 400 : index
      %get3A_1281 = tpu.vector_load %arg7[%get3A_1280] {strides = array<i32>} : memref<512xf32, #tpu.memory_space<vmem>>, vector<16xf32>,
      %mul3A_1282 = arith.constant 1.280000e+02 : f32
      %mul3A_1283 = vector.broadcast %mul3A_1282 : f32 to vector<16xf32>
      %mul3A_1284 = arith.mulf %get3A_1281, %mul3A_1283 : vector<16xf32>
      %convert_element_type3A_1285 = arith.fptosi %mul3A_1284 : vector<16xf32> to vector<16xi32>
      %jit3A_1286 = arith.constant 0 : i32
      %jit3A_1287 = arith.constant 127 : i32
      %max3A_1288 = vector.broadcast %jit3A_1286 : i32 to vector<16xi32>
      %max3A_1289 = arith.maxsi %max3A_1288, %convert_element_type3A_1285 : vector<16xi32>
      %min3A_1290 = vector.broadcast %jit3A_1287 : i32 to vector<16xi32>
      %min3A_1291 = arith.minsi %min3A_1290, %max3A_1289 : vector<16xi32>
      %get3A_1292 = arith.constant 400 : index
      %get3A_1293 = tpu.vector_load %arg8[%get3A_1292] {strides = array<i32>} : memref<512xf32, #tpu.memory_space<vmem>>, vector<16xf32>,
      %mul3A_1294 = arith.constant 1.280000e+02 : f32
      %mul3A_1295 = vector.broadcast %mul3A_1294 : f32 to vector<16xf32>
      %mul3A_1296 = arith.mulf %get3A_1293, %mul3A_1295 : vector<16xf32>
      %convert_element_type3A_1297 = arith.fptosi %mul3A_1296 : vector<16xf32> to vector<16xi32>
      %jit3A_1298 = arith.constant 0 : i32
      %jit3A_1299 = arith.constant 127 : i32
      %max3A_1300 = vector.broadcast %jit3A_1298 : i32 to vector<16xi32>
      %max3A_1301 = arith.maxsi %max3A_1300, %convert_element_type3A_1297 : vector<16xi32>
      %min3A_1302 = vector.broadcast %jit3A_1299 : i32 to vector<16xi32>
      %min3A_1303 = arith.minsi %min3A_1302, %max3A_1301 : vector<16xi32>
      %get3A_1304 = arith.constant 400 : index
      %get3A_1305 = tpu.vector_load %arg9[%get3A_1304] {strides = array<i32>} : memref<512xf32, #tpu.memory_space<vmem>>, vector<16xf32>,
      %mul3A_1306 = arith.constant 1.280000e+02 : f32
      %mul3A_1307 = vector.broadcast %mul3A_1306 : f32 to vector<16xf32>
      %mul3A_1308 = arith.mulf %get3A_1305, %mul3A_1307 : vector<16xf32>
      %convert_element_type3A_1309 = arith.fptosi %mul3A_1308 : vector<16xf32> to vector<16xi32>
      %jit3A_1310 = arith.constant 0 : i32
      %jit3A_1311 = arith.constant 127 : i32
      %max3A_1312 = vector.broadcast %jit3A_1310 : i32 to vector<16xi32>
      %max3A_1313 = arith.maxsi %max3A_1312, %convert_element_type3A_1309 : vector<16xi32>
      %min3A_1314 = vector.broadcast %jit3A_1311 : i32 to vector<16xi32>
      %min3A_1315 = arith.minsi %min3A_1314, %max3A_1313 : vector<16xi32>
      %mul3A_1316 = arith.constant 128 : i32
      %mul3A_1317 = vector.broadcast %mul3A_1316 : i32 to vector<16xi32>
      %mul3A_1318 = arith.muli %min3A_1291, %mul3A_1317 : vector<16xi32>
      %add3A_1319 = arith.addi %mul3A_1318, %min3A_1303 : vector<16xi32>
      %mul3A_1320 = arith.constant 128 : i32
      %mul3A_1321 = vector.broadcast %mul3A_1320 : i32 to vector<16xi32>
      %mul3A_1322 = arith.muli %add3A_1319, %mul3A_1321 : vector<16xi32>
      %add3A_1323 = arith.addi %mul3A_1322, %min3A_1315 : vector<16xi32>
      %shift_right_logical3A_1324 = arith.constant 1 : i32
      %shift_right_logical3A_1325 = vector.broadcast %shift_right_logical3A_1324 : i32 to vector<16xi32>
      %shift_right_logical3A_1326 = arith.shrui %add3A_1323, %shift_right_logical3A_1325 : vector<16xi32>
      %swap3A_1327 = arith.constant 3 : i32
      %swap3A_1328 = arith.index_cast %swap3A_1327 : i32 to index
      %swap3A_1329 = arith.constant 16 : index
      %swap3A_1330 = tpu.vector_load %arg10[%swap3A_1328, %swap3A_1329] {strides = array<i32>} : memref<4x128xi32, #tpu.memory_space<vmem>>, vector<16xi32>,
      tpu.vector_store %arg10[%swap3A_1328, %swap3A_1329], %shift_right_logical3A_1326 {strides = array<i32>} : memref<4x128xi32, #tpu.memory_space<vmem>>, vector<16xi32>,
      %get3A_1331 = arith.constant 416 : index
      %get3A_1332 = tpu.vector_load %arg7[%get3A_1331] {strides = array<i32>} : memref<512xf32, #tpu.memory_space<vmem>>, vector<16xf32>,
      %mul3A_1333 = arith.constant 1.280000e+02 : f32
      %mul3A_1334 = vector.broadcast %mul3A_1333 : f32 to vector<16xf32>
      %mul3A_1335 = arith.mulf %get3A_1332, %mul3A_1334 : vector<16xf32>
      %convert_element_type3A_1336 = arith.fptosi %mul3A_1335 : vector<16xf32> to vector<16xi32>
      %jit3A_1337 = arith.constant 0 : i32
      %jit3A_1338 = arith.constant 127 : i32
      %max3A_1339 = vector.broadcast %jit3A_1337 : i32 to vector<16xi32>
      %max3A_1340 = arith.maxsi %max3A_1339, %convert_element_type3A_1336 : vector<16xi32>
      %min3A_1341 = vector.broadcast %jit3A_1338 : i32 to vector<16xi32>
      %min3A_1342 = arith.minsi %min3A_1341, %max3A_1340 : vector<16xi32>
      %get3A_1343 = arith.constant 416 : index
      %get3A_1344 = tpu.vector_load %arg8[%get3A_1343] {strides = array<i32>} : memref<512xf32, #tpu.memory_space<vmem>>, vector<16xf32>,
      %mul3A_1345 = arith.constant 1.280000e+02 : f32
      %mul3A_1346 = vector.broadcast %mul3A_1345 : f32 to vector<16xf32>
      %mul3A_1347 = arith.mulf %get3A_1344, %mul3A_1346 : vector<16xf32>
      %convert_element_type3A_1348 = arith.fptosi %mul3A_1347 : vector<16xf32> to vector<16xi32>
      %jit3A_1349 = arith.constant 0 : i32
      %jit3A_1350 = arith.constant 127 : i32
      %max3A_1351 = vector.broadcast %jit3A_1349 : i32 to vector<16xi32>
      %max3A_1352 = arith.maxsi %max3A_1351, %convert_element_type3A_1348 : vector<16xi32>
      %min3A_1353 = vector.broadcast %jit3A_1350 : i32 to vector<16xi32>
      %min3A_1354 = arith.minsi %min3A_1353, %max3A_1352 : vector<16xi32>
      %get3A_1355 = arith.constant 416 : index
      %get3A_1356 = tpu.vector_load %arg9[%get3A_1355] {strides = array<i32>} : memref<512xf32, #tpu.memory_space<vmem>>, vector<16xf32>,
      %mul3A_1357 = arith.constant 1.280000e+02 : f32
      %mul3A_1358 = vector.broadcast %mul3A_1357 : f32 to vector<16xf32>
      %mul3A_1359 = arith.mulf %get3A_1356, %mul3A_1358 : vector<16xf32>
      %convert_element_type3A_1360 = arith.fptosi %mul3A_1359 : vector<16xf32> to vector<16xi32>
      %jit3A_1361 = arith.constant 0 : i32
      %jit3A_1362 = arith.constant 127 : i32
      %max3A_1363 = vector.broadcast %jit3A_1361 : i32 to vector<16xi32>
      %max3A_1364 = arith.maxsi %max3A_1363, %convert_element_type3A_1360 : vector<16xi32>
      %min3A_1365 = vector.broadcast %jit3A_1362 : i32 to vector<16xi32>
      %min3A_1366 = arith.minsi %min3A_1365, %max3A_1364 : vector<16xi32>
      %mul3A_1367 = arith.constant 128 : i32
      %mul3A_1368 = vector.broadcast %mul3A_1367 : i32 to vector<16xi32>
      %mul3A_1369 = arith.muli %min3A_1342, %mul3A_1368 : vector<16xi32>
      %add3A_1370 = arith.addi %mul3A_1369, %min3A_1354 : vector<16xi32>
      %mul3A_1371 = arith.constant 128 : i32
      %mul3A_1372 = vector.broadcast %mul3A_1371 : i32 to vector<16xi32>
      %mul3A_1373 = arith.muli %add3A_1370, %mul3A_1372 : vector<16xi32>
      %add3A_1374 = arith.addi %mul3A_1373, %min3A_1366 : vector<16xi32>
      %shift_right_logical3A_1375 = arith.constant 1 : i32
      %shift_right_logical3A_1376 = vector.broadcast %shift_right_logical3A_1375 : i32 to vector<16xi32>
      %shift_right_logical3A_1377 = arith.shrui %add3A_1374, %shift_right_logical3A_1376 : vector<16xi32>
      %swap3A_1378 = arith.constant 3 : i32
      %swap3A_1379 = arith.index_cast %swap3A_1378 : i32 to index
      %swap3A_1380 = arith.constant 32 : index
      %swap3A_1381 = tpu.vector_load %arg10[%swap3A_1379, %swap3A_1380] {strides = array<i32>} : memref<4x128xi32, #tpu.memory_space<vmem>>, vector<16xi32>,
      tpu.vector_store %arg10[%swap3A_1379, %swap3A_1380], %shift_right_logical3A_1377 {strides = array<i32>} : memref<4x128xi32, #tpu.memory_space<vmem>>, vector<16xi32>,
      %get3A_1382 = arith.constant 432 : index
      %get3A_1383 = tpu.vector_load %arg7[%get3A_1382] {strides = array<i32>} : memref<512xf32, #tpu.memory_space<vmem>>, vector<16xf32>,
      %mul3A_1384 = arith.constant 1.280000e+02 : f32
      %mul3A_1385 = vector.broadcast %mul3A_1384 : f32 to vector<16xf32>
      %mul3A_1386 = arith.mulf %get3A_1383, %mul3A_1385 : vector<16xf32>
      %convert_element_type3A_1387 = arith.fptosi %mul3A_1386 : vector<16xf32> to vector<16xi32>
      %jit3A_1388 = arith.constant 0 : i32
      %jit3A_1389 = arith.constant 127 : i32
      %max3A_1390 = vector.broadcast %jit3A_1388 : i32 to vector<16xi32>
      %max3A_1391 = arith.maxsi %max3A_1390, %convert_element_type3A_1387 : vector<16xi32>
      %min3A_1392 = vector.broadcast %jit3A_1389 : i32 to vector<16xi32>
      %min3A_1393 = arith.minsi %min3A_1392, %max3A_1391 : vector<16xi32>
      %get3A_1394 = arith.constant 432 : index
      %get3A_1395 = tpu.vector_load %arg8[%get3A_1394] {strides = array<i32>} : memref<512xf32, #tpu.memory_space<vmem>>, vector<16xf32>,
      %mul3A_1396 = arith.constant 1.280000e+02 : f32
      %mul3A_1397 = vector.broadcast %mul3A_1396 : f32 to vector<16xf32>
      %mul3A_1398 = arith.mulf %get3A_1395, %mul3A_1397 : vector<16xf32>
      %convert_element_type3A_1399 = arith.fptosi %mul3A_1398 : vector<16xf32> to vector<16xi32>
      %jit3A_1400 = arith.constant 0 : i32
      %jit3A_1401 = arith.constant 127 : i32
      %max3A_1402 = vector.broadcast %jit3A_1400 : i32 to vector<16xi32>
      %max3A_1403 = arith.maxsi %max3A_1402, %convert_element_type3A_1399 : vector<16xi32>
      %min3A_1404 = vector.broadcast %jit3A_1401 : i32 to vector<16xi32>
      %min3A_1405 = arith.minsi %min3A_1404, %max3A_1403 : vector<16xi32>
      %get3A_1406 = arith.constant 432 : index
      %get3A_1407 = tpu.vector_load %arg9[%get3A_1406] {strides = array<i32>} : memref<512xf32, #tpu.memory_space<vmem>>, vector<16xf32>,
      %mul3A_1408 = arith.constant 1.280000e+02 : f32
      %mul3A_1409 = vector.broadcast %mul3A_1408 : f32 to vector<16xf32>
      %mul3A_1410 = arith.mulf %get3A_1407, %mul3A_1409 : vector<16xf32>
      %convert_element_type3A_1411 = arith.fptosi %mul3A_1410 : vector<16xf32> to vector<16xi32>
      %jit3A_1412 = arith.constant 0 : i32
      %jit3A_1413 = arith.constant 127 : i32
      %max3A_1414 = vector.broadcast %jit3A_1412 : i32 to vector<16xi32>
      %max3A_1415 = arith.maxsi %max3A_1414, %convert_element_type3A_1411 : vector<16xi32>
      %min3A_1416 = vector.broadcast %jit3A_1413 : i32 to vector<16xi32>
      %min3A_1417 = arith.minsi %min3A_1416, %max3A_1415 : vector<16xi32>
      %mul3A_1418 = arith.constant 128 : i32
      %mul3A_1419 = vector.broadcast %mul3A_1418 : i32 to vector<16xi32>
      %mul3A_1420 = arith.muli %min3A_1393, %mul3A_1419 : vector<16xi32>
      %add3A_1421 = arith.addi %mul3A_1420, %min3A_1405 : vector<16xi32>
      %mul3A_1422 = arith.constant 128 : i32
      %mul3A_1423 = vector.broadcast %mul3A_1422 : i32 to vector<16xi32>
      %mul3A_1424 = arith.muli %add3A_1421, %mul3A_1423 : vector<16xi32>
      %add3A_1425 = arith.addi %mul3A_1424, %min3A_1417 : vector<16xi32>
      %shift_right_logical3A_1426 = arith.constant 1 : i32
      %shift_right_logical3A_1427 = vector.broadcast %shift_right_logical3A_1426 : i32 to vector<16xi32>
      %shift_right_logical3A_1428 = arith.shrui %add3A_1425, %shift_right_logical3A_1427 : vector<16xi32>
      %swap3A_1429 = arith.constant 3 : i32
      %swap3A_1430 = arith.index_cast %swap3A_1429 : i32 to index
      %swap3A_1431 = arith.constant 48 : index
      %swap3A_1432 = tpu.vector_load %arg10[%swap3A_1430, %swap3A_1431] {strides = array<i32>} : memref<4x128xi32, #tpu.memory_space<vmem>>, vector<16xi32>,
      tpu.vector_store %arg10[%swap3A_1430, %swap3A_1431], %shift_right_logical3A_1428 {strides = array<i32>} : memref<4x128xi32, #tpu.memory_space<vmem>>, vector<16xi32>,
      %get3A_1433 = arith.constant 448 : index
      %get3A_1434 = tpu.vector_load %arg7[%get3A_1433] {strides = array<i32>} : memref<512xf32, #tpu.memory_space<vmem>>, vector<16xf32>,
      %mul3A_1435 = arith.constant 1.280000e+02 : f32
      %mul3A_1436 = vector.broadcast %mul3A_1435 : f32 to vector<16xf32>
      %mul3A_1437 = arith.mulf %get3A_1434, %mul3A_1436 : vector<16xf32>
      %convert_element_type3A_1438 = arith.fptosi %mul3A_1437 : vector<16xf32> to vector<16xi32>
      %jit3A_1439 = arith.constant 0 : i32
      %jit3A_1440 = arith.constant 127 : i32
      %max3A_1441 = vector.broadcast %jit3A_1439 : i32 to vector<16xi32>
      %max3A_1442 = arith.maxsi %max3A_1441, %convert_element_type3A_1438 : vector<16xi32>
      %min3A_1443 = vector.broadcast %jit3A_1440 : i32 to vector<16xi32>
      %min3A_1444 = arith.minsi %min3A_1443, %max3A_1442 : vector<16xi32>
      %get3A_1445 = arith.constant 448 : index
      %get3A_1446 = tpu.vector_load %arg8[%get3A_1445] {strides = array<i32>} : memref<512xf32, #tpu.memory_space<vmem>>, vector<16xf32>,
      %mul3A_1447 = arith.constant 1.280000e+02 : f32
      %mul3A_1448 = vector.broadcast %mul3A_1447 : f32 to vector<16xf32>
      %mul3A_1449 = arith.mulf %get3A_1446, %mul3A_1448 : vector<16xf32>
      %convert_element_type3A_1450 = arith.fptosi %mul3A_1449 : vector<16xf32> to vector<16xi32>
      %jit3A_1451 = arith.constant 0 : i32
      %jit3A_1452 = arith.constant 127 : i32
      %max3A_1453 = vector.broadcast %jit3A_1451 : i32 to vector<16xi32>
      %max3A_1454 = arith.maxsi %max3A_1453, %convert_element_type3A_1450 : vector<16xi32>
      %min3A_1455 = vector.broadcast %jit3A_1452 : i32 to vector<16xi32>
      %min3A_1456 = arith.minsi %min3A_1455, %max3A_1454 : vector<16xi32>
      %get3A_1457 = arith.constant 448 : index
      %get3A_1458 = tpu.vector_load %arg9[%get3A_1457] {strides = array<i32>} : memref<512xf32, #tpu.memory_space<vmem>>, vector<16xf32>,
      %mul3A_1459 = arith.constant 1.280000e+02 : f32
      %mul3A_1460 = vector.broadcast %mul3A_1459 : f32 to vector<16xf32>
      %mul3A_1461 = arith.mulf %get3A_1458, %mul3A_1460 : vector<16xf32>
      %convert_element_type3A_1462 = arith.fptosi %mul3A_1461 : vector<16xf32> to vector<16xi32>
      %jit3A_1463 = arith.constant 0 : i32
      %jit3A_1464 = arith.constant 127 : i32
      %max3A_1465 = vector.broadcast %jit3A_1463 : i32 to vector<16xi32>
      %max3A_1466 = arith.maxsi %max3A_1465, %convert_element_type3A_1462 : vector<16xi32>
      %min3A_1467 = vector.broadcast %jit3A_1464 : i32 to vector<16xi32>
      %min3A_1468 = arith.minsi %min3A_1467, %max3A_1466 : vector<16xi32>
      %mul3A_1469 = arith.constant 128 : i32
      %mul3A_1470 = vector.broadcast %mul3A_1469 : i32 to vector<16xi32>
      %mul3A_1471 = arith.muli %min3A_1444, %mul3A_1470 : vector<16xi32>
      %add3A_1472 = arith.addi %mul3A_1471, %min3A_1456 : vector<16xi32>
      %mul3A_1473 = arith.constant 128 : i32
      %mul3A_1474 = vector.broadcast %mul3A_1473 : i32 to vector<16xi32>
      %mul3A_1475 = arith.muli %add3A_1472, %mul3A_1474 : vector<16xi32>
      %add3A_1476 = arith.addi %mul3A_1475, %min3A_1468 : vector<16xi32>
      %shift_right_logical3A_1477 = arith.constant 1 : i32
      %shift_right_logical3A_1478 = vector.broadcast %shift_right_logical3A_1477 : i32 to vector<16xi32>
      %shift_right_logical3A_1479 = arith.shrui %add3A_1476, %shift_right_logical3A_1478 : vector<16xi32>
      %swap3A_1480 = arith.constant 3 : i32
      %swap3A_1481 = arith.index_cast %swap3A_1480 : i32 to index
      %swap3A_1482 = arith.constant 64 : index
      %swap3A_1483 = tpu.vector_load %arg10[%swap3A_1481, %swap3A_1482] {strides = array<i32>} : memref<4x128xi32, #tpu.memory_space<vmem>>, vector<16xi32>,
      tpu.vector_store %arg10[%swap3A_1481, %swap3A_1482], %shift_right_logical3A_1479 {strides = array<i32>} : memref<4x128xi32, #tpu.memory_space<vmem>>, vector<16xi32>,
      %get3A_1484 = arith.constant 464 : index
      %get3A_1485 = tpu.vector_load %arg7[%get3A_1484] {strides = array<i32>} : memref<512xf32, #tpu.memory_space<vmem>>, vector<16xf32>,
      %mul3A_1486 = arith.constant 1.280000e+02 : f32
      %mul3A_1487 = vector.broadcast %mul3A_1486 : f32 to vector<16xf32>
      %mul3A_1488 = arith.mulf %get3A_1485, %mul3A_1487 : vector<16xf32>
      %convert_element_type3A_1489 = arith.fptosi %mul3A_1488 : vector<16xf32> to vector<16xi32>
      %jit3A_1490 = arith.constant 0 : i32
      %jit3A_1491 = arith.constant 127 : i32
      %max3A_1492 = vector.broadcast %jit3A_1490 : i32 to vector<16xi32>
      %max3A_1493 = arith.maxsi %max3A_1492, %convert_element_type3A_1489 : vector<16xi32>
      %min3A_1494 = vector.broadcast %jit3A_1491 : i32 to vector<16xi32>
      %min3A_1495 = arith.minsi %min3A_1494, %max3A_1493 : vector<16xi32>
      %get3A_1496 = arith.constant 464 : index
      %get3A_1497 = tpu.vector_load %arg8[%get3A_1496] {strides = array<i32>} : memref<512xf32, #tpu.memory_space<vmem>>, vector<16xf32>,
      %mul3A_1498 = arith.constant 1.280000e+02 : f32
      %mul3A_1499 = vector.broadcast %mul3A_1498 : f32 to vector<16xf32>
      %mul3A_1500 = arith.mulf %get3A_1497, %mul3A_1499 : vector<16xf32>
      %convert_element_type3A_1501 = arith.fptosi %mul3A_1500 : vector<16xf32> to vector<16xi32>
      %jit3A_1502 = arith.constant 0 : i32
      %jit3A_1503 = arith.constant 127 : i32
      %max3A_1504 = vector.broadcast %jit3A_1502 : i32 to vector<16xi32>
      %max3A_1505 = arith.maxsi %max3A_1504, %convert_element_type3A_1501 : vector<16xi32>
      %min3A_1506 = vector.broadcast %jit3A_1503 : i32 to vector<16xi32>
      %min3A_1507 = arith.minsi %min3A_1506, %max3A_1505 : vector<16xi32>
      %get3A_1508 = arith.constant 464 : index
      %get3A_1509 = tpu.vector_load %arg9[%get3A_1508] {strides = array<i32>} : memref<512xf32, #tpu.memory_space<vmem>>, vector<16xf32>,
      %mul3A_1510 = arith.constant 1.280000e+02 : f32
      %mul3A_1511 = vector.broadcast %mul3A_1510 : f32 to vector<16xf32>
      %mul3A_1512 = arith.mulf %get3A_1509, %mul3A_1511 : vector<16xf32>
      %convert_element_type3A_1513 = arith.fptosi %mul3A_1512 : vector<16xf32> to vector<16xi32>
      %jit3A_1514 = arith.constant 0 : i32
      %jit3A_1515 = arith.constant 127 : i32
      %max3A_1516 = vector.broadcast %jit3A_1514 : i32 to vector<16xi32>
      %max3A_1517 = arith.maxsi %max3A_1516, %convert_element_type3A_1513 : vector<16xi32>
      %min3A_1518 = vector.broadcast %jit3A_1515 : i32 to vector<16xi32>
      %min3A_1519 = arith.minsi %min3A_1518, %max3A_1517 : vector<16xi32>
      %mul3A_1520 = arith.constant 128 : i32
      %mul3A_1521 = vector.broadcast %mul3A_1520 : i32 to vector<16xi32>
      %mul3A_1522 = arith.muli %min3A_1495, %mul3A_1521 : vector<16xi32>
      %add3A_1523 = arith.addi %mul3A_1522, %min3A_1507 : vector<16xi32>
      %mul3A_1524 = arith.constant 128 : i32
      %mul3A_1525 = vector.broadcast %mul3A_1524 : i32 to vector<16xi32>
      %mul3A_1526 = arith.muli %add3A_1523, %mul3A_1525 : vector<16xi32>
      %add3A_1527 = arith.addi %mul3A_1526, %min3A_1519 : vector<16xi32>
      %shift_right_logical3A_1528 = arith.constant 1 : i32
      %shift_right_logical3A_1529 = vector.broadcast %shift_right_logical3A_1528 : i32 to vector<16xi32>
      %shift_right_logical3A_1530 = arith.shrui %add3A_1527, %shift_right_logical3A_1529 : vector<16xi32>
      %swap3A_1531 = arith.constant 3 : i32
      %swap3A_1532 = arith.index_cast %swap3A_1531 : i32 to index
      %swap3A_1533 = arith.constant 80 : index
      %swap3A_1534 = tpu.vector_load %arg10[%swap3A_1532, %swap3A_1533] {strides = array<i32>} : memref<4x128xi32, #tpu.memory_space<vmem>>, vector<16xi32>,
      tpu.vector_store %arg10[%swap3A_1532, %swap3A_1533], %shift_right_logical3A_1530 {strides = array<i32>} : memref<4x128xi32, #tpu.memory_space<vmem>>, vector<16xi32>,
      %get3A_1535 = arith.constant 480 : index
      %get3A_1536 = tpu.vector_load %arg7[%get3A_1535] {strides = array<i32>} : memref<512xf32, #tpu.memory_space<vmem>>, vector<16xf32>,
      %mul3A_1537 = arith.constant 1.280000e+02 : f32
      %mul3A_1538 = vector.broadcast %mul3A_1537 : f32 to vector<16xf32>
      %mul3A_1539 = arith.mulf %get3A_1536, %mul3A_1538 : vector<16xf32>
      %convert_element_type3A_1540 = arith.fptosi %mul3A_1539 : vector<16xf32> to vector<16xi32>
      %jit3A_1541 = arith.constant 0 : i32
      %jit3A_1542 = arith.constant 127 : i32
      %max3A_1543 = vector.broadcast %jit3A_1541 : i32 to vector<16xi32>
      %max3A_1544 = arith.maxsi %max3A_1543, %convert_element_type3A_1540 : vector<16xi32>
      %min3A_1545 = vector.broadcast %jit3A_1542 : i32 to vector<16xi32>
      %min3A_1546 = arith.minsi %min3A_1545, %max3A_1544 : vector<16xi32>
      %get3A_1547 = arith.constant 480 : index
      %get3A_1548 = tpu.vector_load %arg8[%get3A_1547] {strides = array<i32>} : memref<512xf32, #tpu.memory_space<vmem>>, vector<16xf32>,
      %mul3A_1549 = arith.constant 1.280000e+02 : f32
      %mul3A_1550 = vector.broadcast %mul3A_1549 : f32 to vector<16xf32>
      %mul3A_1551 = arith.mulf %get3A_1548, %mul3A_1550 : vector<16xf32>
      %convert_element_type3A_1552 = arith.fptosi %mul3A_1551 : vector<16xf32> to vector<16xi32>
      %jit3A_1553 = arith.constant 0 : i32
      %jit3A_1554 = arith.constant 127 : i32
      %max3A_1555 = vector.broadcast %jit3A_1553 : i32 to vector<16xi32>
      %max3A_1556 = arith.maxsi %max3A_1555, %convert_element_type3A_1552 : vector<16xi32>
      %min3A_1557 = vector.broadcast %jit3A_1554 : i32 to vector<16xi32>
      %min3A_1558 = arith.minsi %min3A_1557, %max3A_1556 : vector<16xi32>
      %get3A_1559 = arith.constant 480 : index
      %get3A_1560 = tpu.vector_load %arg9[%get3A_1559] {strides = array<i32>} : memref<512xf32, #tpu.memory_space<vmem>>, vector<16xf32>,
      %mul3A_1561 = arith.constant 1.280000e+02 : f32
      %mul3A_1562 = vector.broadcast %mul3A_1561 : f32 to vector<16xf32>
      %mul3A_1563 = arith.mulf %get3A_1560, %mul3A_1562 : vector<16xf32>
      %convert_element_type3A_1564 = arith.fptosi %mul3A_1563 : vector<16xf32> to vector<16xi32>
      %jit3A_1565 = arith.constant 0 : i32
      %jit3A_1566 = arith.constant 127 : i32
      %max3A_1567 = vector.broadcast %jit3A_1565 : i32 to vector<16xi32>
      %max3A_1568 = arith.maxsi %max3A_1567, %convert_element_type3A_1564 : vector<16xi32>
      %min3A_1569 = vector.broadcast %jit3A_1566 : i32 to vector<16xi32>
      %min3A_1570 = arith.minsi %min3A_1569, %max3A_1568 : vector<16xi32>
      %mul3A_1571 = arith.constant 128 : i32
      %mul3A_1572 = vector.broadcast %mul3A_1571 : i32 to vector<16xi32>
      %mul3A_1573 = arith.muli %min3A_1546, %mul3A_1572 : vector<16xi32>
      %add3A_1574 = arith.addi %mul3A_1573, %min3A_1558 : vector<16xi32>
      %mul3A_1575 = arith.constant 128 : i32
      %mul3A_1576 = vector.broadcast %mul3A_1575 : i32 to vector<16xi32>
      %mul3A_1577 = arith.muli %add3A_1574, %mul3A_1576 : vector<16xi32>
      %add3A_1578 = arith.addi %mul3A_1577, %min3A_1570 : vector<16xi32>
      %shift_right_logical3A_1579 = arith.constant 1 : i32
      %shift_right_logical3A_1580 = vector.broadcast %shift_right_logical3A_1579 : i32 to vector<16xi32>
      %shift_right_logical3A_1581 = arith.shrui %add3A_1578, %shift_right_logical3A_1580 : vector<16xi32>
      %swap3A_1582 = arith.constant 3 : i32
      %swap3A_1583 = arith.index_cast %swap3A_1582 : i32 to index
      %swap3A_1584 = arith.constant 96 : index
      %swap3A_1585 = tpu.vector_load %arg10[%swap3A_1583, %swap3A_1584] {strides = array<i32>} : memref<4x128xi32, #tpu.memory_space<vmem>>, vector<16xi32>,
      tpu.vector_store %arg10[%swap3A_1583, %swap3A_1584], %shift_right_logical3A_1581 {strides = array<i32>} : memref<4x128xi32, #tpu.memory_space<vmem>>, vector<16xi32>,
      %get3A_1586 = arith.constant 496 : index
      %get3A_1587 = tpu.vector_load %arg7[%get3A_1586] {strides = array<i32>} : memref<512xf32, #tpu.memory_space<vmem>>, vector<16xf32>,
      %mul3A_1588 = arith.constant 1.280000e+02 : f32
      %mul3A_1589 = vector.broadcast %mul3A_1588 : f32 to vector<16xf32>
      %mul3A_1590 = arith.mulf %get3A_1587, %mul3A_1589 : vector<16xf32>
      %convert_element_type3A_1591 = arith.fptosi %mul3A_1590 : vector<16xf32> to vector<16xi32>
      %jit3A_1592 = arith.constant 0 : i32
      %jit3A_1593 = arith.constant 127 : i32
      %max3A_1594 = vector.broadcast %jit3A_1592 : i32 to vector<16xi32>
      %max3A_1595 = arith.maxsi %max3A_1594, %convert_element_type3A_1591 : vector<16xi32>
      %min3A_1596 = vector.broadcast %jit3A_1593 : i32 to vector<16xi32>
      %min3A_1597 = arith.minsi %min3A_1596, %max3A_1595 : vector<16xi32>
      %get3A_1598 = arith.constant 496 : index
      %get3A_1599 = tpu.vector_load %arg8[%get3A_1598] {strides = array<i32>} : memref<512xf32, #tpu.memory_space<vmem>>, vector<16xf32>,
      %mul3A_1600 = arith.constant 1.280000e+02 : f32
      %mul3A_1601 = vector.broadcast %mul3A_1600 : f32 to vector<16xf32>
      %mul3A_1602 = arith.mulf %get3A_1599, %mul3A_1601 : vector<16xf32>
      %convert_element_type3A_1603 = arith.fptosi %mul3A_1602 : vector<16xf32> to vector<16xi32>
      %jit3A_1604 = arith.constant 0 : i32
      %jit3A_1605 = arith.constant 127 : i32
      %max3A_1606 = vector.broadcast %jit3A_1604 : i32 to vector<16xi32>
      %max3A_1607 = arith.maxsi %max3A_1606, %convert_element_type3A_1603 : vector<16xi32>
      %min3A_1608 = vector.broadcast %jit3A_1605 : i32 to vector<16xi32>
      %min3A_1609 = arith.minsi %min3A_1608, %max3A_1607 : vector<16xi32>
      %get3A_1610 = arith.constant 496 : index
      %get3A_1611 = tpu.vector_load %arg9[%get3A_1610] {strides = array<i32>} : memref<512xf32, #tpu.memory_space<vmem>>, vector<16xf32>,
      %mul3A_1612 = arith.constant 1.280000e+02 : f32
      %mul3A_1613 = vector.broadcast %mul3A_1612 : f32 to vector<16xf32>
      %mul3A_1614 = arith.mulf %get3A_1611, %mul3A_1613 : vector<16xf32>
      %convert_element_type3A_1615 = arith.fptosi %mul3A_1614 : vector<16xf32> to vector<16xi32>
      %jit3A_1616 = arith.constant 0 : i32
      %jit3A_1617 = arith.constant 127 : i32
      %max3A_1618 = vector.broadcast %jit3A_1616 : i32 to vector<16xi32>
      %max3A_1619 = arith.maxsi %max3A_1618, %convert_element_type3A_1615 : vector<16xi32>
      %min3A_1620 = vector.broadcast %jit3A_1617 : i32 to vector<16xi32>
      %min3A_1621 = arith.minsi %min3A_1620, %max3A_1619 : vector<16xi32>
      %mul3A_1622 = arith.constant 128 : i32
      %mul3A_1623 = vector.broadcast %mul3A_1622 : i32 to vector<16xi32>
      %mul3A_1624 = arith.muli %min3A_1597, %mul3A_1623 : vector<16xi32>
      %add3A_1625 = arith.addi %mul3A_1624, %min3A_1609 : vector<16xi32>
      %mul3A_1626 = arith.constant 128 : i32
      %mul3A_1627 = vector.broadcast %mul3A_1626 : i32 to vector<16xi32>
      %mul3A_1628 = arith.muli %add3A_1625, %mul3A_1627 : vector<16xi32>
      %add3A_1629 = arith.addi %mul3A_1628, %min3A_1621 : vector<16xi32>
      %shift_right_logical3A_1630 = arith.constant 1 : i32
      %shift_right_logical3A_1631 = vector.broadcast %shift_right_logical3A_1630 : i32 to vector<16xi32>
      %shift_right_logical3A_1632 = arith.shrui %add3A_1629, %shift_right_logical3A_1631 : vector<16xi32>
      %swap3A_1633 = arith.constant 3 : i32
      %swap3A_1634 = arith.index_cast %swap3A_1633 : i32 to index
      %swap3A_1635 = arith.constant 112 : index
      %swap3A_1636 = tpu.vector_load %arg10[%swap3A_1634, %swap3A_1635] {strides = array<i32>} : memref<4x128xi32, #tpu.memory_space<vmem>>, vector<16xi32>,
      tpu.vector_store %arg10[%swap3A_1634, %swap3A_1635], %shift_right_logical3A_1632 {strides = array<i32>} : memref<4x128xi32, #tpu.memory_space<vmem>>, vector<16xi32>,
      %dma_start3A = arith.constant 0 : i32
      %dma_start3A_1637 = arith.constant 0 : i32
      %dma_start3A_1638 = arith.constant 0 : i32
      %dma_start3A_1639 = tpu.memref_slice %arg11[%dma_start3A_1637, %dma_start3A_1638] : memref<512x40xf32, #tpu.memory_space<vmem>> -> memref<128x40xf32, #tpu.memory_space<vmem>>
      %dma_start3A_1640 = arith.constant 0 : i32
      %dma_start3A_1641 = tpu.memref_slice %arg10[%dma_start3A, %dma_start3A_1640] : memref<4x128xi32, #tpu.memory_space<vmem>> -> memref<1x128xi32, #tpu.memory_space<vmem>>
      %dma_start3A_1642 = tpu.memref_squeeze %dma_start3A_1641 : memref<1x128xi32, #tpu.memory_space<vmem>> -> memref<128xi32, #tpu.memory_space<vmem>>
      %dma_start3A_1643 = arith.constant 0 : i32
      %dma_start3A_1644 = arith.constant 0 : i32
      %dma_start3A_1645 = tpu.memref_slice %arg5[%dma_start3A_1643, %dma_start3A_1644] : memref<1048576x40xf32, #tpu.memory_space<hbm>> -> memref<1048576x40xf32, #tpu.memory_space<hbm>>
      tpu.enqueue_indirect_dma source(%dma_start3A_1645 : memref<1048576x40xf32, #tpu.memory_space<hbm>>) target(%dma_start3A_1639 : memref<128x40xf32, #tpu.memory_space<vmem>>) offsets(%dma_start3A_1642 : memref<128xi32, #tpu.memory_space<vmem>>) semaphore(%arg13 : memref<!tpu.dma_semaphore, #tpu.memory_space<semaphore_mem>>)
      %dma_start3A_1646 = arith.constant 1 : i32
      %dma_start3A_1647 = arith.constant 128 : i32
      %dma_start3A_1648 = arith.constant 0 : i32
      %dma_start3A_1649 = tpu.memref_slice %arg11[%dma_start3A_1647, %dma_start3A_1648] : memref<512x40xf32, #tpu.memory_space<vmem>> -> memref<128x40xf32, #tpu.memory_space<vmem>>
      %dma_start3A_1650 = arith.constant 0 : i32
      %dma_start3A_1651 = tpu.memref_slice %arg10[%dma_start3A_1646, %dma_start3A_1650] : memref<4x128xi32, #tpu.memory_space<vmem>> -> memref<1x128xi32, #tpu.memory_space<vmem>>
      %dma_start3A_1652 = tpu.memref_squeeze %dma_start3A_1651 : memref<1x128xi32, #tpu.memory_space<vmem>> -> memref<128xi32, #tpu.memory_space<vmem>>
      %dma_start3A_1653 = arith.constant 0 : i32
      %dma_start3A_1654 = arith.constant 0 : i32
      %dma_start3A_1655 = tpu.memref_slice %arg5[%dma_start3A_1653, %dma_start3A_1654] : memref<1048576x40xf32, #tpu.memory_space<hbm>> -> memref<1048576x40xf32, #tpu.memory_space<hbm>>
      tpu.enqueue_indirect_dma source(%dma_start3A_1655 : memref<1048576x40xf32, #tpu.memory_space<hbm>>) target(%dma_start3A_1649 : memref<128x40xf32, #tpu.memory_space<vmem>>) offsets(%dma_start3A_1652 : memref<128xi32, #tpu.memory_space<vmem>>) semaphore(%arg13 : memref<!tpu.dma_semaphore, #tpu.memory_space<semaphore_mem>>)
      %dma_start3A_1656 = arith.constant 2 : i32
      %dma_start3A_1657 = arith.constant 256 : i32
      %dma_start3A_1658 = arith.constant 0 : i32
      %dma_start3A_1659 = tpu.memref_slice %arg11[%dma_start3A_1657, %dma_start3A_1658] : memref<512x40xf32, #tpu.memory_space<vmem>> -> memref<128x40xf32, #tpu.memory_space<vmem>>
      %dma_start3A_1660 = arith.constant 0 : i32
      %dma_start3A_1661 = tpu.memref_slice %arg10[%dma_start3A_1656, %dma_start3A_1660] : memref<4x128xi32, #tpu.memory_space<vmem>> -> memref<1x128xi32, #tpu.memory_space<vmem>>
      %dma_start3A_1662 = tpu.memref_squeeze %dma_start3A_1661 : memref<1x128xi32, #tpu.memory_space<vmem>> -> memref<128xi32, #tpu.memory_space<vmem>>
      %dma_start3A_1663 = arith.constant 0 : i32
      %dma_start3A_1664 = arith.constant 0 : i32
      %dma_start3A_1665 = tpu.memref_slice %arg5[%dma_start3A_1663, %dma_start3A_1664] : memref<1048576x40xf32, #tpu.memory_space<hbm>> -> memref<1048576x40xf32, #tpu.memory_space<hbm>>
      tpu.enqueue_indirect_dma source(%dma_start3A_1665 : memref<1048576x40xf32, #tpu.memory_space<hbm>>) target(%dma_start3A_1659 : memref<128x40xf32, #tpu.memory_space<vmem>>) offsets(%dma_start3A_1662 : memref<128xi32, #tpu.memory_space<vmem>>) semaphore(%arg13 : memref<!tpu.dma_semaphore, #tpu.memory_space<semaphore_mem>>)
      %dma_start3A_1666 = arith.constant 3 : i32
      %dma_start3A_1667 = arith.constant 384 : i32
      %dma_start3A_1668 = arith.constant 0 : i32
      %dma_start3A_1669 = tpu.memref_slice %arg11[%dma_start3A_1667, %dma_start3A_1668] : memref<512x40xf32, #tpu.memory_space<vmem>> -> memref<128x40xf32, #tpu.memory_space<vmem>>
      %dma_start3A_1670 = arith.constant 0 : i32
      %dma_start3A_1671 = tpu.memref_slice %arg10[%dma_start3A_1666, %dma_start3A_1670] : memref<4x128xi32, #tpu.memory_space<vmem>> -> memref<1x128xi32, #tpu.memory_space<vmem>>
      %dma_start3A_1672 = tpu.memref_squeeze %dma_start3A_1671 : memref<1x128xi32, #tpu.memory_space<vmem>> -> memref<128xi32, #tpu.memory_space<vmem>>
      %dma_start3A_1673 = arith.constant 0 : i32
      %dma_start3A_1674 = arith.constant 0 : i32
      %dma_start3A_1675 = tpu.memref_slice %arg5[%dma_start3A_1673, %dma_start3A_1674] : memref<1048576x40xf32, #tpu.memory_space<hbm>> -> memref<1048576x40xf32, #tpu.memory_space<hbm>>
      tpu.enqueue_indirect_dma source(%dma_start3A_1675 : memref<1048576x40xf32, #tpu.memory_space<hbm>>) target(%dma_start3A_1669 : memref<128x40xf32, #tpu.memory_space<vmem>>) offsets(%dma_start3A_1672 : memref<128xi32, #tpu.memory_space<vmem>>) semaphore(%arg13 : memref<!tpu.dma_semaphore, #tpu.memory_space<semaphore_mem>>)
      %dma_wait3A = arith.constant 0 : i32
      %dma_wait3A_1676 = arith.constant 0 : i32
      %dma_wait3A_1677 = arith.constant 0 : i32
      %dma_wait3A_1678 = tpu.memref_slice %arg11[%dma_wait3A_1676, %dma_wait3A_1677] : memref<512x40xf32, #tpu.memory_space<vmem>> -> memref<128x40xf32, #tpu.memory_space<vmem>>
      %dma_wait3A_1679 = arith.constant 0 : i32
      %dma_wait3A_1680 = tpu.memref_slice %arg10[%dma_wait3A, %dma_wait3A_1679] : memref<4x128xi32, #tpu.memory_space<vmem>> -> memref<1x128xi32, #tpu.memory_space<vmem>>
      %dma_wait3A_1681 = tpu.memref_squeeze %dma_wait3A_1680 : memref<1x128xi32, #tpu.memory_space<vmem>> -> memref<128xi32, #tpu.memory_space<vmem>>
      %dma_wait3A_1682 = arith.constant 0 : i32
      %dma_wait3A_1683 = arith.constant 0 : i32
      %dma_wait3A_1684 = tpu.memref_slice %arg5[%dma_wait3A_1682, %dma_wait3A_1683] : memref<1048576x40xf32, #tpu.memory_space<hbm>> -> memref<1048576x40xf32, #tpu.memory_space<hbm>>
      tpu.wait_indirect_dma semaphore(%arg13 : memref<!tpu.dma_semaphore, #tpu.memory_space<semaphore_mem>>) src(%dma_wait3A_1684 : memref<1048576x40xf32, #tpu.memory_space<hbm>>) dst(%dma_wait3A_1678 : memref<128x40xf32, #tpu.memory_space<vmem>>)
      %dma_wait3A_1685 = arith.constant 1 : i32
      %dma_wait3A_1686 = arith.constant 128 : i32
      %dma_wait3A_1687 = arith.constant 0 : i32
      %dma_wait3A_1688 = tpu.memref_slice %arg11[%dma_wait3A_1686, %dma_wait3A_1687] : memref<512x40xf32, #tpu.memory_space<vmem>> -> memref<128x40xf32, #tpu.memory_space<vmem>>
      %dma_wait3A_1689 = arith.constant 0 : i32
      %dma_wait3A_1690 = tpu.memref_slice %arg10[%dma_wait3A_1685, %dma_wait3A_1689] : memref<4x128xi32, #tpu.memory_space<vmem>> -> memref<1x128xi32, #tpu.memory_space<vmem>>
      %dma_wait3A_1691 = tpu.memref_squeeze %dma_wait3A_1690 : memref<1x128xi32, #tpu.memory_space<vmem>> -> memref<128xi32, #tpu.memory_space<vmem>>
      %dma_wait3A_1692 = arith.constant 0 : i32
      %dma_wait3A_1693 = arith.constant 0 : i32
      %dma_wait3A_1694 = tpu.memref_slice %arg5[%dma_wait3A_1692, %dma_wait3A_1693] : memref<1048576x40xf32, #tpu.memory_space<hbm>> -> memref<1048576x40xf32, #tpu.memory_space<hbm>>
      tpu.wait_indirect_dma semaphore(%arg13 : memref<!tpu.dma_semaphore, #tpu.memory_space<semaphore_mem>>) src(%dma_wait3A_1694 : memref<1048576x40xf32, #tpu.memory_space<hbm>>) dst(%dma_wait3A_1688 : memref<128x40xf32, #tpu.memory_space<vmem>>)
      %dma_wait3A_1695 = arith.constant 2 : i32
      %dma_wait3A_1696 = arith.constant 256 : i32
      %dma_wait3A_1697 = arith.constant 0 : i32
      %dma_wait3A_1698 = tpu.memref_slice %arg11[%dma_wait3A_1696, %dma_wait3A_1697] : memref<512x40xf32, #tpu.memory_space<vmem>> -> memref<128x40xf32, #tpu.memory_space<vmem>>
      %dma_wait3A_1699 = arith.constant 0 : i32
      %dma_wait3A_1700 = tpu.memref_slice %arg10[%dma_wait3A_1695, %dma_wait3A_1699] : memref<4x128xi32, #tpu.memory_space<vmem>> -> memref<1x128xi32, #tpu.memory_space<vmem>>
      %dma_wait3A_1701 = tpu.memref_squeeze %dma_wait3A_1700 : memref<1x128xi32, #tpu.memory_space<vmem>> -> memref<128xi32, #tpu.memory_space<vmem>>
      %dma_wait3A_1702 = arith.constant 0 : i32
      %dma_wait3A_1703 = arith.constant 0 : i32
      %dma_wait3A_1704 = tpu.memref_slice %arg5[%dma_wait3A_1702, %dma_wait3A_1703] : memref<1048576x40xf32, #tpu.memory_space<hbm>> -> memref<1048576x40xf32, #tpu.memory_space<hbm>>
      tpu.wait_indirect_dma semaphore(%arg13 : memref<!tpu.dma_semaphore, #tpu.memory_space<semaphore_mem>>) src(%dma_wait3A_1704 : memref<1048576x40xf32, #tpu.memory_space<hbm>>) dst(%dma_wait3A_1698 : memref<128x40xf32, #tpu.memory_space<vmem>>)
      %dma_wait3A_1705 = arith.constant 3 : i32
      %dma_wait3A_1706 = arith.constant 384 : i32
      %dma_wait3A_1707 = arith.constant 0 : i32
      %dma_wait3A_1708 = tpu.memref_slice %arg11[%dma_wait3A_1706, %dma_wait3A_1707] : memref<512x40xf32, #tpu.memory_space<vmem>> -> memref<128x40xf32, #tpu.memory_space<vmem>>
      %dma_wait3A_1709 = arith.constant 0 : i32
      %dma_wait3A_1710 = tpu.memref_slice %arg10[%dma_wait3A_1705, %dma_wait3A_1709] : memref<4x128xi32, #tpu.memory_space<vmem>> -> memref<1x128xi32, #tpu.memory_space<vmem>>
      %dma_wait3A_1711 = tpu.memref_squeeze %dma_wait3A_1710 : memref<1x128xi32, #tpu.memory_space<vmem>> -> memref<128xi32, #tpu.memory_space<vmem>>
      %dma_wait3A_1712 = arith.constant 0 : i32
      %dma_wait3A_1713 = arith.constant 0 : i32
      %dma_wait3A_1714 = tpu.memref_slice %arg5[%dma_wait3A_1712, %dma_wait3A_1713] : memref<1048576x40xf32, #tpu.memory_space<hbm>> -> memref<1048576x40xf32, #tpu.memory_space<hbm>>
      tpu.wait_indirect_dma semaphore(%arg13 : memref<!tpu.dma_semaphore, #tpu.memory_space<semaphore_mem>>) src(%dma_wait3A_1714 : memref<1048576x40xf32, #tpu.memory_space<hbm>>) dst(%dma_wait3A_1708 : memref<128x40xf32, #tpu.memory_space<vmem>>)
      %scan3A_1715 = arith.constant 0 : i32
      %scan3A_1716 = arith.constant 0 : i32
      %scan3A_1717 = arith.constant 32 : i32
      %scan3A_1718 = arith.addi %scan3A_1716, %scan3A_1717 : i32
      %scan3A_1719 = arith.constant 1 : i32
      scf.for %scan3A_1770 = %scan3A_1716 to %scan3A_1718 step %scan3A_1719  : i32 {
        %mul3A_1771 = arith.constant 16 : i32
        %mul3A_1772 = arith.muli %scan3A_1770, %mul3A_1771 : i32
        %add3A_1773 = vector.broadcast %mul3A_1772 : i32 to vector<16xi32>
        %add3A_1774 = arith.addi %iota3A, %add3A_1773 : vector<16xi32>
        %jit3A_1775 = arith.constant 8 : i32
        %div3A_1776 = arith.divsi %scan3A_1770, %jit3A_1775 : i32
        %sign3A_1777 = arith.constant 0 : i32
        %sign3A_1778 = arith.cmpi sgt, %scan3A_1770, %sign3A_1777 : i32
        %sign3A_1779 = arith.extui %sign3A_1778 : i1 to i32
        %sign3A_1780 = arith.constant 0 : i32
        %sign3A_1781 = arith.cmpi slt, %scan3A_1770, %sign3A_1780 : i32
        %sign3A_1782 = arith.extui %sign3A_1781 : i1 to i32
        %sign3A_1783 = arith.subi %sign3A_1779, %sign3A_1782 : i32
        %sign3A_1784 = arith.constant 0 : i32
        %sign3A_1785 = arith.cmpi sgt, %jit3A_1775, %sign3A_1784 : i32
        %sign3A_1786 = arith.extui %sign3A_1785 : i1 to i32
        %sign3A_1787 = arith.constant 0 : i32
        %sign3A_1788 = arith.cmpi slt, %jit3A_1775, %sign3A_1787 : i32
        %sign3A_1789 = arith.extui %sign3A_1788 : i1 to i32
        %sign3A_1790 = arith.subi %sign3A_1786, %sign3A_1789 : i32
        %ne3A_1791 = arith.cmpi ne, %sign3A_1783, %sign3A_1790 : i32
        %rem3A_1792 = arith.remsi %scan3A_1770, %jit3A_1775 : i32
        %ne3A_1793 = arith.constant 0 : i32
        %ne3A_1794 = arith.cmpi ne, %rem3A_1792, %ne3A_1793 : i32
        %and3A_1795 = arith.andi %ne3A_1791, %ne3A_1794 : i1
        %sub3A_1796 = arith.constant 1 : i32
        %sub3A_1797 = arith.subi %div3A_1776, %sub3A_1796 : i32
        %select_n3A_1798 = arith.select %and3A_1795, %sub3A_1797, %div3A_1776 : i32
        %mul3A_1799 = arith.constant 1024 : i32
        %mul3A_1800 = arith.muli %select_n3A_1798, %mul3A_1799 : i32
        %jit3A_1801 = arith.constant 8 : i32
        %eq3A = arith.constant 0 : i32
        %eq3A_1802 = arith.cmpi eq, %jit3A_1801, %eq3A : i32
        %jit3A_1803 = arith.constant 1 : i32
        %select_n3A_1804 = arith.select %eq3A_1802, %jit3A_1803, %jit3A_1801 : i32
        %rem3A_1805 = arith.remsi %scan3A_1770, %select_n3A_1804 : i32
        %ne3A_1806 = arith.constant 0 : i32
        %ne3A_1807 = arith.cmpi ne, %rem3A_1805, %ne3A_1806 : i32
        %lt3A = arith.constant 0 : i32
        %lt3A_1808 = arith.cmpi slt, %rem3A_1805, %lt3A : i32
        %lt3A_1809 = arith.constant 0 : i32
        %lt3A_1810 = arith.cmpi slt, %select_n3A_1804, %lt3A_1809 : i32
        %ne3A_1811 = arith.xori %lt3A_1808, %lt3A_1810 : i1
        %and3A_1812 = arith.andi %ne3A_1811, %ne3A_1807 : i1
        %add3A_1813 = arith.addi %rem3A_1805, %select_n3A_1804 : i32
        %select_n3A_1814 = arith.select %and3A_1812, %add3A_1813, %rem3A_1805 : i32
        %mul3A_1815 = arith.constant 16 : i32
        %mul3A_1816 = arith.muli %select_n3A_1814, %mul3A_1815 : i32
        %add3A_1817 = arith.addi %mul3A_1800, %mul3A_1816 : i32
        %mul3A_1818 = arith.constant 16 : i32
        %mul3A_1819 = arith.muli %scan3A_1770, %mul3A_1818 : i32
        %get3A_1820 = arith.index_cast %mul3A_1819 : i32 to index
        %get3A_1821 = tpu.vector_load %arg7[%get3A_1820] {strides = array<i32>} : memref<512xf32, #tpu.memory_space<vmem>>, vector<16xf32>,
        %mul3A_1822 = arith.constant 1.280000e+02 : f32
        %mul3A_1823 = vector.broadcast %mul3A_1822 : f32 to vector<16xf32>
        %mul3A_1824 = arith.mulf %get3A_1821, %mul3A_1823 : vector<16xf32>
        %mul3A_1825 = arith.constant 16 : i32
        %mul3A_1826 = arith.muli %scan3A_1770, %mul3A_1825 : i32
        %get3A_1827 = arith.index_cast %mul3A_1826 : i32 to index
        %get3A_1828 = tpu.vector_load %arg8[%get3A_1827] {strides = array<i32>} : memref<512xf32, #tpu.memory_space<vmem>>, vector<16xf32>,
        %mul3A_1829 = arith.constant 1.280000e+02 : f32
        %mul3A_1830 = vector.broadcast %mul3A_1829 : f32 to vector<16xf32>
        %mul3A_1831 = arith.mulf %get3A_1828, %mul3A_1830 : vector<16xf32>
        %mul3A_1832 = arith.constant 16 : i32
        %mul3A_1833 = arith.muli %scan3A_1770, %mul3A_1832 : i32
        %get3A_1834 = arith.index_cast %mul3A_1833 : i32 to index
        %get3A_1835 = tpu.vector_load %arg9[%get3A_1834] {strides = array<i32>} : memref<512xf32, #tpu.memory_space<vmem>>, vector<16xf32>,
        %mul3A_1836 = arith.constant 1.280000e+02 : f32
        %mul3A_1837 = vector.broadcast %mul3A_1836 : f32 to vector<16xf32>
        %mul3A_1838 = arith.mulf %get3A_1835, %mul3A_1837 : vector<16xf32>
        %convert_element_type3A_1839 = arith.fptosi %mul3A_1824 : vector<16xf32> to vector<16xi32>
        %convert_element_type3A_1840 = arith.fptosi %mul3A_1831 : vector<16xf32> to vector<16xi32>
        %convert_element_type3A_1841 = arith.fptosi %mul3A_1838 : vector<16xf32> to vector<16xi32>
        %jit3A_1842 = arith.constant 0 : i32
        %jit3A_1843 = arith.constant 127 : i32
        %max3A_1844 = vector.broadcast %jit3A_1842 : i32 to vector<16xi32>
        %max3A_1845 = arith.maxsi %max3A_1844, %convert_element_type3A_1841 : vector<16xi32>
        %min3A_1846 = vector.broadcast %jit3A_1843 : i32 to vector<16xi32>
        %min3A_1847 = arith.minsi %min3A_1846, %max3A_1845 : vector<16xi32>
        %and3A_1848 = arith.constant 1 : i32
        %and3A_1849 = vector.broadcast %and3A_1848 : i32 to vector<16xi32>
        %and3A_1850 = arith.andi %min3A_1847, %and3A_1849 : vector<16xi32>
        %mul3A_1851 = arith.constant 20 : i32
        %mul3A_1852 = vector.broadcast %mul3A_1851 : i32 to vector<16xi32>
        %mul3A_1853 = arith.muli %and3A_1850, %mul3A_1852 : vector<16xi32>
        %add3A_1854 = arith.constant 0 : i32
        %add3A_1855 = vector.broadcast %add3A_1854 : i32 to vector<16xi32>
        %add3A_1856 = arith.addi %mul3A_1853, %add3A_1855 : vector<16xi32>
        %gather3A = tpu.vector_load_idx %arg11[%add3A_1774, %add3A_1856] : memref<512x40xf32, #tpu.memory_space<vmem>>[vector<16xi32>, vector<16xi32>], vector<16xf32>,
        %add3A_1857 = arith.constant 1 : i32
        %add3A_1858 = vector.broadcast %add3A_1857 : i32 to vector<16xi32>
        %add3A_1859 = arith.addi %mul3A_1853, %add3A_1858 : vector<16xi32>
        %gather3A_1860 = tpu.vector_load_idx %arg11[%add3A_1774, %add3A_1859] : memref<512x40xf32, #tpu.memory_space<vmem>>[vector<16xi32>, vector<16xi32>], vector<16xf32>,
        %add3A_1861 = arith.constant 2 : i32
        %add3A_1862 = vector.broadcast %add3A_1861 : i32 to vector<16xi32>
        %add3A_1863 = arith.addi %mul3A_1853, %add3A_1862 : vector<16xi32>
        %gather3A_1864 = tpu.vector_load_idx %arg11[%add3A_1774, %add3A_1863] : memref<512x40xf32, #tpu.memory_space<vmem>>[vector<16xi32>, vector<16xi32>], vector<16xf32>,
        %add3A_1865 = arith.constant 3 : i32
        %add3A_1866 = vector.broadcast %add3A_1865 : i32 to vector<16xi32>
        %add3A_1867 = arith.addi %mul3A_1853, %add3A_1866 : vector<16xi32>
        %gather3A_1868 = tpu.vector_load_idx %arg11[%add3A_1774, %add3A_1867] : memref<512x40xf32, #tpu.memory_space<vmem>>[vector<16xi32>, vector<16xi32>], vector<16xf32>,
        %add3A_1869 = arith.constant 4 : i32
        %add3A_1870 = vector.broadcast %add3A_1869 : i32 to vector<16xi32>
        %add3A_1871 = arith.addi %mul3A_1853, %add3A_1870 : vector<16xi32>
        %gather3A_1872 = tpu.vector_load_idx %arg11[%add3A_1774, %add3A_1871] : memref<512x40xf32, #tpu.memory_space<vmem>>[vector<16xi32>, vector<16xi32>], vector<16xf32>,
        %add3A_1873 = arith.constant 5 : i32
        %add3A_1874 = vector.broadcast %add3A_1873 : i32 to vector<16xi32>
        %add3A_1875 = arith.addi %mul3A_1853, %add3A_1874 : vector<16xi32>
        %gather3A_1876 = tpu.vector_load_idx %arg11[%add3A_1774, %add3A_1875] : memref<512x40xf32, #tpu.memory_space<vmem>>[vector<16xi32>, vector<16xi32>], vector<16xf32>,
        %add3A_1877 = arith.constant 6 : i32
        %add3A_1878 = vector.broadcast %add3A_1877 : i32 to vector<16xi32>
        %add3A_1879 = arith.addi %mul3A_1853, %add3A_1878 : vector<16xi32>
        %gather3A_1880 = tpu.vector_load_idx %arg11[%add3A_1774, %add3A_1879] : memref<512x40xf32, #tpu.memory_space<vmem>>[vector<16xi32>, vector<16xi32>], vector<16xf32>,
        %add3A_1881 = arith.constant 7 : i32
        %add3A_1882 = vector.broadcast %add3A_1881 : i32 to vector<16xi32>
        %add3A_1883 = arith.addi %mul3A_1853, %add3A_1882 : vector<16xi32>
        %gather3A_1884 = tpu.vector_load_idx %arg11[%add3A_1774, %add3A_1883] : memref<512x40xf32, #tpu.memory_space<vmem>>[vector<16xi32>, vector<16xi32>], vector<16xf32>,
        %add3A_1885 = arith.constant 8 : i32
        %add3A_1886 = vector.broadcast %add3A_1885 : i32 to vector<16xi32>
        %add3A_1887 = arith.addi %mul3A_1853, %add3A_1886 : vector<16xi32>
        %gather3A_1888 = tpu.vector_load_idx %arg11[%add3A_1774, %add3A_1887] : memref<512x40xf32, #tpu.memory_space<vmem>>[vector<16xi32>, vector<16xi32>], vector<16xf32>,
        %add3A_1889 = arith.constant 9 : i32
        %add3A_1890 = vector.broadcast %add3A_1889 : i32 to vector<16xi32>
        %add3A_1891 = arith.addi %mul3A_1853, %add3A_1890 : vector<16xi32>
        %gather3A_1892 = tpu.vector_load_idx %arg11[%add3A_1774, %add3A_1891] : memref<512x40xf32, #tpu.memory_space<vmem>>[vector<16xi32>, vector<16xi32>], vector<16xf32>,
        %add3A_1893 = arith.constant 10 : i32
        %add3A_1894 = vector.broadcast %add3A_1893 : i32 to vector<16xi32>
        %add3A_1895 = arith.addi %mul3A_1853, %add3A_1894 : vector<16xi32>
        %gather3A_1896 = tpu.vector_load_idx %arg11[%add3A_1774, %add3A_1895] : memref<512x40xf32, #tpu.memory_space<vmem>>[vector<16xi32>, vector<16xi32>], vector<16xf32>,
        %add3A_1897 = arith.constant 11 : i32
        %add3A_1898 = vector.broadcast %add3A_1897 : i32 to vector<16xi32>
        %add3A_1899 = arith.addi %mul3A_1853, %add3A_1898 : vector<16xi32>
        %gather3A_1900 = tpu.vector_load_idx %arg11[%add3A_1774, %add3A_1899] : memref<512x40xf32, #tpu.memory_space<vmem>>[vector<16xi32>, vector<16xi32>], vector<16xf32>,
        %add3A_1901 = arith.constant 12 : i32
        %add3A_1902 = vector.broadcast %add3A_1901 : i32 to vector<16xi32>
        %add3A_1903 = arith.addi %mul3A_1853, %add3A_1902 : vector<16xi32>
        %gather3A_1904 = tpu.vector_load_idx %arg11[%add3A_1774, %add3A_1903] : memref<512x40xf32, #tpu.memory_space<vmem>>[vector<16xi32>, vector<16xi32>], vector<16xf32>,
        %add3A_1905 = arith.constant 13 : i32
        %add3A_1906 = vector.broadcast %add3A_1905 : i32 to vector<16xi32>
        %add3A_1907 = arith.addi %mul3A_1853, %add3A_1906 : vector<16xi32>
        %gather3A_1908 = tpu.vector_load_idx %arg11[%add3A_1774, %add3A_1907] : memref<512x40xf32, #tpu.memory_space<vmem>>[vector<16xi32>, vector<16xi32>], vector<16xf32>,
        %add3A_1909 = arith.constant 14 : i32
        %add3A_1910 = vector.broadcast %add3A_1909 : i32 to vector<16xi32>
        %add3A_1911 = arith.addi %mul3A_1853, %add3A_1910 : vector<16xi32>
        %gather3A_1912 = tpu.vector_load_idx %arg11[%add3A_1774, %add3A_1911] : memref<512x40xf32, #tpu.memory_space<vmem>>[vector<16xi32>, vector<16xi32>], vector<16xf32>,
        %add3A_1913 = arith.constant 15 : i32
        %add3A_1914 = vector.broadcast %add3A_1913 : i32 to vector<16xi32>
        %add3A_1915 = arith.addi %mul3A_1853, %add3A_1914 : vector<16xi32>
        %gather3A_1916 = tpu.vector_load_idx %arg11[%add3A_1774, %add3A_1915] : memref<512x40xf32, #tpu.memory_space<vmem>>[vector<16xi32>, vector<16xi32>], vector<16xf32>,
        %add3A_1917 = arith.constant 16 : i32
        %add3A_1918 = vector.broadcast %add3A_1917 : i32 to vector<16xi32>
        %add3A_1919 = arith.addi %mul3A_1853, %add3A_1918 : vector<16xi32>
        %gather3A_1920 = tpu.vector_load_idx %arg11[%add3A_1774, %add3A_1919] : memref<512x40xf32, #tpu.memory_space<vmem>>[vector<16xi32>, vector<16xi32>], vector<16xf32>,
        %add3A_1921 = arith.constant 17 : i32
        %add3A_1922 = vector.broadcast %add3A_1921 : i32 to vector<16xi32>
        %add3A_1923 = arith.addi %mul3A_1853, %add3A_1922 : vector<16xi32>
        %gather3A_1924 = tpu.vector_load_idx %arg11[%add3A_1774, %add3A_1923] : memref<512x40xf32, #tpu.memory_space<vmem>>[vector<16xi32>, vector<16xi32>], vector<16xf32>,
        %add3A_1925 = arith.constant 18 : i32
        %add3A_1926 = vector.broadcast %add3A_1925 : i32 to vector<16xi32>
        %add3A_1927 = arith.addi %mul3A_1853, %add3A_1926 : vector<16xi32>
        %gather3A_1928 = tpu.vector_load_idx %arg11[%add3A_1774, %add3A_1927] : memref<512x40xf32, #tpu.memory_space<vmem>>[vector<16xi32>, vector<16xi32>], vector<16xf32>,
        %add3A_1929 = arith.constant 19 : i32
        %add3A_1930 = vector.broadcast %add3A_1929 : i32 to vector<16xi32>
        %add3A_1931 = arith.addi %mul3A_1853, %add3A_1930 : vector<16xi32>
        %gather3A_1932 = tpu.vector_load_idx %arg11[%add3A_1774, %add3A_1931] : memref<512x40xf32, #tpu.memory_space<vmem>>[vector<16xi32>, vector<16xi32>], vector<16xf32>,
        %convert_element_type3A_1933 = arith.sitofp %convert_element_type3A_1839 : vector<16xi32> to vector<16xf32>
        %sub3A_1934 = arith.subf %mul3A_1824, %convert_element_type3A_1933 : vector<16xf32>
        %sub3A_1935 = arith.constant 5.000000e-01 : f32
        %sub3A_1936 = vector.broadcast %sub3A_1935 : f32 to vector<16xf32>
        %sub3A_1937 = arith.subf %sub3A_1934, %sub3A_1936 : vector<16xf32>
        %mul3A_1938 = arith.mulf %sub3A_1937, %sub3A_1937 : vector<16xf32>
        %broadcast_in_dim3A = arith.constant -6.57556581 : f32
        %broadcast_in_dim3A_1939 = vector.broadcast %broadcast_in_dim3A : f32 to vector<16xf32>
        %mul3A_1940 = arith.mulf %broadcast_in_dim3A_1939, %mul3A_1938 : vector<16xf32>
        %add3A_1941 = arith.constant 26.0004978 : f32
        %add3A_1942 = vector.broadcast %add3A_1941 : f32 to vector<16xf32>
        %add3A_1943 = arith.addf %mul3A_1940, %add3A_1942 : vector<16xf32>
        %mul3A_1944 = arith.mulf %add3A_1943, %mul3A_1938 : vector<16xf32>
        %add3A_1945 = arith.constant -60.1762237 : f32
        %add3A_1946 = vector.broadcast %add3A_1945 : f32 to vector<16xf32>
        %add3A_1947 = arith.addf %mul3A_1944, %add3A_1946 : vector<16xf32>
        %mul3A_1948 = arith.mulf %add3A_1947, %mul3A_1938 : vector<16xf32>
        %add3A_1949 = arith.constant 85.4511642 : f32
        %add3A_1950 = vector.broadcast %add3A_1949 : f32 to vector<16xf32>
        %add3A_1951 = arith.addf %mul3A_1948, %add3A_1950 : vector<16xf32>
        %mul3A_1952 = arith.mulf %add3A_1951, %mul3A_1938 : vector<16xf32>
        %add3A_1953 = arith.constant -64.9391708 : f32
        %add3A_1954 = vector.broadcast %add3A_1953 : f32 to vector<16xf32>
        %add3A_1955 = arith.addf %mul3A_1952, %add3A_1954 : vector<16xf32>
        %mul3A_1956 = arith.mulf %add3A_1955, %mul3A_1938 : vector<16xf32>
        %add3A_1957 = arith.constant 19.7392063 : f32
        %add3A_1958 = vector.broadcast %add3A_1957 : f32 to vector<16xf32>
        %add3A_1959 = arith.addf %mul3A_1956, %add3A_1958 : vector<16xf32>
        %mul3A_1960 = arith.mulf %add3A_1959, %mul3A_1938 : vector<16xf32>
        %add3A_1961 = arith.constant -1.000000e+00 : f32
        %add3A_1962 = vector.broadcast %add3A_1961 : f32 to vector<16xf32>
        %add3A_1963 = arith.addf %mul3A_1960, %add3A_1962 : vector<16xf32>
        %broadcast_in_dim3A_1964 = arith.constant -3.25818324 : f32
        %broadcast_in_dim3A_1965 = vector.broadcast %broadcast_in_dim3A_1964 : f32 to vector<16xf32>
        %mul3A_1966 = arith.mulf %broadcast_in_dim3A_1965, %mul3A_1938 : vector<16xf32>
        %add3A_1967 = arith.constant 14.9139051 : f32
        %add3A_1968 = vector.broadcast %add3A_1967 : f32 to vector<16xf32>
        %add3A_1969 = arith.addf %mul3A_1966, %add3A_1968 : vector<16xf32>
        %mul3A_1970 = arith.mulf %add3A_1969, %mul3A_1938 : vector<16xf32>
        %add3A_1971 = arith.constant -4.202960e+01 : f32
        %add3A_1972 = vector.broadcast %add3A_1971 : f32 to vector<16xf32>
        %add3A_1973 = arith.addf %mul3A_1970, %add3A_1972 : vector<16xf32>
        %mul3A_1974 = arith.mulf %add3A_1973, %mul3A_1938 : vector<16xf32>
        %add3A_1975 = arith.constant 76.7034531 : f32
        %add3A_1976 = vector.broadcast %add3A_1975 : f32 to vector<16xf32>
        %add3A_1977 = arith.addf %mul3A_1974, %add3A_1976 : vector<16xf32>
        %mul3A_1978 = arith.mulf %add3A_1977, %mul3A_1938 : vector<16xf32>
        %add3A_1979 = arith.constant -81.6051559 : f32
        %add3A_1980 = vector.broadcast %add3A_1979 : f32 to vector<16xf32>
        %add3A_1981 = arith.addf %mul3A_1978, %add3A_1980 : vector<16xf32>
        %mul3A_1982 = arith.mulf %add3A_1981, %mul3A_1938 : vector<16xf32>
        %add3A_1983 = arith.constant 4.134170e+01 : f32
        %add3A_1984 = vector.broadcast %add3A_1983 : f32 to vector<16xf32>
        %add3A_1985 = arith.addf %mul3A_1982, %add3A_1984 : vector<16xf32>
        %mul3A_1986 = arith.mulf %add3A_1985, %mul3A_1938 : vector<16xf32>
        %add3A_1987 = arith.constant -6.28318548 : f32
        %add3A_1988 = vector.broadcast %add3A_1987 : f32 to vector<16xf32>
        %add3A_1989 = arith.addf %mul3A_1986, %add3A_1988 : vector<16xf32>
        %mul3A_1990 = arith.mulf %sub3A_1937, %add3A_1989 : vector<16xf32>
        %add3A_1991 = arith.addf %add3A_1963, %add3A_1963 : vector<16xf32>
        %broadcast_in_dim3A_1992 = arith.constant 1.000000e+00 : f32
        %broadcast_in_dim3A_1993 = vector.broadcast %broadcast_in_dim3A_1992 : f32 to vector<16xf32>
        %broadcast_in_dim3A_1994 = arith.constant 0.000000e+00 : f32
        %broadcast_in_dim3A_1995 = vector.broadcast %broadcast_in_dim3A_1994 : f32 to vector<16xf32>
        %mul3A_1996 = arith.mulf %add3A_1963, %gather3A : vector<16xf32>
        %add3A_1997 = arith.constant 0 : i32
        %add3A_1998 = arith.addi %add3A_1997, %add3A_1817 : i32
        %swap3A_1999 = arith.index_cast %add3A_1998 : i32 to index
        %swap3A_2000 = tpu.vector_load %arg12[%swap3A_1999] {strides = array<i32>} : memref<32768xf32, #tpu.memory_space<vmem>>, vector<16xf32>,
        tpu.vector_store %arg12[%swap3A_1999], %mul3A_1996 {strides = array<i32>} : memref<32768xf32, #tpu.memory_space<vmem>>, vector<16xf32>,
        %mul3A_2001 = arith.mulf %mul3A_1990, %gather3A_1896 : vector<16xf32>
        %add3A_2002 = arith.constant 384 : i32
        %add3A_2003 = arith.addi %add3A_2002, %add3A_1817 : i32
        %swap3A_2004 = arith.index_cast %add3A_2003 : i32 to index
        %swap3A_2005 = tpu.vector_load %arg12[%swap3A_2004] {strides = array<i32>} : memref<32768xf32, #tpu.memory_space<vmem>>, vector<16xf32>,
        tpu.vector_store %arg12[%swap3A_2004], %mul3A_2001 {strides = array<i32>} : memref<32768xf32, #tpu.memory_space<vmem>>, vector<16xf32>,
        %mul3A_2006 = arith.mulf %add3A_1991, %add3A_1963 : vector<16xf32>
        %sub3A_2007 = arith.subf %mul3A_2006, %broadcast_in_dim3A_1993 : vector<16xf32>
        %mul3A_2008 = arith.mulf %add3A_1991, %mul3A_1990 : vector<16xf32>
        %sub3A_2009 = arith.subf %mul3A_2008, %broadcast_in_dim3A_1995 : vector<16xf32>
        %mul3A_2010 = arith.mulf %sub3A_2007, %gather3A_1860 : vector<16xf32>
        %add3A_2011 = arith.constant 768 : i32
        %add3A_2012 = arith.addi %add3A_2011, %add3A_1817 : i32
        %swap3A_2013 = arith.index_cast %add3A_2012 : i32 to index
        %swap3A_2014 = tpu.vector_load %arg12[%swap3A_2013] {strides = array<i32>} : memref<32768xf32, #tpu.memory_space<vmem>>, vector<16xf32>,
        tpu.vector_store %arg12[%swap3A_2013], %mul3A_2010 {strides = array<i32>} : memref<32768xf32, #tpu.memory_space<vmem>>, vector<16xf32>,
        %mul3A_2015 = arith.mulf %sub3A_2009, %gather3A_1900 : vector<16xf32>
        %add3A_2016 = arith.constant 4224 : i32
        %add3A_2017 = arith.addi %add3A_2016, %add3A_1817 : i32
        %swap3A_2018 = arith.index_cast %add3A_2017 : i32 to index
        %swap3A_2019 = tpu.vector_load %arg12[%swap3A_2018] {strides = array<i32>} : memref<32768xf32, #tpu.memory_space<vmem>>, vector<16xf32>,
        tpu.vector_store %arg12[%swap3A_2018], %mul3A_2015 {strides = array<i32>} : memref<32768xf32, #tpu.memory_space<vmem>>, vector<16xf32>,
        %mul3A_2020 = arith.mulf %add3A_1991, %sub3A_2007 : vector<16xf32>
        %sub3A_2021 = arith.subf %mul3A_2020, %add3A_1963 : vector<16xf32>
        %mul3A_2022 = arith.mulf %add3A_1991, %sub3A_2009 : vector<16xf32>
        %sub3A_2023 = arith.subf %mul3A_2022, %mul3A_1990 : vector<16xf32>
        %mul3A_2024 = arith.mulf %sub3A_2021, %gather3A_1864 : vector<16xf32>
        %add3A_2025 = arith.constant 4608 : i32
        %add3A_2026 = arith.addi %add3A_2025, %add3A_1817 : i32
        %swap3A_2027 = arith.index_cast %add3A_2026 : i32 to index
        %swap3A_2028 = tpu.vector_load %arg12[%swap3A_2027] {strides = array<i32>} : memref<32768xf32, #tpu.memory_space<vmem>>, vector<16xf32>,
        tpu.vector_store %arg12[%swap3A_2027], %mul3A_2024 {strides = array<i32>} : memref<32768xf32, #tpu.memory_space<vmem>>, vector<16xf32>,
        %mul3A_2029 = arith.mulf %sub3A_2023, %gather3A_1904 : vector<16xf32>
        %add3A_2030 = arith.constant 4992 : i32
        %add3A_2031 = arith.addi %add3A_2030, %add3A_1817 : i32
        %swap3A_2032 = arith.index_cast %add3A_2031 : i32 to index
        %swap3A_2033 = tpu.vector_load %arg12[%swap3A_2032] {strides = array<i32>} : memref<32768xf32, #tpu.memory_space<vmem>>, vector<16xf32>,
        tpu.vector_store %arg12[%swap3A_2032], %mul3A_2029 {strides = array<i32>} : memref<32768xf32, #tpu.memory_space<vmem>>, vector<16xf32>,
        %mul3A_2034 = arith.mulf %add3A_1991, %sub3A_2021 : vector<16xf32>
        %sub3A_2035 = arith.subf %mul3A_2034, %sub3A_2007 : vector<16xf32>
        %mul3A_2036 = arith.mulf %add3A_1991, %sub3A_2023 : vector<16xf32>
        %sub3A_2037 = arith.subf %mul3A_2036, %sub3A_2009 : vector<16xf32>
        %mul3A_2038 = arith.mulf %sub3A_2035, %gather3A_1868 : vector<16xf32>
        %add3A_2039 = arith.constant 8448 : i32
        %add3A_2040 = arith.addi %add3A_2039, %add3A_1817 : i32
        %swap3A_2041 = arith.index_cast %add3A_2040 : i32 to index
        %swap3A_2042 = tpu.vector_load %arg12[%swap3A_2041] {strides = array<i32>} : memref<32768xf32, #tpu.memory_space<vmem>>, vector<16xf32>,
        tpu.vector_store %arg12[%swap3A_2041], %mul3A_2038 {strides = array<i32>} : memref<32768xf32, #tpu.memory_space<vmem>>, vector<16xf32>,
        %mul3A_2043 = arith.mulf %sub3A_2037, %gather3A_1908 : vector<16xf32>
        %add3A_2044 = arith.constant 8832 : i32
        %add3A_2045 = arith.addi %add3A_2044, %add3A_1817 : i32
        %swap3A_2046 = arith.index_cast %add3A_2045 : i32 to index
        %swap3A_2047 = tpu.vector_load %arg12[%swap3A_2046] {strides = array<i32>} : memref<32768xf32, #tpu.memory_space<vmem>>, vector<16xf32>,
        tpu.vector_store %arg12[%swap3A_2046], %mul3A_2043 {strides = array<i32>} : memref<32768xf32, #tpu.memory_space<vmem>>, vector<16xf32>,
        %mul3A_2048 = arith.mulf %add3A_1991, %sub3A_2035 : vector<16xf32>
        %sub3A_2049 = arith.subf %mul3A_2048, %sub3A_2021 : vector<16xf32>
        %mul3A_2050 = arith.mulf %add3A_1991, %sub3A_2037 : vector<16xf32>
        %sub3A_2051 = arith.subf %mul3A_2050, %sub3A_2023 : vector<16xf32>
        %mul3A_2052 = arith.mulf %sub3A_2049, %gather3A_1872 : vector<16xf32>
        %add3A_2053 = arith.constant 12288 : i32
        %add3A_2054 = arith.addi %add3A_2053, %add3A_1817 : i32
        %swap3A_2055 = arith.index_cast %add3A_2054 : i32 to index
        %swap3A_2056 = tpu.vector_load %arg12[%swap3A_2055] {strides = array<i32>} : memref<32768xf32, #tpu.memory_space<vmem>>, vector<16xf32>,
        tpu.vector_store %arg12[%swap3A_2055], %mul3A_2052 {strides = array<i32>} : memref<32768xf32, #tpu.memory_space<vmem>>, vector<16xf32>,
        %mul3A_2057 = arith.mulf %sub3A_2051, %gather3A_1912 : vector<16xf32>
        %add3A_2058 = arith.constant 12672 : i32
        %add3A_2059 = arith.addi %add3A_2058, %add3A_1817 : i32
        %swap3A_2060 = arith.index_cast %add3A_2059 : i32 to index
        %swap3A_2061 = tpu.vector_load %arg12[%swap3A_2060] {strides = array<i32>} : memref<32768xf32, #tpu.memory_space<vmem>>, vector<16xf32>,
        tpu.vector_store %arg12[%swap3A_2060], %mul3A_2057 {strides = array<i32>} : memref<32768xf32, #tpu.memory_space<vmem>>, vector<16xf32>,
        %mul3A_2062 = arith.mulf %add3A_1991, %sub3A_2049 : vector<16xf32>
        %sub3A_2063 = arith.subf %mul3A_2062, %sub3A_2035 : vector<16xf32>
        %mul3A_2064 = arith.mulf %add3A_1991, %sub3A_2051 : vector<16xf32>
        %sub3A_2065 = arith.subf %mul3A_2064, %sub3A_2037 : vector<16xf32>
        %mul3A_2066 = arith.mulf %sub3A_2063, %gather3A_1876 : vector<16xf32>
        %add3A_2067 = arith.constant 13056 : i32
        %add3A_2068 = arith.addi %add3A_2067, %add3A_1817 : i32
        %swap3A_2069 = arith.index_cast %add3A_2068 : i32 to index
        %swap3A_2070 = tpu.vector_load %arg12[%swap3A_2069] {strides = array<i32>} : memref<32768xf32, #tpu.memory_space<vmem>>, vector<16xf32>,
        tpu.vector_store %arg12[%swap3A_2069], %mul3A_2066 {strides = array<i32>} : memref<32768xf32, #tpu.memory_space<vmem>>, vector<16xf32>,
        %mul3A_2071 = arith.mulf %sub3A_2065, %gather3A_1916 : vector<16xf32>
        %add3A_2072 = arith.constant 16512 : i32
        %add3A_2073 = arith.addi %add3A_2072, %add3A_1817 : i32
        %swap3A_2074 = arith.index_cast %add3A_2073 : i32 to index
        %swap3A_2075 = tpu.vector_load %arg12[%swap3A_2074] {strides = array<i32>} : memref<32768xf32, #tpu.memory_space<vmem>>, vector<16xf32>,
        tpu.vector_store %arg12[%swap3A_2074], %mul3A_2071 {strides = array<i32>} : memref<32768xf32, #tpu.memory_space<vmem>>, vector<16xf32>,
        %mul3A_2076 = arith.mulf %add3A_1991, %sub3A_2063 : vector<16xf32>
        %sub3A_2077 = arith.subf %mul3A_2076, %sub3A_2049 : vector<16xf32>
        %mul3A_2078 = arith.mulf %add3A_1991, %sub3A_2065 : vector<16xf32>
        %sub3A_2079 = arith.subf %mul3A_2078, %sub3A_2051 : vector<16xf32>
        %mul3A_2080 = arith.mulf %sub3A_2077, %gather3A_1880 : vector<16xf32>
        %add3A_2081 = arith.constant 16896 : i32
        %add3A_2082 = arith.addi %add3A_2081, %add3A_1817 : i32
        %swap3A_2083 = arith.index_cast %add3A_2082 : i32 to index
        %swap3A_2084 = tpu.vector_load %arg12[%swap3A_2083] {strides = array<i32>} : memref<32768xf32, #tpu.memory_space<vmem>>, vector<16xf32>,
        tpu.vector_store %arg12[%swap3A_2083], %mul3A_2080 {strides = array<i32>} : memref<32768xf32, #tpu.memory_space<vmem>>, vector<16xf32>,
        %mul3A_2085 = arith.mulf %sub3A_2079, %gather3A_1920 : vector<16xf32>
        %add3A_2086 = arith.constant 17280 : i32
        %add3A_2087 = arith.addi %add3A_2086, %add3A_1817 : i32
        %swap3A_2088 = arith.index_cast %add3A_2087 : i32 to index
        %swap3A_2089 = tpu.vector_load %arg12[%swap3A_2088] {strides = array<i32>} : memref<32768xf32, #tpu.memory_space<vmem>>, vector<16xf32>,
        tpu.vector_store %arg12[%swap3A_2088], %mul3A_2085 {strides = array<i32>} : memref<32768xf32, #tpu.memory_space<vmem>>, vector<16xf32>,
        %mul3A_2090 = arith.mulf %add3A_1991, %sub3A_2077 : vector<16xf32>
        %sub3A_2091 = arith.subf %mul3A_2090, %sub3A_2063 : vector<16xf32>
        %mul3A_2092 = arith.mulf %add3A_1991, %sub3A_2079 : vector<16xf32>
        %sub3A_2093 = arith.subf %mul3A_2092, %sub3A_2065 : vector<16xf32>
        %mul3A_2094 = arith.mulf %sub3A_2091, %gather3A_1884 : vector<16xf32>
        %add3A_2095 = arith.constant 20736 : i32
        %add3A_2096 = arith.addi %add3A_2095, %add3A_1817 : i32
        %swap3A_2097 = arith.index_cast %add3A_2096 : i32 to index
        %swap3A_2098 = tpu.vector_load %arg12[%swap3A_2097] {strides = array<i32>} : memref<32768xf32, #tpu.memory_space<vmem>>, vector<16xf32>,
        tpu.vector_store %arg12[%swap3A_2097], %mul3A_2094 {strides = array<i32>} : memref<32768xf32, #tpu.memory_space<vmem>>, vector<16xf32>,
        %mul3A_2099 = arith.mulf %sub3A_2093, %gather3A_1924 : vector<16xf32>
        %add3A_2100 = arith.constant 21120 : i32
        %add3A_2101 = arith.addi %add3A_2100, %add3A_1817 : i32
        %swap3A_2102 = arith.index_cast %add3A_2101 : i32 to index
        %swap3A_2103 = tpu.vector_load %arg12[%swap3A_2102] {strides = array<i32>} : memref<32768xf32, #tpu.memory_space<vmem>>, vector<16xf32>,
        tpu.vector_store %arg12[%swap3A_2102], %mul3A_2099 {strides = array<i32>} : memref<32768xf32, #tpu.memory_space<vmem>>, vector<16xf32>,
        %mul3A_2104 = arith.mulf %add3A_1991, %sub3A_2091 : vector<16xf32>
        %sub3A_2105 = arith.subf %mul3A_2104, %sub3A_2077 : vector<16xf32>
        %mul3A_2106 = arith.mulf %add3A_1991, %sub3A_2093 : vector<16xf32>
        %sub3A_2107 = arith.subf %mul3A_2106, %sub3A_2079 : vector<16xf32>
        %mul3A_2108 = arith.mulf %sub3A_2105, %gather3A_1888 : vector<16xf32>
        %add3A_2109 = arith.constant 24576 : i32
        %add3A_2110 = arith.addi %add3A_2109, %add3A_1817 : i32
        %swap3A_2111 = arith.index_cast %add3A_2110 : i32 to index
        %swap3A_2112 = tpu.vector_load %arg12[%swap3A_2111] {strides = array<i32>} : memref<32768xf32, #tpu.memory_space<vmem>>, vector<16xf32>,
        tpu.vector_store %arg12[%swap3A_2111], %mul3A_2108 {strides = array<i32>} : memref<32768xf32, #tpu.memory_space<vmem>>, vector<16xf32>,
        %mul3A_2113 = arith.mulf %sub3A_2107, %gather3A_1928 : vector<16xf32>
        %add3A_2114 = arith.constant 24960 : i32
        %add3A_2115 = arith.addi %add3A_2114, %add3A_1817 : i32
        %swap3A_2116 = arith.index_cast %add3A_2115 : i32 to index
        %swap3A_2117 = tpu.vector_load %arg12[%swap3A_2116] {strides = array<i32>} : memref<32768xf32, #tpu.memory_space<vmem>>, vector<16xf32>,
        tpu.vector_store %arg12[%swap3A_2116], %mul3A_2113 {strides = array<i32>} : memref<32768xf32, #tpu.memory_space<vmem>>, vector<16xf32>,
        %mul3A_2118 = arith.mulf %add3A_1991, %sub3A_2105 : vector<16xf32>
        %sub3A_2119 = arith.subf %mul3A_2118, %sub3A_2091 : vector<16xf32>
        %mul3A_2120 = arith.mulf %add3A_1991, %sub3A_2107 : vector<16xf32>
        %sub3A_2121 = arith.subf %mul3A_2120, %sub3A_2093 : vector<16xf32>
        %mul3A_2122 = arith.mulf %sub3A_2119, %gather3A_1892 : vector<16xf32>
        %add3A_2123 = arith.constant 25344 : i32
        %add3A_2124 = arith.addi %add3A_2123, %add3A_1817 : i32
        %swap3A_2125 = arith.index_cast %add3A_2124 : i32 to index
        %swap3A_2126 = tpu.vector_load %arg12[%swap3A_2125] {strides = array<i32>} : memref<32768xf32, #tpu.memory_space<vmem>>, vector<16xf32>,
        tpu.vector_store %arg12[%swap3A_2125], %mul3A_2122 {strides = array<i32>} : memref<32768xf32, #tpu.memory_space<vmem>>, vector<16xf32>,
        %mul3A_2127 = arith.mulf %sub3A_2121, %gather3A_1932 : vector<16xf32>
        %add3A_2128 = arith.constant 28800 : i32
        %add3A_2129 = arith.addi %add3A_2128, %add3A_1817 : i32
        %swap3A_2130 = arith.index_cast %add3A_2129 : i32 to index
        %swap3A_2131 = tpu.vector_load %arg12[%swap3A_2130] {strides = array<i32>} : memref<32768xf32, #tpu.memory_space<vmem>>, vector<16xf32>,
        tpu.vector_store %arg12[%swap3A_2130], %mul3A_2127 {strides = array<i32>} : memref<32768xf32, #tpu.memory_space<vmem>>, vector<16xf32>,
        %convert_element_type3A_2132 = arith.sitofp %convert_element_type3A_1840 : vector<16xi32> to vector<16xf32>
        %sub3A_2133 = arith.subf %mul3A_1831, %convert_element_type3A_2132 : vector<16xf32>
        %sub3A_2134 = arith.constant 5.000000e-01 : f32
        %sub3A_2135 = vector.broadcast %sub3A_2134 : f32 to vector<16xf32>
        %sub3A_2136 = arith.subf %sub3A_2133, %sub3A_2135 : vector<16xf32>
        %mul3A_2137 = arith.mulf %sub3A_2136, %sub3A_2136 : vector<16xf32>
        %broadcast_in_dim3A_2138 = arith.constant -6.57556581 : f32
        %broadcast_in_dim3A_2139 = vector.broadcast %broadcast_in_dim3A_2138 : f32 to vector<16xf32>
        %mul3A_2140 = arith.mulf %broadcast_in_dim3A_2139, %mul3A_2137 : vector<16xf32>
        %add3A_2141 = arith.constant 26.0004978 : f32
        %add3A_2142 = vector.broadcast %add3A_2141 : f32 to vector<16xf32>
        %add3A_2143 = arith.addf %mul3A_2140, %add3A_2142 : vector<16xf32>
        %mul3A_2144 = arith.mulf %add3A_2143, %mul3A_2137 : vector<16xf32>
        %add3A_2145 = arith.constant -60.1762237 : f32
        %add3A_2146 = vector.broadcast %add3A_2145 : f32 to vector<16xf32>
        %add3A_2147 = arith.addf %mul3A_2144, %add3A_2146 : vector<16xf32>
        %mul3A_2148 = arith.mulf %add3A_2147, %mul3A_2137 : vector<16xf32>
        %add3A_2149 = arith.constant 85.4511642 : f32
        %add3A_2150 = vector.broadcast %add3A_2149 : f32 to vector<16xf32>
        %add3A_2151 = arith.addf %mul3A_2148, %add3A_2150 : vector<16xf32>
        %mul3A_2152 = arith.mulf %add3A_2151, %mul3A_2137 : vector<16xf32>
        %add3A_2153 = arith.constant -64.9391708 : f32
        %add3A_2154 = vector.broadcast %add3A_2153 : f32 to vector<16xf32>
        %add3A_2155 = arith.addf %mul3A_2152, %add3A_2154 : vector<16xf32>
        %mul3A_2156 = arith.mulf %add3A_2155, %mul3A_2137 : vector<16xf32>
        %add3A_2157 = arith.constant 19.7392063 : f32
        %add3A_2158 = vector.broadcast %add3A_2157 : f32 to vector<16xf32>
        %add3A_2159 = arith.addf %mul3A_2156, %add3A_2158 : vector<16xf32>
        %mul3A_2160 = arith.mulf %add3A_2159, %mul3A_2137 : vector<16xf32>
        %add3A_2161 = arith.constant -1.000000e+00 : f32
        %add3A_2162 = vector.broadcast %add3A_2161 : f32 to vector<16xf32>
        %add3A_2163 = arith.addf %mul3A_2160, %add3A_2162 : vector<16xf32>
        %broadcast_in_dim3A_2164 = arith.constant -3.25818324 : f32
        %broadcast_in_dim3A_2165 = vector.broadcast %broadcast_in_dim3A_2164 : f32 to vector<16xf32>
        %mul3A_2166 = arith.mulf %broadcast_in_dim3A_2165, %mul3A_2137 : vector<16xf32>
        %add3A_2167 = arith.constant 14.9139051 : f32
        %add3A_2168 = vector.broadcast %add3A_2167 : f32 to vector<16xf32>
        %add3A_2169 = arith.addf %mul3A_2166, %add3A_2168 : vector<16xf32>
        %mul3A_2170 = arith.mulf %add3A_2169, %mul3A_2137 : vector<16xf32>
        %add3A_2171 = arith.constant -4.202960e+01 : f32
        %add3A_2172 = vector.broadcast %add3A_2171 : f32 to vector<16xf32>
        %add3A_2173 = arith.addf %mul3A_2170, %add3A_2172 : vector<16xf32>
        %mul3A_2174 = arith.mulf %add3A_2173, %mul3A_2137 : vector<16xf32>
        %add3A_2175 = arith.constant 76.7034531 : f32
        %add3A_2176 = vector.broadcast %add3A_2175 : f32 to vector<16xf32>
        %add3A_2177 = arith.addf %mul3A_2174, %add3A_2176 : vector<16xf32>
        %mul3A_2178 = arith.mulf %add3A_2177, %mul3A_2137 : vector<16xf32>
        %add3A_2179 = arith.constant -81.6051559 : f32
        %add3A_2180 = vector.broadcast %add3A_2179 : f32 to vector<16xf32>
        %add3A_2181 = arith.addf %mul3A_2178, %add3A_2180 : vector<16xf32>
        %mul3A_2182 = arith.mulf %add3A_2181, %mul3A_2137 : vector<16xf32>
        %add3A_2183 = arith.constant 4.134170e+01 : f32
        %add3A_2184 = vector.broadcast %add3A_2183 : f32 to vector<16xf32>
        %add3A_2185 = arith.addf %mul3A_2182, %add3A_2184 : vector<16xf32>
        %mul3A_2186 = arith.mulf %add3A_2185, %mul3A_2137 : vector<16xf32>
        %add3A_2187 = arith.constant -6.28318548 : f32
        %add3A_2188 = vector.broadcast %add3A_2187 : f32 to vector<16xf32>
        %add3A_2189 = arith.addf %mul3A_2186, %add3A_2188 : vector<16xf32>
        %mul3A_2190 = arith.mulf %sub3A_2136, %add3A_2189 : vector<16xf32>
        %add3A_2191 = arith.addf %add3A_2163, %add3A_2163 : vector<16xf32>
        %broadcast_in_dim3A_2192 = arith.constant 1.000000e+00 : f32
        %broadcast_in_dim3A_2193 = vector.broadcast %broadcast_in_dim3A_2192 : f32 to vector<16xf32>
        %broadcast_in_dim3A_2194 = arith.constant 0.000000e+00 : f32
        %broadcast_in_dim3A_2195 = vector.broadcast %broadcast_in_dim3A_2194 : f32 to vector<16xf32>
        %mul3A_2196 = arith.mulf %add3A_2163, %gather3A : vector<16xf32>
        %add3A_2197 = arith.constant 128 : i32
        %add3A_2198 = arith.addi %add3A_2197, %add3A_1817 : i32
        %swap3A_2199 = arith.index_cast %add3A_2198 : i32 to index
        %swap3A_2200 = tpu.vector_load %arg12[%swap3A_2199] {strides = array<i32>} : memref<32768xf32, #tpu.memory_space<vmem>>, vector<16xf32>,
        tpu.vector_store %arg12[%swap3A_2199], %mul3A_2196 {strides = array<i32>} : memref<32768xf32, #tpu.memory_space<vmem>>, vector<16xf32>,
        %mul3A_2201 = arith.mulf %mul3A_2190, %gather3A_1896 : vector<16xf32>
        %add3A_2202 = arith.constant 512 : i32
        %add3A_2203 = arith.addi %add3A_2202, %add3A_1817 : i32
        %swap3A_2204 = arith.index_cast %add3A_2203 : i32 to index
        %swap3A_2205 = tpu.vector_load %arg12[%swap3A_2204] {strides = array<i32>} : memref<32768xf32, #tpu.memory_space<vmem>>, vector<16xf32>,
        tpu.vector_store %arg12[%swap3A_2204], %mul3A_2201 {strides = array<i32>} : memref<32768xf32, #tpu.memory_space<vmem>>, vector<16xf32>,
        %mul3A_2206 = arith.mulf %add3A_2191, %add3A_2163 : vector<16xf32>
        %sub3A_2207 = arith.subf %mul3A_2206, %broadcast_in_dim3A_2193 : vector<16xf32>
        %mul3A_2208 = arith.mulf %add3A_2191, %mul3A_2190 : vector<16xf32>
        %sub3A_2209 = arith.subf %mul3A_2208, %broadcast_in_dim3A_2195 : vector<16xf32>
        %mul3A_2210 = arith.mulf %sub3A_2207, %gather3A_1860 : vector<16xf32>
        %add3A_2211 = arith.constant 896 : i32
        %add3A_2212 = arith.addi %add3A_2211, %add3A_1817 : i32
        %swap3A_2213 = arith.index_cast %add3A_2212 : i32 to index
        %swap3A_2214 = tpu.vector_load %arg12[%swap3A_2213] {strides = array<i32>} : memref<32768xf32, #tpu.memory_space<vmem>>, vector<16xf32>,
        tpu.vector_store %arg12[%swap3A_2213], %mul3A_2210 {strides = array<i32>} : memref<32768xf32, #tpu.memory_space<vmem>>, vector<16xf32>,
        %mul3A_2215 = arith.mulf %sub3A_2209, %gather3A_1900 : vector<16xf32>
        %add3A_2216 = arith.constant 4352 : i32
        %add3A_2217 = arith.addi %add3A_2216, %add3A_1817 : i32
        %swap3A_2218 = arith.index_cast %add3A_2217 : i32 to index
        %swap3A_2219 = tpu.vector_load %arg12[%swap3A_2218] {strides = array<i32>} : memref<32768xf32, #tpu.memory_space<vmem>>, vector<16xf32>,
        tpu.vector_store %arg12[%swap3A_2218], %mul3A_2215 {strides = array<i32>} : memref<32768xf32, #tpu.memory_space<vmem>>, vector<16xf32>,
        %mul3A_2220 = arith.mulf %add3A_2191, %sub3A_2207 : vector<16xf32>
        %sub3A_2221 = arith.subf %mul3A_2220, %add3A_2163 : vector<16xf32>
        %mul3A_2222 = arith.mulf %add3A_2191, %sub3A_2209 : vector<16xf32>
        %sub3A_2223 = arith.subf %mul3A_2222, %mul3A_2190 : vector<16xf32>
        %mul3A_2224 = arith.mulf %sub3A_2221, %gather3A_1864 : vector<16xf32>
        %add3A_2225 = arith.constant 4736 : i32
        %add3A_2226 = arith.addi %add3A_2225, %add3A_1817 : i32
        %swap3A_2227 = arith.index_cast %add3A_2226 : i32 to index
        %swap3A_2228 = tpu.vector_load %arg12[%swap3A_2227] {strides = array<i32>} : memref<32768xf32, #tpu.memory_space<vmem>>, vector<16xf32>,
        tpu.vector_store %arg12[%swap3A_2227], %mul3A_2224 {strides = array<i32>} : memref<32768xf32, #tpu.memory_space<vmem>>, vector<16xf32>,
        %mul3A_2229 = arith.mulf %sub3A_2223, %gather3A_1904 : vector<16xf32>
        %add3A_2230 = arith.constant 8192 : i32
        %add3A_2231 = arith.addi %add3A_2230, %add3A_1817 : i32
        %swap3A_2232 = arith.index_cast %add3A_2231 : i32 to index
        %swap3A_2233 = tpu.vector_load %arg12[%swap3A_2232] {strides = array<i32>} : memref<32768xf32, #tpu.memory_space<vmem>>, vector<16xf32>,
        tpu.vector_store %arg12[%swap3A_2232], %mul3A_2229 {strides = array<i32>} : memref<32768xf32, #tpu.memory_space<vmem>>, vector<16xf32>,
        %mul3A_2234 = arith.mulf %add3A_2191, %sub3A_2221 : vector<16xf32>
        %sub3A_2235 = arith.subf %mul3A_2234, %sub3A_2207 : vector<16xf32>
        %mul3A_2236 = arith.mulf %add3A_2191, %sub3A_2223 : vector<16xf32>
        %sub3A_2237 = arith.subf %mul3A_2236, %sub3A_2209 : vector<16xf32>
        %mul3A_2238 = arith.mulf %sub3A_2235, %gather3A_1868 : vector<16xf32>
        %add3A_2239 = arith.constant 8576 : i32
        %add3A_2240 = arith.addi %add3A_2239, %add3A_1817 : i32
        %swap3A_2241 = arith.index_cast %add3A_2240 : i32 to index
        %swap3A_2242 = tpu.vector_load %arg12[%swap3A_2241] {strides = array<i32>} : memref<32768xf32, #tpu.memory_space<vmem>>, vector<16xf32>,
        tpu.vector_store %arg12[%swap3A_2241], %mul3A_2238 {strides = array<i32>} : memref<32768xf32, #tpu.memory_space<vmem>>, vector<16xf32>,
        %mul3A_2243 = arith.mulf %sub3A_2237, %gather3A_1908 : vector<16xf32>
        %add3A_2244 = arith.constant 8960 : i32
        %add3A_2245 = arith.addi %add3A_2244, %add3A_1817 : i32
        %swap3A_2246 = arith.index_cast %add3A_2245 : i32 to index
        %swap3A_2247 = tpu.vector_load %arg12[%swap3A_2246] {strides = array<i32>} : memref<32768xf32, #tpu.memory_space<vmem>>, vector<16xf32>,
        tpu.vector_store %arg12[%swap3A_2246], %mul3A_2243 {strides = array<i32>} : memref<32768xf32, #tpu.memory_space<vmem>>, vector<16xf32>,
        %mul3A_2248 = arith.mulf %add3A_2191, %sub3A_2235 : vector<16xf32>
        %sub3A_2249 = arith.subf %mul3A_2248, %sub3A_2221 : vector<16xf32>
        %mul3A_2250 = arith.mulf %add3A_2191, %sub3A_2237 : vector<16xf32>
        %sub3A_2251 = arith.subf %mul3A_2250, %sub3A_2223 : vector<16xf32>
        %mul3A_2252 = arith.mulf %sub3A_2249, %gather3A_1872 : vector<16xf32>
        %add3A_2253 = arith.constant 12416 : i32
        %add3A_2254 = arith.addi %add3A_2253, %add3A_1817 : i32
        %swap3A_2255 = arith.index_cast %add3A_2254 : i32 to index
        %swap3A_2256 = tpu.vector_load %arg12[%swap3A_2255] {strides = array<i32>} : memref<32768xf32, #tpu.memory_space<vmem>>, vector<16xf32>,
        tpu.vector_store %arg12[%swap3A_2255], %mul3A_2252 {strides = array<i32>} : memref<32768xf32, #tpu.memory_space<vmem>>, vector<16xf32>,
        %mul3A_2257 = arith.mulf %sub3A_2251, %gather3A_1912 : vector<16xf32>
        %add3A_2258 = arith.constant 12800 : i32
        %add3A_2259 = arith.addi %add3A_2258, %add3A_1817 : i32
        %swap3A_2260 = arith.index_cast %add3A_2259 : i32 to index
        %swap3A_2261 = tpu.vector_load %arg12[%swap3A_2260] {strides = array<i32>} : memref<32768xf32, #tpu.memory_space<vmem>>, vector<16xf32>,
        tpu.vector_store %arg12[%swap3A_2260], %mul3A_2257 {strides = array<i32>} : memref<32768xf32, #tpu.memory_space<vmem>>, vector<16xf32>,
        %mul3A_2262 = arith.mulf %add3A_2191, %sub3A_2249 : vector<16xf32>
        %sub3A_2263 = arith.subf %mul3A_2262, %sub3A_2235 : vector<16xf32>
        %mul3A_2264 = arith.mulf %add3A_2191, %sub3A_2251 : vector<16xf32>
        %sub3A_2265 = arith.subf %mul3A_2264, %sub3A_2237 : vector<16xf32>
        %mul3A_2266 = arith.mulf %sub3A_2263, %gather3A_1876 : vector<16xf32>
        %add3A_2267 = arith.constant 13184 : i32
        %add3A_2268 = arith.addi %add3A_2267, %add3A_1817 : i32
        %swap3A_2269 = arith.index_cast %add3A_2268 : i32 to index
        %swap3A_2270 = tpu.vector_load %arg12[%swap3A_2269] {strides = array<i32>} : memref<32768xf32, #tpu.memory_space<vmem>>, vector<16xf32>,
        tpu.vector_store %arg12[%swap3A_2269], %mul3A_2266 {strides = array<i32>} : memref<32768xf32, #tpu.memory_space<vmem>>, vector<16xf32>,
        %mul3A_2271 = arith.mulf %sub3A_2265, %gather3A_1916 : vector<16xf32>
        %add3A_2272 = arith.constant 16640 : i32
        %add3A_2273 = arith.addi %add3A_2272, %add3A_1817 : i32
        %swap3A_2274 = arith.index_cast %add3A_2273 : i32 to index
        %swap3A_2275 = tpu.vector_load %arg12[%swap3A_2274] {strides = array<i32>} : memref<32768xf32, #tpu.memory_space<vmem>>, vector<16xf32>,
        tpu.vector_store %arg12[%swap3A_2274], %mul3A_2271 {strides = array<i32>} : memref<32768xf32, #tpu.memory_space<vmem>>, vector<16xf32>,
        %mul3A_2276 = arith.mulf %add3A_2191, %sub3A_2263 : vector<16xf32>
        %sub3A_2277 = arith.subf %mul3A_2276, %sub3A_2249 : vector<16xf32>
        %mul3A_2278 = arith.mulf %add3A_2191, %sub3A_2265 : vector<16xf32>
        %sub3A_2279 = arith.subf %mul3A_2278, %sub3A_2251 : vector<16xf32>
        %mul3A_2280 = arith.mulf %sub3A_2277, %gather3A_1880 : vector<16xf32>
        %add3A_2281 = arith.constant 17024 : i32
        %add3A_2282 = arith.addi %add3A_2281, %add3A_1817 : i32
        %swap3A_2283 = arith.index_cast %add3A_2282 : i32 to index
        %swap3A_2284 = tpu.vector_load %arg12[%swap3A_2283] {strides = array<i32>} : memref<32768xf32, #tpu.memory_space<vmem>>, vector<16xf32>,
        tpu.vector_store %arg12[%swap3A_2283], %mul3A_2280 {strides = array<i32>} : memref<32768xf32, #tpu.memory_space<vmem>>, vector<16xf32>,
        %mul3A_2285 = arith.mulf %sub3A_2279, %gather3A_1920 : vector<16xf32>
        %add3A_2286 = arith.constant 20480 : i32
        %add3A_2287 = arith.addi %add3A_2286, %add3A_1817 : i32
        %swap3A_2288 = arith.index_cast %add3A_2287 : i32 to index
        %swap3A_2289 = tpu.vector_load %arg12[%swap3A_2288] {strides = array<i32>} : memref<32768xf32, #tpu.memory_space<vmem>>, vector<16xf32>,
        tpu.vector_store %arg12[%swap3A_2288], %mul3A_2285 {strides = array<i32>} : memref<32768xf32, #tpu.memory_space<vmem>>, vector<16xf32>,
        %mul3A_2290 = arith.mulf %add3A_2191, %sub3A_2277 : vector<16xf32>
        %sub3A_2291 = arith.subf %mul3A_2290, %sub3A_2263 : vector<16xf32>
        %mul3A_2292 = arith.mulf %add3A_2191, %sub3A_2279 : vector<16xf32>
        %sub3A_2293 = arith.subf %mul3A_2292, %sub3A_2265 : vector<16xf32>
        %mul3A_2294 = arith.mulf %sub3A_2291, %gather3A_1884 : vector<16xf32>
        %add3A_2295 = arith.constant 20864 : i32
        %add3A_2296 = arith.addi %add3A_2295, %add3A_1817 : i32
        %swap3A_2297 = arith.index_cast %add3A_2296 : i32 to index
        %swap3A_2298 = tpu.vector_load %arg12[%swap3A_2297] {strides = array<i32>} : memref<32768xf32, #tpu.memory_space<vmem>>, vector<16xf32>,
        tpu.vector_store %arg12[%swap3A_2297], %mul3A_2294 {strides = array<i32>} : memref<32768xf32, #tpu.memory_space<vmem>>, vector<16xf32>,
        %mul3A_2299 = arith.mulf %sub3A_2293, %gather3A_1924 : vector<16xf32>
        %add3A_2300 = arith.constant 21248 : i32
        %add3A_2301 = arith.addi %add3A_2300, %add3A_1817 : i32
        %swap3A_2302 = arith.index_cast %add3A_2301 : i32 to index
        %swap3A_2303 = tpu.vector_load %arg12[%swap3A_2302] {strides = array<i32>} : memref<32768xf32, #tpu.memory_space<vmem>>, vector<16xf32>,
        tpu.vector_store %arg12[%swap3A_2302], %mul3A_2299 {strides = array<i32>} : memref<32768xf32, #tpu.memory_space<vmem>>, vector<16xf32>,
        %mul3A_2304 = arith.mulf %add3A_2191, %sub3A_2291 : vector<16xf32>
        %sub3A_2305 = arith.subf %mul3A_2304, %sub3A_2277 : vector<16xf32>
        %mul3A_2306 = arith.mulf %add3A_2191, %sub3A_2293 : vector<16xf32>
        %sub3A_2307 = arith.subf %mul3A_2306, %sub3A_2279 : vector<16xf32>
        %mul3A_2308 = arith.mulf %sub3A_2305, %gather3A_1888 : vector<16xf32>
        %add3A_2309 = arith.constant 24704 : i32
        %add3A_2310 = arith.addi %add3A_2309, %add3A_1817 : i32
        %swap3A_2311 = arith.index_cast %add3A_2310 : i32 to index
        %swap3A_2312 = tpu.vector_load %arg12[%swap3A_2311] {strides = array<i32>} : memref<32768xf32, #tpu.memory_space<vmem>>, vector<16xf32>,
        tpu.vector_store %arg12[%swap3A_2311], %mul3A_2308 {strides = array<i32>} : memref<32768xf32, #tpu.memory_space<vmem>>, vector<16xf32>,
        %mul3A_2313 = arith.mulf %sub3A_2307, %gather3A_1928 : vector<16xf32>
        %add3A_2314 = arith.constant 25088 : i32
        %add3A_2315 = arith.addi %add3A_2314, %add3A_1817 : i32
        %swap3A_2316 = arith.index_cast %add3A_2315 : i32 to index
        %swap3A_2317 = tpu.vector_load %arg12[%swap3A_2316] {strides = array<i32>} : memref<32768xf32, #tpu.memory_space<vmem>>, vector<16xf32>,
        tpu.vector_store %arg12[%swap3A_2316], %mul3A_2313 {strides = array<i32>} : memref<32768xf32, #tpu.memory_space<vmem>>, vector<16xf32>,
        %mul3A_2318 = arith.mulf %add3A_2191, %sub3A_2305 : vector<16xf32>
        %sub3A_2319 = arith.subf %mul3A_2318, %sub3A_2291 : vector<16xf32>
        %mul3A_2320 = arith.mulf %add3A_2191, %sub3A_2307 : vector<16xf32>
        %sub3A_2321 = arith.subf %mul3A_2320, %sub3A_2293 : vector<16xf32>
        %mul3A_2322 = arith.mulf %sub3A_2319, %gather3A_1892 : vector<16xf32>
        %add3A_2323 = arith.constant 25472 : i32
        %add3A_2324 = arith.addi %add3A_2323, %add3A_1817 : i32
        %swap3A_2325 = arith.index_cast %add3A_2324 : i32 to index
        %swap3A_2326 = tpu.vector_load %arg12[%swap3A_2325] {strides = array<i32>} : memref<32768xf32, #tpu.memory_space<vmem>>, vector<16xf32>,
        tpu.vector_store %arg12[%swap3A_2325], %mul3A_2322 {strides = array<i32>} : memref<32768xf32, #tpu.memory_space<vmem>>, vector<16xf32>,
        %mul3A_2327 = arith.mulf %sub3A_2321, %gather3A_1932 : vector<16xf32>
        %add3A_2328 = arith.constant 28928 : i32
        %add3A_2329 = arith.addi %add3A_2328, %add3A_1817 : i32
        %swap3A_2330 = arith.index_cast %add3A_2329 : i32 to index
        %swap3A_2331 = tpu.vector_load %arg12[%swap3A_2330] {strides = array<i32>} : memref<32768xf32, #tpu.memory_space<vmem>>, vector<16xf32>,
        tpu.vector_store %arg12[%swap3A_2330], %mul3A_2327 {strides = array<i32>} : memref<32768xf32, #tpu.memory_space<vmem>>, vector<16xf32>,
        %convert_element_type3A_2332 = arith.sitofp %convert_element_type3A_1841 : vector<16xi32> to vector<16xf32>
        %sub3A_2333 = arith.subf %mul3A_1838, %convert_element_type3A_2332 : vector<16xf32>
        %sub3A_2334 = arith.constant 5.000000e-01 : f32
        %sub3A_2335 = vector.broadcast %sub3A_2334 : f32 to vector<16xf32>
        %sub3A_2336 = arith.subf %sub3A_2333, %sub3A_2335 : vector<16xf32>
        %mul3A_2337 = arith.mulf %sub3A_2336, %sub3A_2336 : vector<16xf32>
        %broadcast_in_dim3A_2338 = arith.constant -6.57556581 : f32
        %broadcast_in_dim3A_2339 = vector.broadcast %broadcast_in_dim3A_2338 : f32 to vector<16xf32>
        %mul3A_2340 = arith.mulf %broadcast_in_dim3A_2339, %mul3A_2337 : vector<16xf32>
        %add3A_2341 = arith.constant 26.0004978 : f32
        %add3A_2342 = vector.broadcast %add3A_2341 : f32 to vector<16xf32>
        %add3A_2343 = arith.addf %mul3A_2340, %add3A_2342 : vector<16xf32>
        %mul3A_2344 = arith.mulf %add3A_2343, %mul3A_2337 : vector<16xf32>
        %add3A_2345 = arith.constant -60.1762237 : f32
        %add3A_2346 = vector.broadcast %add3A_2345 : f32 to vector<16xf32>
        %add3A_2347 = arith.addf %mul3A_2344, %add3A_2346 : vector<16xf32>
        %mul3A_2348 = arith.mulf %add3A_2347, %mul3A_2337 : vector<16xf32>
        %add3A_2349 = arith.constant 85.4511642 : f32
        %add3A_2350 = vector.broadcast %add3A_2349 : f32 to vector<16xf32>
        %add3A_2351 = arith.addf %mul3A_2348, %add3A_2350 : vector<16xf32>
        %mul3A_2352 = arith.mulf %add3A_2351, %mul3A_2337 : vector<16xf32>
        %add3A_2353 = arith.constant -64.9391708 : f32
        %add3A_2354 = vector.broadcast %add3A_2353 : f32 to vector<16xf32>
        %add3A_2355 = arith.addf %mul3A_2352, %add3A_2354 : vector<16xf32>
        %mul3A_2356 = arith.mulf %add3A_2355, %mul3A_2337 : vector<16xf32>
        %add3A_2357 = arith.constant 19.7392063 : f32
        %add3A_2358 = vector.broadcast %add3A_2357 : f32 to vector<16xf32>
        %add3A_2359 = arith.addf %mul3A_2356, %add3A_2358 : vector<16xf32>
        %mul3A_2360 = arith.mulf %add3A_2359, %mul3A_2337 : vector<16xf32>
        %add3A_2361 = arith.constant -1.000000e+00 : f32
        %add3A_2362 = vector.broadcast %add3A_2361 : f32 to vector<16xf32>
        %add3A_2363 = arith.addf %mul3A_2360, %add3A_2362 : vector<16xf32>
        %broadcast_in_dim3A_2364 = arith.constant -3.25818324 : f32
        %broadcast_in_dim3A_2365 = vector.broadcast %broadcast_in_dim3A_2364 : f32 to vector<16xf32>
        %mul3A_2366 = arith.mulf %broadcast_in_dim3A_2365, %mul3A_2337 : vector<16xf32>
        %add3A_2367 = arith.constant 14.9139051 : f32
        %add3A_2368 = vector.broadcast %add3A_2367 : f32 to vector<16xf32>
        %add3A_2369 = arith.addf %mul3A_2366, %add3A_2368 : vector<16xf32>
        %mul3A_2370 = arith.mulf %add3A_2369, %mul3A_2337 : vector<16xf32>
        %add3A_2371 = arith.constant -4.202960e+01 : f32
        %add3A_2372 = vector.broadcast %add3A_2371 : f32 to vector<16xf32>
        %add3A_2373 = arith.addf %mul3A_2370, %add3A_2372 : vector<16xf32>
        %mul3A_2374 = arith.mulf %add3A_2373, %mul3A_2337 : vector<16xf32>
        %add3A_2375 = arith.constant 76.7034531 : f32
        %add3A_2376 = vector.broadcast %add3A_2375 : f32 to vector<16xf32>
        %add3A_2377 = arith.addf %mul3A_2374, %add3A_2376 : vector<16xf32>
        %mul3A_2378 = arith.mulf %add3A_2377, %mul3A_2337 : vector<16xf32>
        %add3A_2379 = arith.constant -81.6051559 : f32
        %add3A_2380 = vector.broadcast %add3A_2379 : f32 to vector<16xf32>
        %add3A_2381 = arith.addf %mul3A_2378, %add3A_2380 : vector<16xf32>
        %mul3A_2382 = arith.mulf %add3A_2381, %mul3A_2337 : vector<16xf32>
        %add3A_2383 = arith.constant 4.134170e+01 : f32
        %add3A_2384 = vector.broadcast %add3A_2383 : f32 to vector<16xf32>
        %add3A_2385 = arith.addf %mul3A_2382, %add3A_2384 : vector<16xf32>
        %mul3A_2386 = arith.mulf %add3A_2385, %mul3A_2337 : vector<16xf32>
        %add3A_2387 = arith.constant -6.28318548 : f32
        %add3A_2388 = vector.broadcast %add3A_2387 : f32 to vector<16xf32>
        %add3A_2389 = arith.addf %mul3A_2386, %add3A_2388 : vector<16xf32>
        %mul3A_2390 = arith.mulf %sub3A_2336, %add3A_2389 : vector<16xf32>
        %add3A_2391 = arith.addf %add3A_2363, %add3A_2363 : vector<16xf32>
        %broadcast_in_dim3A_2392 = arith.constant 1.000000e+00 : f32
        %broadcast_in_dim3A_2393 = vector.broadcast %broadcast_in_dim3A_2392 : f32 to vector<16xf32>
        %broadcast_in_dim3A_2394 = arith.constant 0.000000e+00 : f32
        %broadcast_in_dim3A_2395 = vector.broadcast %broadcast_in_dim3A_2394 : f32 to vector<16xf32>
        %mul3A_2396 = arith.mulf %add3A_2363, %gather3A : vector<16xf32>
        %add3A_2397 = arith.constant 256 : i32
        %add3A_2398 = arith.addi %add3A_2397, %add3A_1817 : i32
        %swap3A_2399 = arith.index_cast %add3A_2398 : i32 to index
        %swap3A_2400 = tpu.vector_load %arg12[%swap3A_2399] {strides = array<i32>} : memref<32768xf32, #tpu.memory_space<vmem>>, vector<16xf32>,
        tpu.vector_store %arg12[%swap3A_2399], %mul3A_2396 {strides = array<i32>} : memref<32768xf32, #tpu.memory_space<vmem>>, vector<16xf32>,
        %mul3A_2401 = arith.mulf %mul3A_2390, %gather3A_1896 : vector<16xf32>
        %add3A_2402 = arith.constant 640 : i32
        %add3A_2403 = arith.addi %add3A_2402, %add3A_1817 : i32
        %swap3A_2404 = arith.index_cast %add3A_2403 : i32 to index
        %swap3A_2405 = tpu.vector_load %arg12[%swap3A_2404] {strides = array<i32>} : memref<32768xf32, #tpu.memory_space<vmem>>, vector<16xf32>,
        tpu.vector_store %arg12[%swap3A_2404], %mul3A_2401 {strides = array<i32>} : memref<32768xf32, #tpu.memory_space<vmem>>, vector<16xf32>,
        %mul3A_2406 = arith.mulf %add3A_2391, %add3A_2363 : vector<16xf32>
        %sub3A_2407 = arith.subf %mul3A_2406, %broadcast_in_dim3A_2393 : vector<16xf32>
        %mul3A_2408 = arith.mulf %add3A_2391, %mul3A_2390 : vector<16xf32>
        %sub3A_2409 = arith.subf %mul3A_2408, %broadcast_in_dim3A_2395 : vector<16xf32>
        %mul3A_2410 = arith.mulf %sub3A_2407, %gather3A_1860 : vector<16xf32>
        %add3A_2411 = arith.constant 4096 : i32
        %add3A_2412 = arith.addi %add3A_2411, %add3A_1817 : i32
        %swap3A_2413 = arith.index_cast %add3A_2412 : i32 to index
        %swap3A_2414 = tpu.vector_load %arg12[%swap3A_2413] {strides = array<i32>} : memref<32768xf32, #tpu.memory_space<vmem>>, vector<16xf32>,
        tpu.vector_store %arg12[%swap3A_2413], %mul3A_2410 {strides = array<i32>} : memref<32768xf32, #tpu.memory_space<vmem>>, vector<16xf32>,
        %mul3A_2415 = arith.mulf %sub3A_2409, %gather3A_1900 : vector<16xf32>
        %add3A_2416 = arith.constant 4480 : i32
        %add3A_2417 = arith.addi %add3A_2416, %add3A_1817 : i32
        %swap3A_2418 = arith.index_cast %add3A_2417 : i32 to index
        %swap3A_2419 = tpu.vector_load %arg12[%swap3A_2418] {strides = array<i32>} : memref<32768xf32, #tpu.memory_space<vmem>>, vector<16xf32>,
        tpu.vector_store %arg12[%swap3A_2418], %mul3A_2415 {strides = array<i32>} : memref<32768xf32, #tpu.memory_space<vmem>>, vector<16xf32>,
        %mul3A_2420 = arith.mulf %add3A_2391, %sub3A_2407 : vector<16xf32>
        %sub3A_2421 = arith.subf %mul3A_2420, %add3A_2363 : vector<16xf32>
        %mul3A_2422 = arith.mulf %add3A_2391, %sub3A_2409 : vector<16xf32>
        %sub3A_2423 = arith.subf %mul3A_2422, %mul3A_2390 : vector<16xf32>
        %mul3A_2424 = arith.mulf %sub3A_2421, %gather3A_1864 : vector<16xf32>
        %add3A_2425 = arith.constant 4864 : i32
        %add3A_2426 = arith.addi %add3A_2425, %add3A_1817 : i32
        %swap3A_2427 = arith.index_cast %add3A_2426 : i32 to index
        %swap3A_2428 = tpu.vector_load %arg12[%swap3A_2427] {strides = array<i32>} : memref<32768xf32, #tpu.memory_space<vmem>>, vector<16xf32>,
        tpu.vector_store %arg12[%swap3A_2427], %mul3A_2424 {strides = array<i32>} : memref<32768xf32, #tpu.memory_space<vmem>>, vector<16xf32>,
        %mul3A_2429 = arith.mulf %sub3A_2423, %gather3A_1904 : vector<16xf32>
        %add3A_2430 = arith.constant 8320 : i32
        %add3A_2431 = arith.addi %add3A_2430, %add3A_1817 : i32
        %swap3A_2432 = arith.index_cast %add3A_2431 : i32 to index
        %swap3A_2433 = tpu.vector_load %arg12[%swap3A_2432] {strides = array<i32>} : memref<32768xf32, #tpu.memory_space<vmem>>, vector<16xf32>,
        tpu.vector_store %arg12[%swap3A_2432], %mul3A_2429 {strides = array<i32>} : memref<32768xf32, #tpu.memory_space<vmem>>, vector<16xf32>,
        %mul3A_2434 = arith.mulf %add3A_2391, %sub3A_2421 : vector<16xf32>
        %sub3A_2435 = arith.subf %mul3A_2434, %sub3A_2407 : vector<16xf32>
        %mul3A_2436 = arith.mulf %add3A_2391, %sub3A_2423 : vector<16xf32>
        %sub3A_2437 = arith.subf %mul3A_2436, %sub3A_2409 : vector<16xf32>
        %mul3A_2438 = arith.mulf %sub3A_2435, %gather3A_1868 : vector<16xf32>
        %add3A_2439 = arith.constant 8704 : i32
        %add3A_2440 = arith.addi %add3A_2439, %add3A_1817 : i32
        %swap3A_2441 = arith.index_cast %add3A_2440 : i32 to index
        %swap3A_2442 = tpu.vector_load %arg12[%swap3A_2441] {strides = array<i32>} : memref<32768xf32, #tpu.memory_space<vmem>>, vector<16xf32>,
        tpu.vector_store %arg12[%swap3A_2441], %mul3A_2438 {strides = array<i32>} : memref<32768xf32, #tpu.memory_space<vmem>>, vector<16xf32>,
        %mul3A_2443 = arith.mulf %sub3A_2437, %gather3A_1908 : vector<16xf32>
        %add3A_2444 = arith.constant 9088 : i32
        %add3A_2445 = arith.addi %add3A_2444, %add3A_1817 : i32
        %swap3A_2446 = arith.index_cast %add3A_2445 : i32 to index
        %swap3A_2447 = tpu.vector_load %arg12[%swap3A_2446] {strides = array<i32>} : memref<32768xf32, #tpu.memory_space<vmem>>, vector<16xf32>,
        tpu.vector_store %arg12[%swap3A_2446], %mul3A_2443 {strides = array<i32>} : memref<32768xf32, #tpu.memory_space<vmem>>, vector<16xf32>,
        %mul3A_2448 = arith.mulf %add3A_2391, %sub3A_2435 : vector<16xf32>
        %sub3A_2449 = arith.subf %mul3A_2448, %sub3A_2421 : vector<16xf32>
        %mul3A_2450 = arith.mulf %add3A_2391, %sub3A_2437 : vector<16xf32>
        %sub3A_2451 = arith.subf %mul3A_2450, %sub3A_2423 : vector<16xf32>
        %mul3A_2452 = arith.mulf %sub3A_2449, %gather3A_1872 : vector<16xf32>
        %add3A_2453 = arith.constant 12544 : i32
        %add3A_2454 = arith.addi %add3A_2453, %add3A_1817 : i32
        %swap3A_2455 = arith.index_cast %add3A_2454 : i32 to index
        %swap3A_2456 = tpu.vector_load %arg12[%swap3A_2455] {strides = array<i32>} : memref<32768xf32, #tpu.memory_space<vmem>>, vector<16xf32>,
        tpu.vector_store %arg12[%swap3A_2455], %mul3A_2452 {strides = array<i32>} : memref<32768xf32, #tpu.memory_space<vmem>>, vector<16xf32>,
        %mul3A_2457 = arith.mulf %sub3A_2451, %gather3A_1912 : vector<16xf32>
        %add3A_2458 = arith.constant 12928 : i32
        %add3A_2459 = arith.addi %add3A_2458, %add3A_1817 : i32
        %swap3A_2460 = arith.index_cast %add3A_2459 : i32 to index
        %swap3A_2461 = tpu.vector_load %arg12[%swap3A_2460] {strides = array<i32>} : memref<32768xf32, #tpu.memory_space<vmem>>, vector<16xf32>,
        tpu.vector_store %arg12[%swap3A_2460], %mul3A_2457 {strides = array<i32>} : memref<32768xf32, #tpu.memory_space<vmem>>, vector<16xf32>,
        %mul3A_2462 = arith.mulf %add3A_2391, %sub3A_2449 : vector<16xf32>
        %sub3A_2463 = arith.subf %mul3A_2462, %sub3A_2435 : vector<16xf32>
        %mul3A_2464 = arith.mulf %add3A_2391, %sub3A_2451 : vector<16xf32>
        %sub3A_2465 = arith.subf %mul3A_2464, %sub3A_2437 : vector<16xf32>
        %mul3A_2466 = arith.mulf %sub3A_2463, %gather3A_1876 : vector<16xf32>
        %add3A_2467 = arith.constant 16384 : i32
        %add3A_2468 = arith.addi %add3A_2467, %add3A_1817 : i32
        %swap3A_2469 = arith.index_cast %add3A_2468 : i32 to index
        %swap3A_2470 = tpu.vector_load %arg12[%swap3A_2469] {strides = array<i32>} : memref<32768xf32, #tpu.memory_space<vmem>>, vector<16xf32>,
        tpu.vector_store %arg12[%swap3A_2469], %mul3A_2466 {strides = array<i32>} : memref<32768xf32, #tpu.memory_space<vmem>>, vector<16xf32>,
        %mul3A_2471 = arith.mulf %sub3A_2465, %gather3A_1916 : vector<16xf32>
        %add3A_2472 = arith.constant 16768 : i32
        %add3A_2473 = arith.addi %add3A_2472, %add3A_1817 : i32
        %swap3A_2474 = arith.index_cast %add3A_2473 : i32 to index
        %swap3A_2475 = tpu.vector_load %arg12[%swap3A_2474] {strides = array<i32>} : memref<32768xf32, #tpu.memory_space<vmem>>, vector<16xf32>,
        tpu.vector_store %arg12[%swap3A_2474], %mul3A_2471 {strides = array<i32>} : memref<32768xf32, #tpu.memory_space<vmem>>, vector<16xf32>,
        %mul3A_2476 = arith.mulf %add3A_2391, %sub3A_2463 : vector<16xf32>
        %sub3A_2477 = arith.subf %mul3A_2476, %sub3A_2449 : vector<16xf32>
        %mul3A_2478 = arith.mulf %add3A_2391, %sub3A_2465 : vector<16xf32>
        %sub3A_2479 = arith.subf %mul3A_2478, %sub3A_2451 : vector<16xf32>
        %mul3A_2480 = arith.mulf %sub3A_2477, %gather3A_1880 : vector<16xf32>
        %add3A_2481 = arith.constant 17152 : i32
        %add3A_2482 = arith.addi %add3A_2481, %add3A_1817 : i32
        %swap3A_2483 = arith.index_cast %add3A_2482 : i32 to index
        %swap3A_2484 = tpu.vector_load %arg12[%swap3A_2483] {strides = array<i32>} : memref<32768xf32, #tpu.memory_space<vmem>>, vector<16xf32>,
        tpu.vector_store %arg12[%swap3A_2483], %mul3A_2480 {strides = array<i32>} : memref<32768xf32, #tpu.memory_space<vmem>>, vector<16xf32>,
        %mul3A_2485 = arith.mulf %sub3A_2479, %gather3A_1920 : vector<16xf32>
        %add3A_2486 = arith.constant 20608 : i32
        %add3A_2487 = arith.addi %add3A_2486, %add3A_1817 : i32
        %swap3A_2488 = arith.index_cast %add3A_2487 : i32 to index
        %swap3A_2489 = tpu.vector_load %arg12[%swap3A_2488] {strides = array<i32>} : memref<32768xf32, #tpu.memory_space<vmem>>, vector<16xf32>,
        tpu.vector_store %arg12[%swap3A_2488], %mul3A_2485 {strides = array<i32>} : memref<32768xf32, #tpu.memory_space<vmem>>, vector<16xf32>,
        %mul3A_2490 = arith.mulf %add3A_2391, %sub3A_2477 : vector<16xf32>
        %sub3A_2491 = arith.subf %mul3A_2490, %sub3A_2463 : vector<16xf32>
        %mul3A_2492 = arith.mulf %add3A_2391, %sub3A_2479 : vector<16xf32>
        %sub3A_2493 = arith.subf %mul3A_2492, %sub3A_2465 : vector<16xf32>
        %mul3A_2494 = arith.mulf %sub3A_2491, %gather3A_1884 : vector<16xf32>
        %add3A_2495 = arith.constant 20992 : i32
        %add3A_2496 = arith.addi %add3A_2495, %add3A_1817 : i32
        %swap3A_2497 = arith.index_cast %add3A_2496 : i32 to index
        %swap3A_2498 = tpu.vector_load %arg12[%swap3A_2497] {strides = array<i32>} : memref<32768xf32, #tpu.memory_space<vmem>>, vector<16xf32>,
        tpu.vector_store %arg12[%swap3A_2497], %mul3A_2494 {strides = array<i32>} : memref<32768xf32, #tpu.memory_space<vmem>>, vector<16xf32>,
        %mul3A_2499 = arith.mulf %sub3A_2493, %gather3A_1924 : vector<16xf32>
        %add3A_2500 = arith.constant 21376 : i32
        %add3A_2501 = arith.addi %add3A_2500, %add3A_1817 : i32
        %swap3A_2502 = arith.index_cast %add3A_2501 : i32 to index
        %swap3A_2503 = tpu.vector_load %arg12[%swap3A_2502] {strides = array<i32>} : memref<32768xf32, #tpu.memory_space<vmem>>, vector<16xf32>,
        tpu.vector_store %arg12[%swap3A_2502], %mul3A_2499 {strides = array<i32>} : memref<32768xf32, #tpu.memory_space<vmem>>, vector<16xf32>,
        %mul3A_2504 = arith.mulf %add3A_2391, %sub3A_2491 : vector<16xf32>
        %sub3A_2505 = arith.subf %mul3A_2504, %sub3A_2477 : vector<16xf32>
        %mul3A_2506 = arith.mulf %add3A_2391, %sub3A_2493 : vector<16xf32>
        %sub3A_2507 = arith.subf %mul3A_2506, %sub3A_2479 : vector<16xf32>
        %mul3A_2508 = arith.mulf %sub3A_2505, %gather3A_1888 : vector<16xf32>
        %add3A_2509 = arith.constant 24832 : i32
        %add3A_2510 = arith.addi %add3A_2509, %add3A_1817 : i32
        %swap3A_2511 = arith.index_cast %add3A_2510 : i32 to index
        %swap3A_2512 = tpu.vector_load %arg12[%swap3A_2511] {strides = array<i32>} : memref<32768xf32, #tpu.memory_space<vmem>>, vector<16xf32>,
        tpu.vector_store %arg12[%swap3A_2511], %mul3A_2508 {strides = array<i32>} : memref<32768xf32, #tpu.memory_space<vmem>>, vector<16xf32>,
        %mul3A_2513 = arith.mulf %sub3A_2507, %gather3A_1928 : vector<16xf32>
        %add3A_2514 = arith.constant 25216 : i32
        %add3A_2515 = arith.addi %add3A_2514, %add3A_1817 : i32
        %swap3A_2516 = arith.index_cast %add3A_2515 : i32 to index
        %swap3A_2517 = tpu.vector_load %arg12[%swap3A_2516] {strides = array<i32>} : memref<32768xf32, #tpu.memory_space<vmem>>, vector<16xf32>,
        tpu.vector_store %arg12[%swap3A_2516], %mul3A_2513 {strides = array<i32>} : memref<32768xf32, #tpu.memory_space<vmem>>, vector<16xf32>,
        %mul3A_2518 = arith.mulf %add3A_2391, %sub3A_2505 : vector<16xf32>
        %sub3A_2519 = arith.subf %mul3A_2518, %sub3A_2491 : vector<16xf32>
        %mul3A_2520 = arith.mulf %add3A_2391, %sub3A_2507 : vector<16xf32>
        %sub3A_2521 = arith.subf %mul3A_2520, %sub3A_2493 : vector<16xf32>
        %mul3A_2522 = arith.mulf %sub3A_2519, %gather3A_1892 : vector<16xf32>
        %add3A_2523 = arith.constant 28672 : i32
        %add3A_2524 = arith.addi %add3A_2523, %add3A_1817 : i32
        %swap3A_2525 = arith.index_cast %add3A_2524 : i32 to index
        %swap3A_2526 = tpu.vector_load %arg12[%swap3A_2525] {strides = array<i32>} : memref<32768xf32, #tpu.memory_space<vmem>>, vector<16xf32>,
        tpu.vector_store %arg12[%swap3A_2525], %mul3A_2522 {strides = array<i32>} : memref<32768xf32, #tpu.memory_space<vmem>>, vector<16xf32>,
        %mul3A_2527 = arith.mulf %sub3A_2521, %gather3A_1932 : vector<16xf32>
        %add3A_2528 = arith.constant 29056 : i32
        %add3A_2529 = arith.addi %add3A_2528, %add3A_1817 : i32
        %swap3A_2530 = arith.index_cast %add3A_2529 : i32 to index
        %swap3A_2531 = tpu.vector_load %arg12[%swap3A_2530] {strides = array<i32>} : memref<32768xf32, #tpu.memory_space<vmem>>, vector<16xf32>,
        tpu.vector_store %arg12[%swap3A_2530], %mul3A_2527 {strides = array<i32>} : memref<32768xf32, #tpu.memory_space<vmem>>, vector<16xf32>,
      }
      %scan3A_1720 = arith.constant 32 : i32
      %jit3A_1721 = arith.constant 128 : i32
      %div3A = arith.divsi %add3A_11, %jit3A_1721 : i32
      %sign3A = arith.constant 0 : i32
      %sign3A_1722 = arith.cmpi sgt, %add3A_11, %sign3A : i32
      %sign3A_1723 = arith.extui %sign3A_1722 : i1 to i32
      %sign3A_1724 = arith.constant 0 : i32
      %sign3A_1725 = arith.cmpi slt, %add3A_11, %sign3A_1724 : i32
      %sign3A_1726 = arith.extui %sign3A_1725 : i1 to i32
      %sign3A_1727 = arith.subi %sign3A_1723, %sign3A_1726 : i32
      %sign3A_1728 = arith.constant 0 : i32
      %sign3A_1729 = arith.cmpi sgt, %jit3A_1721, %sign3A_1728 : i32
      %sign3A_1730 = arith.extui %sign3A_1729 : i1 to i32
      %sign3A_1731 = arith.constant 0 : i32
      %sign3A_1732 = arith.cmpi slt, %jit3A_1721, %sign3A_1731 : i32
      %sign3A_1733 = arith.extui %sign3A_1732 : i1 to i32
      %sign3A_1734 = arith.subi %sign3A_1730, %sign3A_1733 : i32
      %ne3A = arith.cmpi ne, %sign3A_1727, %sign3A_1734 : i32
      %rem3A = arith.remsi %add3A_11, %jit3A_1721 : i32
      %ne3A_1735 = arith.constant 0 : i32
      %ne3A_1736 = arith.cmpi ne, %rem3A, %ne3A_1735 : i32
      %and3A = arith.andi %ne3A, %ne3A_1736 : i1
      %sub3A = arith.constant 1 : i32
      %sub3A_1737 = arith.subi %div3A, %sub3A : i32
      %select_n3A = arith.select %and3A, %sub3A_1737, %div3A : i32
      %mul3A_1738 = arith.constant 1024 : i32
      %mul3A_1739 = arith.muli %select_n3A, %mul3A_1738 : i32
      %add3A_1740 = arith.constant 0 : i32
      %add3A_1741 = arith.addi %add3A_1740, %mul3A_1739 : i32
      "tpu.region"() ({
        %run_scoped3A = tpu.sem_alloc : memref<!tpu.dma_semaphore, #tpu.memory_space<semaphore_mem>>
        %dma_start3A_1770 = arith.constant 0 : i32
        %dma_start3A_1771 = tpu.memref_slice %arg12[%dma_start3A_1770] : memref<32768xf32, #tpu.memory_space<vmem>> -> memref<4096xf32, #tpu.memory_space<vmem>>
        %dma_start3A_1772 = tpu.memref_slice %arg6[%add3A_1741] : memref<16777216xf32, #tpu.memory_space<hbm>> -> memref<4096xf32, #tpu.memory_space<hbm>>
        %dma_start3A_1773 = tpu.memref_slice %arg6[%add3A_1741] : memref<16777216xf32, #tpu.memory_space<hbm>> -> memref<4096xf32, #tpu.memory_space<hbm>>
        %dma_start3A_1774 = arith.constant 0 : i32
        %dma_start3A_1775 = tpu.memref_slice %arg12[%dma_start3A_1774] : memref<32768xf32, #tpu.memory_space<vmem>> -> memref<4096xf32, #tpu.memory_space<vmem>>
        tpu.enqueue_dma source(%dma_start3A_1775 : memref<4096xf32, #tpu.memory_space<vmem>>) target(%dma_start3A_1773 : memref<4096xf32, #tpu.memory_space<hbm>>) target_semaphore(%run_scoped3A : memref<!tpu.dma_semaphore, #tpu.memory_space<semaphore_mem>>)
        %dma_wait3A_1776 = arith.constant 0 : i32
        %dma_wait3A_1777 = tpu.memref_slice %arg12[%dma_wait3A_1776] : memref<32768xf32, #tpu.memory_space<vmem>> -> memref<4096xf32, #tpu.memory_space<vmem>>
        %dma_wait3A_1778 = tpu.memref_slice %arg6[%add3A_1741] : memref<16777216xf32, #tpu.memory_space<hbm>> -> memref<4096xf32, #tpu.memory_space<hbm>>
        %dma_wait3A_1779 = tpu.memref_slice %arg6[%add3A_1741] : memref<16777216xf32, #tpu.memory_space<hbm>> -> memref<4096xf32, #tpu.memory_space<hbm>>
        %dma_wait3A_1780 = arith.constant 0 : i32
        %dma_wait3A_1781 = tpu.memref_slice %arg12[%dma_wait3A_1780] : memref<32768xf32, #tpu.memory_space<vmem>> -> memref<4096xf32, #tpu.memory_space<vmem>>
        tpu.wait_dma2 semaphore(%run_scoped3A : memref<!tpu.dma_semaphore, #tpu.memory_space<semaphore_mem>>) src(%dma_wait3A_1781 : memref<4096xf32, #tpu.memory_space<vmem>>) dst(%dma_wait3A_1779 : memref<4096xf32, #tpu.memory_space<hbm>>)
        tpu.yield
      }) : () -> ()
      %mul3A_1742 = arith.constant 1024 : i32
      %mul3A_1743 = arith.muli %select_n3A, %mul3A_1742 : i32
      %add3A_1744 = arith.constant 2097152 : i32
      %add3A_1745 = arith.addi %add3A_1744, %mul3A_1743 : i32
      "tpu.region"() ({
        %run_scoped3A = tpu.sem_alloc : memref<!tpu.dma_semaphore, #tpu.memory_space<semaphore_mem>>
        %dma_start3A_1770 = arith.constant 4096 : i32
        %dma_start3A_1771 = tpu.memref_slice %arg12[%dma_start3A_1770] : memref<32768xf32, #tpu.memory_space<vmem>> -> memref<4096xf32, #tpu.memory_space<vmem>>
        %dma_start3A_1772 = tpu.memref_slice %arg6[%add3A_1745] : memref<16777216xf32, #tpu.memory_space<hbm>> -> memref<4096xf32, #tpu.memory_space<hbm>>
        %dma_start3A_1773 = tpu.memref_slice %arg6[%add3A_1745] : memref<16777216xf32, #tpu.memory_space<hbm>> -> memref<4096xf32, #tpu.memory_space<hbm>>
        %dma_start3A_1774 = arith.constant 4096 : i32
        %dma_start3A_1775 = tpu.memref_slice %arg12[%dma_start3A_1774] : memref<32768xf32, #tpu.memory_space<vmem>> -> memref<4096xf32, #tpu.memory_space<vmem>>
        tpu.enqueue_dma source(%dma_start3A_1775 : memref<4096xf32, #tpu.memory_space<vmem>>) target(%dma_start3A_1773 : memref<4096xf32, #tpu.memory_space<hbm>>) target_semaphore(%run_scoped3A : memref<!tpu.dma_semaphore, #tpu.memory_space<semaphore_mem>>)
        %dma_wait3A_1776 = arith.constant 4096 : i32
        %dma_wait3A_1777 = tpu.memref_slice %arg12[%dma_wait3A_1776] : memref<32768xf32, #tpu.memory_space<vmem>> -> memref<4096xf32, #tpu.memory_space<vmem>>
        %dma_wait3A_1778 = tpu.memref_slice %arg6[%add3A_1745] : memref<16777216xf32, #tpu.memory_space<hbm>> -> memref<4096xf32, #tpu.memory_space<hbm>>
        %dma_wait3A_1779 = tpu.memref_slice %arg6[%add3A_1745] : memref<16777216xf32, #tpu.memory_space<hbm>> -> memref<4096xf32, #tpu.memory_space<hbm>>
        %dma_wait3A_1780 = arith.constant 4096 : i32
        %dma_wait3A_1781 = tpu.memref_slice %arg12[%dma_wait3A_1780] : memref<32768xf32, #tpu.memory_space<vmem>> -> memref<4096xf32, #tpu.memory_space<vmem>>
        tpu.wait_dma2 semaphore(%run_scoped3A : memref<!tpu.dma_semaphore, #tpu.memory_space<semaphore_mem>>) src(%dma_wait3A_1781 : memref<4096xf32, #tpu.memory_space<vmem>>) dst(%dma_wait3A_1779 : memref<4096xf32, #tpu.memory_space<hbm>>)
        tpu.yield
      }) : () -> ()
      %mul3A_1746 = arith.constant 1024 : i32
      %mul3A_1747 = arith.muli %select_n3A, %mul3A_1746 : i32
      %add3A_1748 = arith.constant 4194304 : i32
      %add3A_1749 = arith.addi %add3A_1748, %mul3A_1747 : i32
      "tpu.region"() ({
        %run_scoped3A = tpu.sem_alloc : memref<!tpu.dma_semaphore, #tpu.memory_space<semaphore_mem>>
        %dma_start3A_1770 = arith.constant 8192 : i32
        %dma_start3A_1771 = tpu.memref_slice %arg12[%dma_start3A_1770] : memref<32768xf32, #tpu.memory_space<vmem>> -> memref<4096xf32, #tpu.memory_space<vmem>>
        %dma_start3A_1772 = tpu.memref_slice %arg6[%add3A_1749] : memref<16777216xf32, #tpu.memory_space<hbm>> -> memref<4096xf32, #tpu.memory_space<hbm>>
        %dma_start3A_1773 = tpu.memref_slice %arg6[%add3A_1749] : memref<16777216xf32, #tpu.memory_space<hbm>> -> memref<4096xf32, #tpu.memory_space<hbm>>
        %dma_start3A_1774 = arith.constant 8192 : i32
        %dma_start3A_1775 = tpu.memref_slice %arg12[%dma_start3A_1774] : memref<32768xf32, #tpu.memory_space<vmem>> -> memref<4096xf32, #tpu.memory_space<vmem>>
        tpu.enqueue_dma source(%dma_start3A_1775 : memref<4096xf32, #tpu.memory_space<vmem>>) target(%dma_start3A_1773 : memref<4096xf32, #tpu.memory_space<hbm>>) target_semaphore(%run_scoped3A : memref<!tpu.dma_semaphore, #tpu.memory_space<semaphore_mem>>)
        %dma_wait3A_1776 = arith.constant 8192 : i32
        %dma_wait3A_1777 = tpu.memref_slice %arg12[%dma_wait3A_1776] : memref<32768xf32, #tpu.memory_space<vmem>> -> memref<4096xf32, #tpu.memory_space<vmem>>
        %dma_wait3A_1778 = tpu.memref_slice %arg6[%add3A_1749] : memref<16777216xf32, #tpu.memory_space<hbm>> -> memref<4096xf32, #tpu.memory_space<hbm>>
        %dma_wait3A_1779 = tpu.memref_slice %arg6[%add3A_1749] : memref<16777216xf32, #tpu.memory_space<hbm>> -> memref<4096xf32, #tpu.memory_space<hbm>>
        %dma_wait3A_1780 = arith.constant 8192 : i32
        %dma_wait3A_1781 = tpu.memref_slice %arg12[%dma_wait3A_1780] : memref<32768xf32, #tpu.memory_space<vmem>> -> memref<4096xf32, #tpu.memory_space<vmem>>
        tpu.wait_dma2 semaphore(%run_scoped3A : memref<!tpu.dma_semaphore, #tpu.memory_space<semaphore_mem>>) src(%dma_wait3A_1781 : memref<4096xf32, #tpu.memory_space<vmem>>) dst(%dma_wait3A_1779 : memref<4096xf32, #tpu.memory_space<hbm>>)
        tpu.yield
      }) : () -> ()
      %mul3A_1750 = arith.constant 1024 : i32
      %mul3A_1751 = arith.muli %select_n3A, %mul3A_1750 : i32
      %add3A_1752 = arith.constant 6291456 : i32
      %add3A_1753 = arith.addi %add3A_1752, %mul3A_1751 : i32
      "tpu.region"() ({
        %run_scoped3A = tpu.sem_alloc : memref<!tpu.dma_semaphore, #tpu.memory_space<semaphore_mem>>
        %dma_start3A_1770 = arith.constant 12288 : i32
        %dma_start3A_1771 = tpu.memref_slice %arg12[%dma_start3A_1770] : memref<32768xf32, #tpu.memory_space<vmem>> -> memref<4096xf32, #tpu.memory_space<vmem>>
        %dma_start3A_1772 = tpu.memref_slice %arg6[%add3A_1753] : memref<16777216xf32, #tpu.memory_space<hbm>> -> memref<4096xf32, #tpu.memory_space<hbm>>
        %dma_start3A_1773 = tpu.memref_slice %arg6[%add3A_1753] : memref<16777216xf32, #tpu.memory_space<hbm>> -> memref<4096xf32, #tpu.memory_space<hbm>>
        %dma_start3A_1774 = arith.constant 12288 : i32
        %dma_start3A_1775 = tpu.memref_slice %arg12[%dma_start3A_1774] : memref<32768xf32, #tpu.memory_space<vmem>> -> memref<4096xf32, #tpu.memory_space<vmem>>
        tpu.enqueue_dma source(%dma_start3A_1775 : memref<4096xf32, #tpu.memory_space<vmem>>) target(%dma_start3A_1773 : memref<4096xf32, #tpu.memory_space<hbm>>) target_semaphore(%run_scoped3A : memref<!tpu.dma_semaphore, #tpu.memory_space<semaphore_mem>>)
        %dma_wait3A_1776 = arith.constant 12288 : i32
        %dma_wait3A_1777 = tpu.memref_slice %arg12[%dma_wait3A_1776] : memref<32768xf32, #tpu.memory_space<vmem>> -> memref<4096xf32, #tpu.memory_space<vmem>>
        %dma_wait3A_1778 = tpu.memref_slice %arg6[%add3A_1753] : memref<16777216xf32, #tpu.memory_space<hbm>> -> memref<4096xf32, #tpu.memory_space<hbm>>
        %dma_wait3A_1779 = tpu.memref_slice %arg6[%add3A_1753] : memref<16777216xf32, #tpu.memory_space<hbm>> -> memref<4096xf32, #tpu.memory_space<hbm>>
        %dma_wait3A_1780 = arith.constant 12288 : i32
        %dma_wait3A_1781 = tpu.memref_slice %arg12[%dma_wait3A_1780] : memref<32768xf32, #tpu.memory_space<vmem>> -> memref<4096xf32, #tpu.memory_space<vmem>>
        tpu.wait_dma2 semaphore(%run_scoped3A : memref<!tpu.dma_semaphore, #tpu.memory_space<semaphore_mem>>) src(%dma_wait3A_1781 : memref<4096xf32, #tpu.memory_space<vmem>>) dst(%dma_wait3A_1779 : memref<4096xf32, #tpu.memory_space<hbm>>)
        tpu.yield
      }) : () -> ()
      %mul3A_1754 = arith.constant 1024 : i32
      %mul3A_1755 = arith.muli %select_n3A, %mul3A_1754 : i32
      %add3A_1756 = arith.constant 8388608 : i32
      %add3A_1757 = arith.addi %add3A_1756, %mul3A_1755 : i32
      "tpu.region"() ({
        %run_scoped3A = tpu.sem_alloc : memref<!tpu.dma_semaphore, #tpu.memory_space<semaphore_mem>>
        %dma_start3A_1770 = arith.constant 16384 : i32
        %dma_start3A_1771 = tpu.memref_slice %arg12[%dma_start3A_1770] : memref<32768xf32, #tpu.memory_space<vmem>> -> memref<4096xf32, #tpu.memory_space<vmem>>
        %dma_start3A_1772 = tpu.memref_slice %arg6[%add3A_1757] : memref<16777216xf32, #tpu.memory_space<hbm>> -> memref<4096xf32, #tpu.memory_space<hbm>>
        %dma_start3A_1773 = tpu.memref_slice %arg6[%add3A_1757] : memref<16777216xf32, #tpu.memory_space<hbm>> -> memref<4096xf32, #tpu.memory_space<hbm>>
        %dma_start3A_1774 = arith.constant 16384 : i32
        %dma_start3A_1775 = tpu.memref_slice %arg12[%dma_start3A_1774] : memref<32768xf32, #tpu.memory_space<vmem>> -> memref<4096xf32, #tpu.memory_space<vmem>>
        tpu.enqueue_dma source(%dma_start3A_1775 : memref<4096xf32, #tpu.memory_space<vmem>>) target(%dma_start3A_1773 : memref<4096xf32, #tpu.memory_space<hbm>>) target_semaphore(%run_scoped3A : memref<!tpu.dma_semaphore, #tpu.memory_space<semaphore_mem>>)
        %dma_wait3A_1776 = arith.constant 16384 : i32
        %dma_wait3A_1777 = tpu.memref_slice %arg12[%dma_wait3A_1776] : memref<32768xf32, #tpu.memory_space<vmem>> -> memref<4096xf32, #tpu.memory_space<vmem>>
        %dma_wait3A_1778 = tpu.memref_slice %arg6[%add3A_1757] : memref<16777216xf32, #tpu.memory_space<hbm>> -> memref<4096xf32, #tpu.memory_space<hbm>>
        %dma_wait3A_1779 = tpu.memref_slice %arg6[%add3A_1757] : memref<16777216xf32, #tpu.memory_space<hbm>> -> memref<4096xf32, #tpu.memory_space<hbm>>
        %dma_wait3A_1780 = arith.constant 16384 : i32
        %dma_wait3A_1781 = tpu.memref_slice %arg12[%dma_wait3A_1780] : memref<32768xf32, #tpu.memory_space<vmem>> -> memref<4096xf32, #tpu.memory_space<vmem>>
        tpu.wait_dma2 semaphore(%run_scoped3A : memref<!tpu.dma_semaphore, #tpu.memory_space<semaphore_mem>>) src(%dma_wait3A_1781 : memref<4096xf32, #tpu.memory_space<vmem>>) dst(%dma_wait3A_1779 : memref<4096xf32, #tpu.memory_space<hbm>>)
        tpu.yield
      }) : () -> ()
      %mul3A_1758 = arith.constant 1024 : i32
      %mul3A_1759 = arith.muli %select_n3A, %mul3A_1758 : i32
      %add3A_1760 = arith.constant 10485760 : i32
      %add3A_1761 = arith.addi %add3A_1760, %mul3A_1759 : i32
      "tpu.region"() ({
        %run_scoped3A = tpu.sem_alloc : memref<!tpu.dma_semaphore, #tpu.memory_space<semaphore_mem>>
        %dma_start3A_1770 = arith.constant 20480 : i32
        %dma_start3A_1771 = tpu.memref_slice %arg12[%dma_start3A_1770] : memref<32768xf32, #tpu.memory_space<vmem>> -> memref<4096xf32, #tpu.memory_space<vmem>>
        %dma_start3A_1772 = tpu.memref_slice %arg6[%add3A_1761] : memref<16777216xf32, #tpu.memory_space<hbm>> -> memref<4096xf32, #tpu.memory_space<hbm>>
        %dma_start3A_1773 = tpu.memref_slice %arg6[%add3A_1761] : memref<16777216xf32, #tpu.memory_space<hbm>> -> memref<4096xf32, #tpu.memory_space<hbm>>
        %dma_start3A_1774 = arith.constant 20480 : i32
        %dma_start3A_1775 = tpu.memref_slice %arg12[%dma_start3A_1774] : memref<32768xf32, #tpu.memory_space<vmem>> -> memref<4096xf32, #tpu.memory_space<vmem>>
        tpu.enqueue_dma source(%dma_start3A_1775 : memref<4096xf32, #tpu.memory_space<vmem>>) target(%dma_start3A_1773 : memref<4096xf32, #tpu.memory_space<hbm>>) target_semaphore(%run_scoped3A : memref<!tpu.dma_semaphore, #tpu.memory_space<semaphore_mem>>)
        %dma_wait3A_1776 = arith.constant 20480 : i32
        %dma_wait3A_1777 = tpu.memref_slice %arg12[%dma_wait3A_1776] : memref<32768xf32, #tpu.memory_space<vmem>> -> memref<4096xf32, #tpu.memory_space<vmem>>
        %dma_wait3A_1778 = tpu.memref_slice %arg6[%add3A_1761] : memref<16777216xf32, #tpu.memory_space<hbm>> -> memref<4096xf32, #tpu.memory_space<hbm>>
        %dma_wait3A_1779 = tpu.memref_slice %arg6[%add3A_1761] : memref<16777216xf32, #tpu.memory_space<hbm>> -> memref<4096xf32, #tpu.memory_space<hbm>>
        %dma_wait3A_1780 = arith.constant 20480 : i32
        %dma_wait3A_1781 = tpu.memref_slice %arg12[%dma_wait3A_1780] : memref<32768xf32, #tpu.memory_space<vmem>> -> memref<4096xf32, #tpu.memory_space<vmem>>
        tpu.wait_dma2 semaphore(%run_scoped3A : memref<!tpu.dma_semaphore, #tpu.memory_space<semaphore_mem>>) src(%dma_wait3A_1781 : memref<4096xf32, #tpu.memory_space<vmem>>) dst(%dma_wait3A_1779 : memref<4096xf32, #tpu.memory_space<hbm>>)
        tpu.yield
      }) : () -> ()
      %mul3A_1762 = arith.constant 1024 : i32
      %mul3A_1763 = arith.muli %select_n3A, %mul3A_1762 : i32
      %add3A_1764 = arith.constant 12582912 : i32
      %add3A_1765 = arith.addi %add3A_1764, %mul3A_1763 : i32
      "tpu.region"() ({
        %run_scoped3A = tpu.sem_alloc : memref<!tpu.dma_semaphore, #tpu.memory_space<semaphore_mem>>
        %dma_start3A_1770 = arith.constant 24576 : i32
        %dma_start3A_1771 = tpu.memref_slice %arg12[%dma_start3A_1770] : memref<32768xf32, #tpu.memory_space<vmem>> -> memref<4096xf32, #tpu.memory_space<vmem>>
        %dma_start3A_1772 = tpu.memref_slice %arg6[%add3A_1765] : memref<16777216xf32, #tpu.memory_space<hbm>> -> memref<4096xf32, #tpu.memory_space<hbm>>
        %dma_start3A_1773 = tpu.memref_slice %arg6[%add3A_1765] : memref<16777216xf32, #tpu.memory_space<hbm>> -> memref<4096xf32, #tpu.memory_space<hbm>>
        %dma_start3A_1774 = arith.constant 24576 : i32
        %dma_start3A_1775 = tpu.memref_slice %arg12[%dma_start3A_1774] : memref<32768xf32, #tpu.memory_space<vmem>> -> memref<4096xf32, #tpu.memory_space<vmem>>
        tpu.enqueue_dma source(%dma_start3A_1775 : memref<4096xf32, #tpu.memory_space<vmem>>) target(%dma_start3A_1773 : memref<4096xf32, #tpu.memory_space<hbm>>) target_semaphore(%run_scoped3A : memref<!tpu.dma_semaphore, #tpu.memory_space<semaphore_mem>>)
        %dma_wait3A_1776 = arith.constant 24576 : i32
        %dma_wait3A_1777 = tpu.memref_slice %arg12[%dma_wait3A_1776] : memref<32768xf32, #tpu.memory_space<vmem>> -> memref<4096xf32, #tpu.memory_space<vmem>>
        %dma_wait3A_1778 = tpu.memref_slice %arg6[%add3A_1765] : memref<16777216xf32, #tpu.memory_space<hbm>> -> memref<4096xf32, #tpu.memory_space<hbm>>
        %dma_wait3A_1779 = tpu.memref_slice %arg6[%add3A_1765] : memref<16777216xf32, #tpu.memory_space<hbm>> -> memref<4096xf32, #tpu.memory_space<hbm>>
        %dma_wait3A_1780 = arith.constant 24576 : i32
        %dma_wait3A_1781 = tpu.memref_slice %arg12[%dma_wait3A_1780] : memref<32768xf32, #tpu.memory_space<vmem>> -> memref<4096xf32, #tpu.memory_space<vmem>>
        tpu.wait_dma2 semaphore(%run_scoped3A : memref<!tpu.dma_semaphore, #tpu.memory_space<semaphore_mem>>) src(%dma_wait3A_1781 : memref<4096xf32, #tpu.memory_space<vmem>>) dst(%dma_wait3A_1779 : memref<4096xf32, #tpu.memory_space<hbm>>)
        tpu.yield
      }) : () -> ()
      %mul3A_1766 = arith.constant 1024 : i32
      %mul3A_1767 = arith.muli %select_n3A, %mul3A_1766 : i32
      %add3A_1768 = arith.constant 14680064 : i32
      %add3A_1769 = arith.addi %add3A_1768, %mul3A_1767 : i32
      "tpu.region"() ({
        %run_scoped3A = tpu.sem_alloc : memref<!tpu.dma_semaphore, #tpu.memory_space<semaphore_mem>>
        %dma_start3A_1770 = arith.constant 28672 : i32
        %dma_start3A_1771 = tpu.memref_slice %arg12[%dma_start3A_1770] : memref<32768xf32, #tpu.memory_space<vmem>> -> memref<4096xf32, #tpu.memory_space<vmem>>
        %dma_start3A_1772 = tpu.memref_slice %arg6[%add3A_1769] : memref<16777216xf32, #tpu.memory_space<hbm>> -> memref<4096xf32, #tpu.memory_space<hbm>>
        %dma_start3A_1773 = tpu.memref_slice %arg6[%add3A_1769] : memref<16777216xf32, #tpu.memory_space<hbm>> -> memref<4096xf32, #tpu.memory_space<hbm>>
        %dma_start3A_1774 = arith.constant 28672 : i32
        %dma_start3A_1775 = tpu.memref_slice %arg12[%dma_start3A_1774] : memref<32768xf32, #tpu.memory_space<vmem>> -> memref<4096xf32, #tpu.memory_space<vmem>>
        tpu.enqueue_dma source(%dma_start3A_1775 : memref<4096xf32, #tpu.memory_space<vmem>>) target(%dma_start3A_1773 : memref<4096xf32, #tpu.memory_space<hbm>>) target_semaphore(%run_scoped3A : memref<!tpu.dma_semaphore, #tpu.memory_space<semaphore_mem>>)
        %dma_wait3A_1776 = arith.constant 28672 : i32
        %dma_wait3A_1777 = tpu.memref_slice %arg12[%dma_wait3A_1776] : memref<32768xf32, #tpu.memory_space<vmem>> -> memref<4096xf32, #tpu.memory_space<vmem>>
        %dma_wait3A_1778 = tpu.memref_slice %arg6[%add3A_1769] : memref<16777216xf32, #tpu.memory_space<hbm>> -> memref<4096xf32, #tpu.memory_space<hbm>>
        %dma_wait3A_1779 = tpu.memref_slice %arg6[%add3A_1769] : memref<16777216xf32, #tpu.memory_space<hbm>> -> memref<4096xf32, #tpu.memory_space<hbm>>
        %dma_wait3A_1780 = arith.constant 28672 : i32
        %dma_wait3A_1781 = tpu.memref_slice %arg12[%dma_wait3A_1780] : memref<32768xf32, #tpu.memory_space<vmem>> -> memref<4096xf32, #tpu.memory_space<vmem>>
        tpu.wait_dma2 semaphore(%run_scoped3A : memref<!tpu.dma_semaphore, #tpu.memory_space<semaphore_mem>>) src(%dma_wait3A_1781 : memref<4096xf32, #tpu.memory_space<vmem>>) dst(%dma_wait3A_1779 : memref<4096xf32, #tpu.memory_space<hbm>>)
        tpu.yield
      }) : () -> ()
    }
    %scan3A_7 = arith.constant 16 : i32
    return
  }
}

</mosaic_0001>

<sc_bundles>
// kernel: _lpe_sc.3.cloned.1.call-start
scs
__scs_entry_jumppad:
0x0: {  	(pc) =	sbr.rel $0x88, $3  }
0x1: {  	(tag) =	ssettag $0x0;
	lr =	simm.s32 $0x1  }
0x2: {  	[smem:$0x3F9D] =	sst lr;
	_ =	strace $0xD0000000  }
0x3: {  	_ = 	snop  }
0x4: {  	_ = 	snop  }
0x5: {  	_ = 	snop  }
0x6: {  	_ = 	snop  }
0x7: {  	_ = 	snop  }
__scs_overlays_trampoline_lowered:
0x8: {  	[smem:$0x3FAC] =	sst s0  }
0x9: {  	[smem:$0x3FAD] =	sst s1  }
0xa: {  	[smem:$0x3FAE] =	sst s2  }
0xb: {  	[smem:$0x3FAF] =	sst s3  }
0xc: {  	[smem:$0x3FB0] =	sst s4  }
0xd: {  	[smem:$0x3FB1] =	sst s5  }
0xe: {  	[smem:$0x3FB2] =	sst s6  }
0xf: {  	[smem:$0x3FB3] =	sst s7  }
0x10: {  	[smem:$0x3FB4] =	sst s8  }
0x11: {  	[smem:$0x3FB5] =	sst s9;
	s0 =	simm.s32 @!p0 $0x0  }
0x12: {  	s1 =	sld [smem:$0x3F9B];
	s0 =	simm.s32 @p0 $0x1  }
0x13: {  	[smem:$0x3FB6] =	sst s0;
	s0 =	simm.s32 @!p1 $0x0  }
0x14: {  	s2 =	sld [smem:$0x3F9A];
	s0 =	simm.s32 @p1 $0x1  }
0x15: {  	[smem:$0x3FB7] =	sst s0;
	s0 =	simm.s32 @!p2 $0x0  }
0x16: {  	s3 =	sld [smem:$0x3FDB];
	s0 =	simm.s32 @p2 $0x1  }
0x17: {  	s4 =	simm.s32 $0x1BF5;
	[smem:$0x3FB9] =	sst s0  }
0x18: {  	s0 =	sld [smem:$0x3F9C];
	_ =	swait.ge [sflag:s4], $0x0  }
0x19: {  	s7 =	sld [smem:$0x3F9D]  }
0x1a: {  	s8 =	sadd.s32 $0xFFFFE003, lr  }
0x1b: {  	s9 =	sadd.s32 $0xFFFFFEF7, lr;
	s5 =	simm.s32 $0xFFFFFFFF;
	p2 =	slt.u32 s8, $0xFFFFF086  }
0x1c: {  	p1 =	slt.u32 s9, $0xF7A;
	s5 =	simm.s32 @!p2 $0x0  }
0x1d: {  	s5 =	simm.s32 @p1 $0x1;
	p0 =	seq.s32 s7, s2  }
0x1e: {  	s7 =	smul.u32 @!p0 $0xF7A, s2;
	p2 =	seq.s32 @!p0 s5, $0x0  }
0x1f: {  	s9 =	smul.u32 $0xF7A, s1;
	s8 =	simm.s32 @!p0 $0x1BF5;
	p2 =	por !p2, p0  }
0x20: {  	[sflag:s8] =	ssyncset.s32 @!p0 $0xFFFFF086;
	s6 =	sadd.s32 @!p0 s3, s7;
	s7 =	simm.s32 @!p0 $0x108  }
0x21: {  	s3 =	sadd.s32 s3, s9;
	s6 =	sadd.s32 @!p0 $0x88, s6;
	s7 =	simm.s32 @p2 $0x1082  }
0x22: {  	[simem:s7], [sflag:s8] =	dma.local @!p0 [hbm:s6], $0xF7A  }
0x23: {  	s9 =	sor.u32 $0xD0000000, s2;
	s6 =	simm.s32 $0x108;
	_ =	swait.ge @!p0 [sflag:s8], $0x0  }
0x24: {  	s3 =	sadd.s32 $0x88, s3;
	s6 =	simm.s32 @!p1 $0x1082;
	[sflag:s4] =	ssyncset.s32 $0xFFFFF086  }
0x25: {  	[simem:s6], [sflag:s4] =	dma.local [hbm:s3], $0xF7A  }
0x26: {  	[smem:$0x3F9D] =	sst s1;
	(tag) =	ssettag s2;
	_ =	strace s9  }
0x27: {  	s1 =	sld [smem:$0x3FAD]  }
0x28: {  	s2 =	sld [smem:$0x3FAE]  }
0x29: {  	s4 =	sld [smem:$0x3FB0]  }
0x2a: {  	p0 =	seq.s32 s5, $0x0;
	s5 =	sld [smem:$0x3FB1]  }
0x2b: {  	s6 =	sld [smem:$0x3FB2]  }
0x2c: {  	s7 =	sld [smem:$0x3FB3]  }
0x2d: {  	s3 =	simm.s32 $0x108;
	s8 =	sld [smem:$0x3FB4]  }
0x2e: {  	s3 =	simm.s32 @!p0 $0x1082;
	s9 =	sld [smem:$0x3FB5]  }
0x2f: {  	lr =	sadd.s32 s0, s3;
	s0 =	sld [smem:$0x3FAC]  }
0x30: {  	s3 =	sld [smem:$0x3FAF]  }
0x31: {  	[smem:$0x3FB8] =	sst s10  }
0x32: {  	s10 =	sld [smem:$0x3FB6];
	_ =	sdelay $0x3  }
0x33: {  	p0 =	seq.s32 s10, $0x1;
	s10 =	sld [smem:$0x3FB8];
	_ =	sdelay $0x3  }
0x34: {  	[smem:$0x3FB8] =	sst s10  }
0x35: {  	s10 =	sld [smem:$0x3FB7];
	_ =	sdelay $0x3  }
0x36: {  	p1 =	seq.s32 s10, $0x1;
	s10 =	sld [smem:$0x3FB8];
	_ =	sdelay $0x3  }
0x37: {  	[smem:$0x3FB8] =	sst s10  }
0x38: {  	s10 =	sld [smem:$0x3FB9]  }
0x39: {  	_ = 	snop;
	(pc) =	sbr.ind lr, $3  }
0x3a: {  	_ = 	snop  }
0x3b: {  	_ = 	snop  }
0x3c: {  	p2 =	seq.s32 s10, $0x1;
	s10 =	sld [smem:$0x3FB8]  }
0x3d: {  	_ =	shalt  }
0x3e: {  	_ =	shalt  }
0x3f: {  	_ =	shalt  }
0x40: {  	_ =	shalt  }
0x41: {  	_ =	shalt  }
0x42: {  	_ =	shalt  }
0x43: {  	_ =	shalt  }
0x44: {  	_ =	shalt  }
0x45: {  	_ =	shalt  }
0x46: {  	_ =	shalt  }
0x47: {  	_ =	shalt  }
0x48: {  	_ =	shalt  }
0x49: {  	_ =	shalt  }
0x4a: {  	_ =	shalt  }
0x4b: {  	_ =	shalt  }
0x4c: {  	_ =	shalt  }
0x4d: {  	_ =	shalt  }
0x4e: {  	_ =	shalt  }
0x4f: {  	_ =	shalt  }
0x50: {  	_ =	shalt  }
0x51: {  	_ =	shalt  }
0x52: {  	_ =	shalt  }
0x53: {  	_ =	shalt  }
0x54: {  	_ =	shalt  }
0x55: {  	_ =	shalt  }
0x56: {  	_ =	shalt  }
0x57: {  	_ =	shalt  }
0x58: {  	_ =	shalt  }
0x59: {  	_ =	shalt  }
0x5a: {  	_ =	shalt  }
0x5b: {  	_ =	shalt  }
0x5c: {  	_ =	shalt  }
0x5d: {  	_ =	shalt  }
0x5e: {  	_ =	shalt  }
0x5f: {  	_ =	shalt  }
0x60: {  	_ =	shalt  }
0x61: {  	_ =	shalt  }
0x62: {  	_ =	shalt  }
0x63: {  	_ =	shalt  }
0x64: {  	_ =	shalt  }
0x65: {  	_ =	shalt  }
0x66: {  	_ =	shalt  }
0x67: {  	_ =	shalt  }
0x68: {  	_ =	shalt  }
0x69: {  	_ =	shalt  }
0x6a: {  	_ =	shalt  }
0x6b: {  	_ =	shalt  }
0x6c: {  	_ =	shalt  }
0x6d: {  	_ =	shalt  }
0x6e: {  	_ =	shalt  }
0x6f: {  	_ =	shalt  }
0x70: {  	_ =	shalt  }
0x71: {  	_ =	shalt  }
0x72: {  	_ =	shalt  }
0x73: {  	_ =	shalt  }
0x74: {  	_ =	shalt  }
0x75: {  	_ =	shalt  }
0x76: {  	_ =	shalt  }
0x77: {  	_ =	shalt  }
0x78: {  	_ =	shalt  }
0x79: {  	_ =	shalt  }
0x7a: {  	_ =	shalt  }
0x7b: {  	_ =	shalt  }
0x7c: {  	_ =	shalt  }
0x7d: {  	_ =	shalt  }
0x7e: {  	_ =	shalt  }
0x7f: {  	_ =	shalt  }
0x80: {  	_ =	shalt  }
0x81: {  	_ =	shalt  }
0x82: {  	_ =	shalt  }
0x83: {  	_ =	shalt  }
0x84: {  	_ =	shalt  }
0x85: {  	_ =	shalt  }
0x86: {  	_ =	shalt  }
0x87: {  	_ =	shalt  }
.Lfunc_end0:
.L_simem_size_0:
called_computation_lowered:
.L_overlay_start_0:
0x88: {  	s2 =	sld [smem:$0x3FD9]  }
0x89: {  	s3 =	sld [smem:$0x3FFE];
	_ =	sdelay $0x1  }
0x8a: {  	s1 =	srdreg.scid  }
0x8b: {  	s0 =	sand.u32 $0x1, s1  }
0x8c: {  	s17 =	sshll.u32 s0, $0xA;
	s2 =	sadd.s32 s3, s2  }
0x8d: {  	s2 =	sadd.s32 s2, s17  }
0x8e: {  	[smem:$0x3FC4] =	sst s2  }
0x8f: {  	_ = 	snop  }
0x90: {  	s2 =	sld [smem:$0x3FC9]  }
0x91: {  	s18 =	sld [smem:$0x3FC8]  }
0x92: {  	s4 =	sld [smem:$0x3FC7]  }
0x93: {  	s5 =	sld [smem:$0x3FD0];
	(tm) =	ssettm $0x1  }
0x94: {  	s6 =	sld [smem:$0x3FFB];
	_ =	sdelay $0x3  }
0x95: {  	_ =	strace s6  }
0x96: {  	s6 =	sld [smem:$0x3FFC];
	_ =	sdelay $0x3  }
0x97: {  	_ =	strace s6  }
0x98: {  	s6 =	sld [smem:$0x3FFD];
	_ =	sdelay $0x3  }
0x99: {  	_ =	strace s6  }
0x9a: {  	_ =	strace $0x8FFFFFFF  }
0x9b: {  	s19 =	sld [smem:$0x3FDB];
	_ =	sdelay $0x1  }
0x9c: {  	s7 =	simm.s32 $_scs_section_size  }
0x9d: {  	s8 =	simm.s32 $_size__tile_overlayer_lowered;
	s9 =	simm.s32 $_tile_overlayer_lowered  }
0x9e: {  	s22 =	simm.s32 $0x1BFF;
	s21 =	sshll.u32 s9, $0x1;
	s6 =	sadd.s32 s7, s19  }
0x9f: {  	s10 =	simm.s32 $0x0;
	s20 =	sshll.u32 s8, $0x1;
	s8 =	sadd.s32 s21, s6  }
0xa0: {  	[timem:s10], [sflag:s22] =	dma.local [hbm:s8], s20  }
0xa1: {  	_ =	swait.ge [sflag:s22], s20  }
0xa2: {  	s7 =	ssub.s32 $0x0, s20;
	[sflag:s22] =	ssyncset.done $0x0  }
0xa3: {  	[sflag:s22] =	ssyncadd.s32 s7;
	_ =	sdelay $0x1  }
0xa4: {  	s23 =	simm.s32 $0x1B8B  }
0xa5: {  	_ =	swait.ge [sflag:s23], $0x1  }
0xa6: {  	[sflag:s23] =	ssyncset.done $0x0  }
0xa7: {  	s25 =	simm.s32 $0x1B8E;
	s24 =	sld [smem:$0x3FFE];
	[sflag:s23] =	ssyncadd.s32 $0xFFFFFFFF  }
0xa8: {  	s26 =	simm.s32 $execute0_lowered;
	[smem:$0x3FD2] =	sst s25  }
0xa9: {  	s8 =	sshll.u32 s26, $0x1;
	_ =	strace $0x80000046;
	[dreg:$0x1] =	wrdreg $0xFFFFFFFF  }
0xaa: {  	s28 =	simm.s32 $_size_execute0_lowered;
	s6 =	sadd.s32 s6, s8;
	[dreg:$0x0] =	wrdreg $0x0  }
0xab: {  	s8 =	sshll.u32 s28, $0x1;
	[dreg:$0x2] =	wrdreg s6  }
0xac: {  	[dreg:$0x3] =	wrdreg s8  }
0xad: {  	[dreg:$0x4] =	wrdreg $0xC0  }
0xae: {  	_ =	task [dreg:s10], $0x5FFFF  }
0xaf: {  	[dreg:$0x1] =	wrdreg $0xFFFFFFFF  }
0xb0: {  	[dreg:$0x0] =	wrdreg $0x60  }
0xb1: {  	[dreg:$0x2] =	wrdreg s2  }
0xb2: {  	[dreg:$0x3] =	wrdreg s18  }
0xb3: {  	[dreg:$0x4] =	wrdreg s4  }
0xb4: {  	[dreg:$0x5] =	wrdreg s24  }
0xb5: {  	[dreg:$0x6] =	wrdreg s5  }
0xb6: {  	[dreg:$0x7] =	wrdreg $0x9  }
0xb7: {  	_ =	task.clear_ibuf [dreg:s10], $0x8FFFF;
	_ =	strace $0x90000046  }
0xb8: {  	s29 =	simm.s32 $0x9;
	_ =	strace $0x80000048  }
0xb9: {  	_ =	swait.ge [sflag:s29], $0x1  }
0xba: {  	[sflag:s29] =	ssyncadd.s32 $0xFFFFFFFF  }
0xbb: {  	_ =	strace $0x90000048  }
0xbc: {  	_ =	sfence  }
0xbd: {  	s30 =	sld [smem:$0x0];
	_ =	sdelay $0x2  }
0xbe: {  	s31 =	sshll.u32 s1, $0xD;
	s1 =	sshrl.u32 s1, $0x2  }
0xbf: {  	s3 =	sand.u32 $0x4000, s31;
	s1 =	sadd.s32 s1, s30  }
0xc0: {  	s0 =	sor.u32 s3, s0;
	s1 =	sshll.u32 s1, $0x11  }
0xc1: {  	s0 =	sor.u32 s1, s0  }
0xc2: {  	s0 =	sadd.s32 $0x8F2B, s0  }
0xc3: {  	[sflag:s0] =	ssyncadd.remote.s32 $0x1  }
0xc4: {  	_ =	sfence.sel $0xFFFF  }
0xc5: {  	[dreg:$0x0] =	wrdreg $0xFFFFFFFF;
	(pc) =	sbr.abs _section_cstart, $3  }
0xc6: {  	[dreg:$0x1] =	wrdreg $0xFFFFFFFF  }
0xc7: {  	_ =	task.clear_ibuf [dreg:s10], $0x2FFFF;
	_ =	strace $0x9FFFFFFF  }
0xc8: {  	(tm) =	ssettm $0x7FFFFFFF  }
0xc9: {  	_ =	shalt  }
tec
execute0_lowered:
.L_overlay_start_1:
0x0: {  	(tag) =	ssettag $0x1  }
0x1: {  	s0 =	rddreg [dreg:$0x3]  }
0x2: {  	s4 =	rddreg [dreg:$0x4];
	s5 =	simm.s32 $0x0;
	s1 =	srdreg.scid  }
0x3: {  	s3 =	stileid.u32;
	s17 =	simm.s32 $0x2;
	s18 =	simm.s32 $0x80  }
0x4: {  	s20 =	simm.s32 $0x800;
	s28 =	simm.s32 $0x1;
	s30 =	simm.s32 $0x6800  }
0x5: {  	s31 =	simm.s32 $0x7800;
	s6 =	simm.s32 $0x9800;
	s16 =	simm.s32 $0xA800  }
0x6: {  	[smem:$0x7FF] =	sst s5;
	s1 =	sand.u32 $0x1, s1;
	s7 =	sadd.s32 $0x1000400, s0  }
0x7: {  	s3 =	sshll.u32 s3, $0xE;
	s9 =	sadd.s32 $0x40000, s4;
	s10 =	sadd.s32 $0x80000, s4  }
0x8: {  	s11 =	sadd.s32 $0xC0000, s4;
	s12 =	sadd.s32 $0x100000, s4;
	s13 =	sadd.s32 $0x140000, s4  }
0x9: {  	s14 =	sadd.s32 $0x180000, s4;
	s29 =	smov.u32 s4;
	s26 =	ssub.s32 $0x2, s1  }
0xa: {  	s15 =	sadd.s32 $0x1C0000, s4;
	s4 =	simm.s32 $0x0;
	s2 =	sshrl.u32 s26, $0x1  }
0xb: {  	_ =	strace $0x80000047;
	s1 =	sshll.u32 s1, $0xD;
	s0 =	ssub.s32 s26, s2  }
0xc: {  	v1 =	vlaneseq.u32;
	s8 =	sor.u32 s1, s3;
	s1 =	simm.s32 $0xB800;
	s0 =	smax.u32 s0, $0x1  }
0xd: {  	v0 =	vimm.s32 $0x0;
	v1 =	vmul.u32 $0x28, v1;
	s2 =	simm.s32 $0xC800;
	[dreg:$0x6] =	wrdreg s0;
	s0 =	simm.s32 $0x8800  }
.LBB2_1:
0xe: {  	[dreg:$0x7] =	wrdreg s4;
	s3 =	simm.s32 $0x0  }
.LBB2_2:
0xf: {  	s4 =	sshll.u32 s3, $0x9  }
0x10: {  	s4 =	sadd.s32 s8, s4  }
0x11: {  	s19 =	rddreg [dreg:$0x0];
	s22 =	sshrl.u32 s4, $0x3  }
0x12: {  	s21 =	sadd.s32 s19, s22;
	s19 =	simm.s32 $0x0  }
0x13: {  	[tilespmem:s19], [sflag:$0x2] =	stream.linear.gather [hbm4b:s21+s19], $0x200, $0x38;
	[tilespmem:$0xD800] =	vst v63  }
0x14: {  	_ =	swait.ge [sflag:s17], $0x200  }
0x15: {  	[sflag:s17] =	ssyncset.done $0x0  }
0x16: {  	[sflag:s17] =	ssyncadd.s32 $0xFFFFFE00  }
0x17: {  	s23 =	rddreg [dreg:$0x1]  }
0x18: {  	s21 =	simm.s32 $0x200;
	s23 =	sadd.s32 s23, s22  }
0x19: {  	[tilespmem:s21], [sflag:$0x2] =	stream.linear.gather [hbm4b:s23+s19], $0x200, $0x38;
	[tilespmem:$0xD800] =	vst v63  }
0x1a: {  	_ =	swait.ge [sflag:s17], $0x200  }
0x1b: {  	[sflag:s17] =	ssyncset.done $0x0  }
0x1c: {  	[sflag:s17] =	ssyncadd.s32 $0xFFFFFE00  }
0x1d: {  	s24 =	rddreg [dreg:$0x2]  }
0x1e: {  	s23 =	sadd.s32 s24, s22;
	s22 =	simm.s32 $0x400  }
0x1f: {  	[tilespmem:s22], [sflag:$0x2] =	stream.linear.gather [hbm4b:s23+s19], $0x200, $0x38;
	[tilespmem:$0xD800] =	vst v63  }
0x20: {  	_ =	swait.ge [sflag:s17], $0x200  }
0x21: {  	[sflag:s17] =	ssyncset.done $0x0  }
0x22: {  	[sflag:s17] =	ssyncadd.s32 $0xFFFFFE00  }
0x23: {  	v2 =	vld [tilespmem:$0x0]  }
0x24: {  	v3 =	vld [tilespmem:$0x200]  }
0x25: {  	v4 =	vld [tilespmem:$0x400]  }
0x26: {  	v5 =	vld [tilespmem:$0x10]  }
0x27: {  	v6 =	vld [tilespmem:$0x210]  }
0x28: {  	v7 =	vld [tilespmem:$0x410]  }
0x29: {  	v8 =	vld [tilespmem:$0x20]  }
0x2a: {  	v9 =	vld [tilespmem:$0x220]  }
0x2b: {  	v14 =	vld [tilespmem:$0x30]  }
0x2c: {  	v15 =	vld [tilespmem:$0x230]  }
0x2d: {  	v20 =	vld [tilespmem:$0x40]  }
0x2e: {  	v11 =	vld [tilespmem:$0x240]  }
0x2f: {  	v27 =	vld [tilespmem:$0x50]  }
0x30: {  	v28 =	vld [tilespmem:$0x250];
	v2 =	vmul.f32 $1.280000000e+02, v2  }
0x31: {  	v35 =	vld [tilespmem:$0x60];
	v3 =	vmul.f32 $1.280000000e+02, v3;
	v4 =	vmul.f32 $1.280000000e+02, v4  }
0x32: {  	v48 =	vld [tilespmem:$0x80];
	v5 =	vmul.f32 $1.280000000e+02, v5;
	v6 =	vmul.f32 $1.280000000e+02, v6  }
0x33: {  	v55 =	vld [tilespmem:$0x90];
	v7 =	vmul.f32 $1.280000000e+02, v7;
	v8 =	vmul.f32 $1.280000000e+02, v8  }
0x34: {  	v12 =	vmul.f32 $1.280000000e+02, v9;
	v18 =	vmul.f32 $1.280000000e+02, v14  }
0x35: {  	v19 =	vmul.f32 $1.280000000e+02, v15;
	v24 =	vmul.f32 $1.280000000e+02, v20  }
0x36: {  	v25 =	vmul.f32 $1.280000000e+02, v11;
	v33 =	vmul.f32 $1.280000000e+02, v27  }
0x37: {  	v34 =	vmul.f32 $1.280000000e+02, v28;
	v40 =	vmul.f32 $1.280000000e+02, v35  }
0x38: {  	v53 =	vmul.f32 $1.280000000e+02, v48;
	v59 =	vmul.f32 $1.280000000e+02, v55  }
0x39: {  	v2 =	vtrunc.f32 v2;
	v3 =	vtrunc.f32 v3  }
0x3a: {  	v4 =	vtrunc.f32 v4;
	v5 =	vtrunc.f32 v5  }
0x3b: {  	v6 =	vtrunc.f32 v6;
	v63 =	vtrunc.f32 v8  }
0x3c: {  	v9 =	vtrunc.f32 v19;
	v36 =	vtrunc.f32 v34  }
0x3d: {  	v14 =	vld [tilespmem:$0x270];
	v11 =	vtrunc.f32 v40;
	v2 =	vcvt.f32.s32 v2  }
0x3e: {  	v15 =	vld [tilespmem:$0x280];
	v3 =	vcvt.f32.s32 v3;
	v4 =	vcvt.f32.s32 v4  }
0x3f: {  	v5 =	vcvt.f32.s32 v5;
	v6 =	vcvt.f32.s32 v6  }
0x40: {  	v9 =	vcvt.f32.s32 v9;
	v11 =	vcvt.f32.s32 v11;
	vm0 =	vgt.s32 v2, $0x0  }
0x41: {  	vm5 =	vgt.s32 v3, $0x0;
	vm6 =	vgt.s32 v4, $0x0;
	vm7 =	vgt.s32 v5, $0x0  }
0x42: {  	vm8 =	vgt.s32 v6, $0x0;
	vm14 =	vgt.s32 v9, $0x0;
	v47 =	vmul.f32 $1.280000000e+02, v14  }
0x43: {  	v54 =	vmul.f32 $1.280000000e+02, v15;
	v2 =	vnsel vm0, $0x0, v2;
	v3 =	vnsel vm5, $0x0, v3  }
0x44: {  	v61 =	vld [tilespmem:$0x420];
	v4 =	vnsel vm6, $0x0, v4;
	v5 =	vnsel vm7, $0x0, v5;
	v62 =	vnsel vm8, $0x0, v6  }
0x45: {  	v6 =	vtrunc.f32 v12;
	v23 =	vnsel vm14, $0x0, v9;
	v9 =	vtrunc.f32 v25  }
0x46: {  	v2 =	vmin.u32 v2, $0x7F;
	v3 =	vmin.u32 v3, $0x7F;
	v6 =	vcvt.f32.s32 v6  }
0x47: {  	v4 =	vmin.u32 v4, $0x7F;
	v9 =	vcvt.f32.s32 v9;
	v14 =	vtrunc.f32 v54  }
0x48: {  	v2 =	vshll.u32 v2, $0xE;
	v3 =	vshll.u32 v3, $0x7;
	v14 =	vcvt.f32.s32 v14  }
0x49: {  	v17 =	vld [tilespmem:$0x430];
	v2 =	vor.u32 v2, v3;
	v3 =	vtrunc.f32 v7;
	v7 =	vmul.f32 $1.280000000e+02, v61  }
0x4a: {  	v12 =	vld [tilespmem:$0x440];
	vm11 =	vgt.s32 v6, $0x0;
	vm5 =	vgt.s32 v9, $0x0;
	v10 =	vcvt.f32.s32 v3  }
0x4b: {  	v3 =	vor.u32 v4, v2;
	v2 =	vmin.u32 v5, $0x7F;
	v4 =	vmin.u32 v62, $0x7F  }
0x4c: {  	v5 =	vcvt.f32.s32 v63;
	v6 =	vnsel vm11, $0x0, v6;
	v32 =	vnsel vm5, $0x0, v9  }
0x4d: {  	v9 =	vtrunc.f32 v33;
	vm5 =	vgt.s32 v14, $0x0;
	v2 =	vshll.u32 v2, $0xE  }
0x4e: {  	v4 =	vshll.u32 v4, $0x7;
	v16 =	vtrunc.f32 v7;
	v7 =	vmul.f32 $1.280000000e+02, v17  }
0x4f: {  	v6 =	vmin.u32 v6, $0x7F;
	v26 =	vmul.f32 $1.280000000e+02, v12;
	v9 =	vcvt.f32.s32 v9  }
0x50: {  	v30 =	vld [tilespmem:$0x450];
	v57 =	vnsel vm5, $0x0, v14;
	v3 =	vshrl.u32 v3, $0x1;
	vm9 =	vgt.s32 v10, $0x0  }
0x51: {  	v44 =	vld [tilespmem:$0x470];
	v2 =	vor.u32 v2, v4;
	vm10 =	vgt.s32 v5, $0x0;
	v4 =	vcvt.f32.s32 v16  }
0x52: {  	v61 =	vld [tilespmem:$0xA0];
	v6 =	vshll.u32 v6, $0x7;
	v13 =	vnsel vm9, $0x0, v10;
	v5 =	vnsel vm10, $0x0, v5  }
0x53: {  	v7 =	vtrunc.f32 v7;
	v10 =	vtrunc.f32 v26;
	vm7 =	vgt.s32 v9, $0x0  }
0x54: {  	vm10 =	vgt.s32 v11, $0x0;
	v8 =	vmin.u32 v13, $0x7F;
	v5 =	vmin.u32 v5, $0x7F  }
0x55: {  	vm12 =	vgt.s32 v4, $0x0;
	v7 =	vcvt.f32.s32 v7;
	v29 =	vcvt.f32.s32 v10  }
0x56: {  	v17 =	vld [tilespmem:$0x490];
	v10 =	vmul.f32 $1.280000000e+02, v30;
	v37 =	vnsel vm7, $0x0, v9;
	v43 =	vnsel vm10, $0x0, v11  }
0x57: {  	v25 =	vld [tilespmem:$0xB0];
	v11 =	vmul.f32 $1.280000000e+02, v44;
	v15 =	vmul.f32 $1.280000000e+02, v61;
	v2 =	vor.u32 v8, v2  }
0x58: {  	v39 =	vld [tilespmem:$0x460];
	v4 =	vnsel vm12, $0x0, v4;
	v8 =	vtrunc.f32 v18;
	v5 =	vshll.u32 v5, $0xE  }
0x59: {  	v16 =	vld [tilespmem:$0x290];
	v4 =	vmin.u32 v4, $0x7F;
	v8 =	vcvt.f32.s32 v8;
	v5 =	vor.u32 v5, v6  }
0x5a: {  	vm15 =	vgt.s32 v7, $0x0;
	v6 =	vmin.u32 v23, $0x7F;
	v10 =	vtrunc.f32 v10  }
0x5b: {  	vm6 =	vgt.s32 v29, $0x0;
	v51 =	vtrunc.f32 v11;
	v62 =	vmul.f32 $1.280000000e+02, v17  }
0x5c: {  	v13 =	vld [tilespmem:$0x260];
	v15 =	vtrunc.f32 v15;
	v17 =	vmul.f32 $1.280000000e+02, v25;
	v2 =	vshrl.u32 v2, $0x1  }
0x5d: {  	v42 =	vld [tilespmem:$0x70];
	v4 =	vor.u32 v4, v5;
	v7 =	vnsel vm15, $0x0, v7;
	v38 =	vcvt.f32.s32 v10  }
0x5e: {  	v63 =	vld [tilespmem:$0x2A0];
	v6 =	vshll.u32 v6, $0x7;
	v10 =	vmul.f32 $1.280000000e+02, v39;
	v60 =	vmul.f32 $1.280000000e+02, v16  }
0x5f: {  	v15 =	vcvt.f32.s32 v15;
	vm13 =	vgt.s32 v8, $0x0;
	v7 =	vmin.u32 v7, $0x7F  }
0x60: {  	v27 =	vld [tilespmem:$0x4B0];
	v30 =	vtrunc.f32 v17;
	v21 =	vnsel vm13, $0x0, v8;
	v8 =	vtrunc.f32 v24  }
0x61: {  	v4 =	vshrl.u32 v4, $0x1;
	v41 =	vmul.f32 $1.280000000e+02, v13;
	v10 =	vtrunc.f32 v10  }
0x62: {  	vm9 =	vgt.s32 v38, $0x0;
	v13 =	vmul.f32 $1.280000000e+02, v42;
	v14 =	vtrunc.f32 v60  }
0x63: {  	v23 =	vld [tilespmem:$0x4A0];
	v24 =	vmul.f32 $1.280000000e+02, v63;
	vm10 =	vgt.s32 v15, $0x0;
	v8 =	vcvt.f32.s32 v8  }
0x64: {  	v22 =	vmin.u32 v21, $0x7F;
	v10 =	vcvt.f32.s32 v10;
	v20 =	vcvt.f32.s32 v14  }
0x65: {  	v21 =	vtrunc.f32 v62;
	v26 =	vnsel vm10, $0x0, v15;
	v15 =	vmul.f32 $1.280000000e+02, v27  }
0x66: {  	v50 =	vld [tilespmem:$0x480];
	v9 =	vnsel vm9, $0x0, v38;
	v12 =	vtrunc.f32 v41;
	v46 =	vtrunc.f32 v13  }
0x67: {  	v34 =	vld [tilespmem:$0x4C0];
	v5 =	vshll.u32 v22, $0xE;
	v13 =	vtrunc.f32 v47;
	v22 =	vcvt.f32.s32 v21  }
0x68: {  	v9 =	vmin.u32 v9, $0x7F;
	v16 =	vtrunc.f32 v24;
	v14 =	vmul.f32 $1.280000000e+02, v23  }
0x69: {  	v28 =	vmin.u32 v26, $0x7F;
	v5 =	vor.u32 v5, v6;
	vm4 =	vgt.s32 v8, $0x0  }
0x6a: {  	v6 =	vnsel vm6, $0x0, v29;
	v12 =	vcvt.f32.s32 v12;
	v49 =	vcvt.f32.s32 v13  }
0x6b: {  	vm12 =	vgt.s32 v10, $0x0;
	v13 =	vmul.f32 $1.280000000e+02, v50;
	v16 =	vcvt.f32.s32 v16  }
0x6c: {  	v18 =	vld [tilespmem:$0x2B0];
	v33 =	vtrunc.f32 v15;
	v15 =	vmul.f32 $1.280000000e+02, v34;
	v5 =	vor.u32 v7, v5  }
0x6d: {  	v31 =	vnsel vm4, $0x0, v8;
	v8 =	vmin.u32 v32, $0x7F;
	v6 =	vmin.u32 v6, $0x7F  }
0x6e: {  	v10 =	vnsel vm12, $0x0, v10;
	vm9 =	vgt.s32 v22, $0x0;
	v14 =	vtrunc.f32 v14  }
0x6f: {  	v38 =	vld [tilespmem:$0xD0];
	v7 =	vmin.u32 v31, $0x7F;
	v8 =	vshll.u32 v8, $0x7;
	vm11 =	vgt.s32 v12, $0x0  }
0x70: {  	v10 =	vmin.u32 v10, $0x7F;
	v13 =	vtrunc.f32 v13;
	v14 =	vcvt.f32.s32 v14  }
0x71: {  	v21 =	vld [tilespmem:$0x4D0];
	vm14 =	vgt.s32 v49, $0x0;
	v31 =	vmul.f32 $1.280000000e+02, v18;
	v15 =	vtrunc.f32 v15  }
0x72: {  	[tilespmem:$0x600] =	vst v3;
	v23 =	vld [tilespmem:$0x300];
	v3 =	vshrl.u32 v5, $0x1;
	v7 =	vshll.u32 v7, $0xE;
	v12 =	vnsel vm11, $0x0, v12  }
0x73: {  	v13 =	vcvt.f32.s32 v13;
	vm11 =	vgt.s32 v16, $0x0;
	v15 =	vcvt.f32.s32 v15  }
0x74: {  	v19 =	vld [tilespmem:$0x2C0];
	v42 =	vmul.f32 $1.280000000e+02, v38;
	v7 =	vor.u32 v7, v8;
	v8 =	vcvt.f32.s32 v36  }
0x75: {  	v45 =	vmin.u32 v12, $0x7F;
	v12 =	vcvt.f32.s32 v46;
	v29 =	vnsel vm11, $0x0, v16  }
0x76: {  	v32 =	vld [tilespmem:$0xC0];
	vm12 =	vgt.s32 v14, $0x0;
	v16 =	vcvt.f32.s32 v30;
	v17 =	vtrunc.f32 v31  }
0x77: {  	v44 =	vmul.f32 $1.280000000e+02, v21;
	v27 =	vmul.f32 $1.280000000e+02, v23;
	v6 =	vor.u32 v6, v7  }
0x78: {  	v7 =	vmin.u32 v37, $0x7F;
	vm6 =	vgt.s32 v13, $0x0;
	v14 =	vnsel vm12, $0x0, v14  }
0x79: {  	v17 =	vcvt.f32.s32 v17;
	v37 =	vmul.f32 $1.280000000e+02, v19;
	vm8 =	vgt.s32 v8, $0x0  }
0x7a: {  	v48 =	vld [tilespmem:$0x4E0];
	v7 =	vshll.u32 v7, $0xE;
	vm13 =	vgt.s32 v12, $0x0;
	v58 =	vnsel vm6, $0x0, v13  }
0x7b: {  	v13 =	vtrunc.f32 v59;
	v14 =	vmin.u32 v14, $0x7F;
	v36 =	vmul.f32 $1.280000000e+02, v32  }
0x7c: {  	vm6 =	vgt.s32 v15, $0x0;
	v19 =	vtrunc.f32 v44;
	v8 =	vnsel vm8, $0x0, v8  }
0x7d: {  	v52 =	vnsel vm13, $0x0, v12;
	v12 =	vtrunc.f32 v53;
	v13 =	vcvt.f32.s32 v13  }
0x7e: {  	v46 =	vld [tilespmem:$0x2E0];
	vm8 =	vgt.s32 v20, $0x0;
	vm13 =	vgt.s32 v16, $0x0;
	v18 =	vtrunc.f32 v37  }
0x7f: {  	v30 =	vld [tilespmem:$0x310];
	v15 =	vnsel vm6, $0x0, v15;
	v47 =	vcvt.f32.s32 v19;
	v19 =	vmul.f32 $1.280000000e+02, v48  }
0x80: {  	v8 =	vmin.u32 v8, $0x7F;
	v11 =	vmin.u32 v52, $0x7F;
	v12 =	vcvt.f32.s32 v12  }
0x81: {  	v16 =	vnsel vm13, $0x0, v16;
	v18 =	vcvt.f32.s32 v18;
	v15 =	vmin.u32 v15, $0x7F  }
0x82: {  	v8 =	vshll.u32 v8, $0x7;
	v11 =	vshll.u32 v11, $0xE;
	vm7 =	vgt.s32 v13, $0x0  }
0x83: {  	v16 =	vmin.u32 v16, $0x7F;
	v52 =	vmul.f32 $1.280000000e+02, v46;
	v19 =	vtrunc.f32 v19  }
0x84: {  	v34 =	vmul.f32 $1.280000000e+02, v30;
	v7 =	vor.u32 v7, v8;
	v8 =	vmin.u32 v43, $0x7F  }
0x85: {  	v53 =	vld [tilespmem:$0xF0];
	vm4 =	vgt.s32 v12, $0x0;
	v13 =	vnsel vm7, $0x0, v13;
	v16 =	vshll.u32 v16, $0xE  }
0x86: {  	vm5 =	vgt.s32 v18, $0x0;
	v7 =	vor.u32 v9, v7;
	v8 =	vshll.u32 v8, $0xE  }
0x87: {  	v9 =	vshll.u32 v45, $0x7;
	v56 =	vnsel vm4, $0x0, v12;
	v12 =	vmin.u32 v58, $0x7F  }
0x88: {  	v13 =	vmin.u32 v13, $0x7F;
	v41 =	vnsel vm5, $0x0, v18;
	v54 =	vtrunc.f32 v52  }
0x89: {  	v30 =	vld [tilespmem:$0x560];
	v23 =	vtrunc.f32 v34;
	v8 =	vor.u32 v8, v9;
	v9 =	vnsel vm14, $0x0, v49  }
0x8a: {  	v13 =	vshll.u32 v13, $0xE;
	vm14 =	vgt.s32 v17, $0x0;
	v58 =	vmul.f32 $1.280000000e+02, v53  }
0x8b: {  	v45 =	vld [tilespmem:$0xE0];
	v23 =	vcvt.f32.s32 v23;
	v8 =	vor.u32 v10, v8;
	v10 =	vcvt.f32.s32 v51  }
0x8c: {  	v9 =	vmin.u32 v9, $0x7F;
	v35 =	vnsel vm14, $0x0, v17;
	v17 =	vtrunc.f32 v36  }
0x8d: {  	[tilespmem:$0x610] =	vst v2;
	v2 =	vshrl.u32 v7, $0x1;
	v9 =	vshll.u32 v9, $0x7;
	v17 =	vcvt.f32.s32 v17  }
0x8e: {  	v34 =	vmul.f32 $1.280000000e+02, v30;
	vm15 =	vgt.s32 v10, $0x0;
	v9 =	vor.u32 v11, v9  }
0x8f: {  	v11 =	vmin.u32 v56, $0x7F;
	v56 =	vcvt.f32.s32 v19;
	v10 =	vnsel vm15, $0x0, v10  }
0x90: {  	v11 =	vshll.u32 v11, $0xE;
	vm4 =	vgt.s32 v17, $0x0;
	v51 =	vmul.f32 $1.280000000e+02, v45  }
0x91: {  	v10 =	vmin.u32 v10, $0x7F;
	v39 =	vnsel vm4, $0x0, v17;
	v17 =	vtrunc.f32 v42  }
0x92: {  	v9 =	vor.u32 v10, v9;
	v10 =	vmin.u32 v57, $0x7F;
	v17 =	vcvt.f32.s32 v17;
	v57 =	vld [tilespmem:$0x4F0]  }
0x93: {  	vm12 =	vgt.s32 v56, $0x0;
	v40 =	vmin.u32 v39, $0x7F;
	v10 =	vshll.u32 v10, $0x7  }
0x94: {  	v10 =	vor.u32 v11, v10;
	v11 =	vnsel vm8, $0x0, v20;
	v20 =	vld [tilespmem:$0x2D0];
	vm7 =	vgt.s32 v17, $0x0  }
0x95: {  	v10 =	vor.u32 v12, v10;
	v12 =	vnsel vm9, $0x0, v22;
	v11 =	vmin.u32 v11, $0x7F  }
0x96: {  	v62 =	vld [tilespmem:$0x500];
	v49 =	vnsel vm7, $0x0, v17;
	v12 =	vmin.u32 v12, $0x7F;
	v11 =	vshll.u32 v11, $0x7  }
0x97: {  	v22 =	vld [tilespmem:$0x2F0];
	v11 =	vor.u32 v13, v11;
	v13 =	vmin.u32 v29, $0x7F;
	v19 =	vmul.f32 $1.280000000e+02, v57  }
0x98: {  	v60 =	vld [tilespmem:$0x100];
	v11 =	vor.u32 v12, v11;
	v12 =	vshll.u32 v28, $0xE;
	v13 =	vshll.u32 v13, $0x7  }
0x99: {  	v12 =	vor.u32 v12, v13;
	v13 =	vcvt.f32.s32 v33;
	v43 =	vmul.f32 $1.280000000e+02, v20  }
0x9a: {  	vm9 =	vgt.s32 v47, $0x0;
	v20 =	vtrunc.f32 v58;
	v61 =	vtrunc.f32 v19  }
0x9b: {  	[tilespmem:$0x630] =	vst v3;
	v19 =	vmul.f32 $1.280000000e+02, v62;
	v3 =	vshrl.u32 v11, $0x1;
	v12 =	vor.u32 v14, v12  }
0x9c: {  	v14 =	vmin.u32 v35, $0x7F;
	v59 =	vmul.f32 $1.280000000e+02, v22;
	v20 =	vcvt.f32.s32 v20  }
0x9d: {  	v29 =	vld [tilespmem:$0x110];
	v24 =	vcvt.f32.s32 v61;
	v22 =	vmul.f32 $1.280000000e+02, v60;
	vm15 =	vgt.s32 v13, $0x0  }
0x9e: {  	v14 =	vshll.u32 v14, $0x7;
	v18 =	vtrunc.f32 v43;
	v19 =	vtrunc.f32 v19  }
0x9f: {  	v13 =	vnsel vm15, $0x0, v13;
	v14 =	vor.u32 v16, v14;
	v16 =	vmin.u32 v41, $0x7F  }
0xa0: {  	v18 =	vcvt.f32.s32 v18;
	v21 =	vtrunc.f32 v59;
	vm13 =	vgt.s32 v20, $0x0  }
0xa1: {  	vm15 =	vgt.s32 v24, $0x0;
	v26 =	vtrunc.f32 v22;
	v19 =	vcvt.f32.s32 v19  }
0xa2: {  	v33 =	vmul.f32 $1.280000000e+02, v29;
	v13 =	vmin.u32 v13, $0x7F;
	v16 =	vshll.u32 v16, $0x7  }
0xa3: {  	v35 =	vld [tilespmem:$0x120];
	v21 =	vcvt.f32.s32 v21;
	v20 =	vnsel vm13, $0x0, v20;
	v28 =	vnsel vm15, $0x0, v24  }
0xa4: {  	v42 =	vld [tilespmem:$0x330];
	v13 =	vor.u32 v13, v14;
	v14 =	vshll.u32 v40, $0xE;
	vm8 =	vgt.s32 v18, $0x0  }
0xa5: {  	v63 =	vmin.u32 v20, $0x7F;
	v20 =	vcvt.f32.s32 v26;
	v22 =	vmin.u32 v28, $0x7F  }
0xa6: {  	vm6 =	vgt.s32 v19, $0x0;
	v14 =	vor.u32 v14, v16;
	v50 =	vnsel vm8, $0x0, v18  }
0xa7: {  	v16 =	vnsel vm9, $0x0, v47;
	v18 =	vtrunc.f32 v51;
	vm14 =	vgt.s32 v21, $0x0  }
0xa8: {  	v19 =	vnsel vm6, $0x0, v19;
	vm8 =	vgt.s32 v23, $0x0;
	v38 =	vmul.f32 $1.280000000e+02, v35  }
0xa9: {  	v32 =	vld [tilespmem:$0x510];
	[tilespmem:$0x650] =	vst v2;
	v47 =	vmul.f32 $1.280000000e+02, v42;
	v2 =	vshrl.u32 v13, $0x1;
	v14 =	vor.u32 v15, v14  }
0xaa: {  	v48 =	vld [tilespmem:$0x140];
	v15 =	vmin.u32 v49, $0x7F;
	v17 =	vmin.u32 v50, $0x7F;
	v18 =	vcvt.f32.s32 v18  }
0xab: {  	v61 =	vld [tilespmem:$0x160];
	v16 =	vmin.u32 v16, $0x7F;
	v21 =	vnsel vm14, $0x0, v21;
	vm4 =	vgt.s32 v20, $0x0  }
0xac: {  	v26 =	vld [tilespmem:$0x520];
	v19 =	vmin.u32 v19, $0x7F;
	v37 =	vnsel vm8, $0x0, v23;
	v15 =	vshll.u32 v15, $0xE  }
0xad: {  	v40 =	vld [tilespmem:$0x130];
	v17 =	vshll.u32 v17, $0x7;
	v25 =	vmin.u32 v21, $0x7F;
	v21 =	vtrunc.f32 v27  }
0xae: {  	v28 =	vld [tilespmem:$0x350];
	v20 =	vnsel vm4, $0x0, v20;
	v15 =	vor.u32 v15, v17;
	vm10 =	vgt.s32 v18, $0x0  }
0xaf: {  	v17 =	vcvt.f32.s32 v54;
	v31 =	vcvt.f32.s32 v21;
	v20 =	vmin.u32 v20, $0x7F  }
0xb0: {  	v21 =	vmul.f32 $1.280000000e+02, v32;
	v32 =	vmul.f32 $1.280000000e+02, v61;
	v15 =	vor.u32 v16, v15  }
0xb1: {  	v55 =	vnsel vm10, $0x0, v18;
	v18 =	vnsel vm12, $0x0, v56;
	v41 =	vmul.f32 $1.280000000e+02, v26  }
0xb2: {  	v35 =	vld [tilespmem:$0x170];
	v20 =	vshll.u32 v20, $0xE;
	v24 =	vmul.f32 $1.280000000e+02, v40;
	v26 =	vmul.f32 $1.280000000e+02, v48  }
0xb3: {  	v60 =	vmul.f32 $1.280000000e+02, v28;
	v28 =	vtrunc.f32 v34;
	v16 =	vmin.u32 v55, $0x7F  }
0xb4: {  	v27 =	vld [tilespmem:$0x340];
	vm11 =	vgt.s32 v17, $0x0;
	v18 =	vmin.u32 v18, $0x7F;
	v21 =	vtrunc.f32 v21  }
0xb5: {  	[tilespmem:$0x690] =	vst v3;
	vm5 =	vgt.s32 v31, $0x0;
	v3 =	vshrl.u32 v15, $0x1;
	v21 =	vcvt.f32.s32 v21  }
0xb6: {  	v17 =	vnsel vm11, $0x0, v17;
	v44 =	vtrunc.f32 v41;
	v24 =	vtrunc.f32 v24  }
0xb7: {  	v16 =	vshll.u32 v16, $0xE;
	v53 =	vtrunc.f32 v26;
	v41 =	vmul.f32 $1.280000000e+02, v35  }
0xb8: {  	v50 =	vld [tilespmem:$0x540];
	v17 =	vmin.u32 v17, $0x7F;
	v45 =	vcvt.f32.s32 v44;
	v24 =	vcvt.f32.s32 v24  }
0xb9: {  	v55 =	vld [tilespmem:$0x150];
	v54 =	vmul.f32 $1.280000000e+02, v27;
	v27 =	vtrunc.f32 v60;
	v17 =	vshll.u32 v17, $0x7  }
0xba: {  	vm9 =	vgt.s32 v21, $0x0;
	v27 =	vcvt.f32.s32 v27;
	v16 =	vor.u32 v16, v17  }
0xbb: {  	v21 =	vnsel vm9, $0x0, v21;
	vm12 =	vgt.s32 v45, $0x0;
	vm13 =	vgt.s32 v24, $0x0  }
0xbc: {  	v57 =	vld [tilespmem:$0x550];
	v26 =	vtrunc.f32 v54;
	v17 =	vor.u32 v18, v16;
	v16 =	vshll.u32 v63, $0xE  }
0xbd: {  	v29 =	vld [tilespmem:$0x360];
	v18 =	vshll.u32 v25, $0x7;
	v49 =	vnsel vm13, $0x0, v24;
	v24 =	vmul.f32 $1.280000000e+02, v50  }
0xbe: {  	v21 =	vmin.u32 v21, $0x7F;
	v26 =	vcvt.f32.s32 v26;
	v59 =	vmul.f32 $1.280000000e+02, v55  }
0xbf: {  	vm8 =	vgt.s32 v27, $0x0;
	v16 =	vor.u32 v16, v18;
	v18 =	vnsel vm5, $0x0, v31  }
0xc0: {  	v51 =	vmin.u32 v49, $0x7F;
	v16 =	vor.u32 v22, v16;
	v22 =	vtrunc.f32 v33  }
0xc1: {  	v25 =	vld [tilespmem:$0x320];
	v18 =	vmin.u32 v18, $0x7F;
	v56 =	vtrunc.f32 v24;
	v24 =	vmul.f32 $1.280000000e+02, v57  }
0xc2: {  	vm5 =	vgt.s32 v26, $0x0;
	v33 =	vmul.f32 $1.280000000e+02, v29;
	v22 =	vcvt.f32.s32 v22  }
0xc3: {  	v18 =	vshll.u32 v18, $0x7;
	v58 =	vnsel vm5, $0x0, v26;
	v26 =	vtrunc.f32 v59  }
0xc4: {  	v31 =	vnsel vm8, $0x0, v27;
	v18 =	vor.u32 v20, v18;
	v26 =	vcvt.f32.s32 v26  }
0xc5: {  	v24 =	vtrunc.f32 v24;
	v27 =	vtrunc.f32 v33;
	vm7 =	vgt.s32 v22, $0x0  }
0xc6: {  	v18 =	vor.u32 v19, v18;
	v39 =	vmul.f32 $1.280000000e+02, v25;
	v25 =	vtrunc.f32 v47  }
0xc7: {  	v46 =	vld [tilespmem:$0x530];
	v19 =	vmin.u32 v37, $0x7F;
	v24 =	vcvt.f32.s32 v24;
	v27 =	vcvt.f32.s32 v27  }
0xc8: {  	v37 =	vcvt.f32.s32 v28;
	v36 =	vnsel vm7, $0x0, v22;
	v22 =	vtrunc.f32 v38  }
0xc9: {  	v19 =	vshll.u32 v19, $0x7;
	v25 =	vcvt.f32.s32 v25;
	vm7 =	vgt.s32 v26, $0x0  }
0xca: {  	v20 =	vmin.u32 v36, $0x7F;
	v22 =	vcvt.f32.s32 v22;
	v23 =	vtrunc.f32 v39  }
0xcb: {  	v33 =	vld [tilespmem:$0x3A0];
	v62 =	vnsel vm7, $0x0, v26;
	vm9 =	vgt.s32 v24, $0x0;
	v26 =	vtrunc.f32 v32  }
0xcc: {  	v20 =	vshll.u32 v20, $0xE;
	v43 =	vcvt.f32.s32 v23;
	v23 =	vmul.f32 $1.280000000e+02, v46  }
0xcd: {  	vm14 =	vgt.s32 v25, $0x0;
	v63 =	vmin.u32 v62, $0x7F;
	v24 =	vnsel vm9, $0x0, v24  }
0xce: {  	v26 =	vcvt.f32.s32 v26;
	v19 =	vor.u32 v20, v19;
	vm10 =	vgt.s32 v22, $0x0  }
0xcf: {  	v52 =	vnsel vm14, $0x0, v25;
	v25 =	vcvt.f32.s32 v53;
	v24 =	vmin.u32 v24, $0x7F  }
0xd0: {  	v38 =	vld [tilespmem:$0x570];
	v62 =	vmul.f32 $1.280000000e+02, v33;
	v19 =	vor.u32 v21, v19;
	v22 =	vnsel vm10, $0x0, v22  }
0xd1: {  	v36 =	vld [tilespmem:$0x370];
	vm11 =	vgt.s32 v43, $0x0;
	v21 =	vnsel vm12, $0x0, v45;
	v23 =	vtrunc.f32 v23  }
0xd2: {  	v32 =	vld [tilespmem:$0x390];
	vm10 =	vgt.s32 v26, $0x0;
	vm12 =	vgt.s32 v37, $0x0;
	v22 =	vmin.u32 v22, $0x7F  }
0xd3: {  	v20 =	vnsel vm11, $0x0, v43;
	v21 =	vmin.u32 v21, $0x7F;
	v23 =	vcvt.f32.s32 v23  }
0xd4: {  	vm4 =	vgt.s32 v25, $0x0;
	v39 =	vnsel vm10, $0x0, v26;
	vm11 =	vgt.s32 v27, $0x0  }
0xd5: {  	v28 =	vmul.f32 $1.280000000e+02, v38;
	v20 =	vmin.u32 v20, $0x7F;
	v22 =	vshll.u32 v22, $0xE  }
0xd6: {  	v40 =	vnsel vm11, $0x0, v27;
	v27 =	vtrunc.f32 v41;
	v42 =	vmul.f32 $1.280000000e+02, v36  }
0xd7: {  	v25 =	vnsel vm4, $0x0, v25;
	v55 =	vmul.f32 $1.280000000e+02, v32;
	v32 =	vtrunc.f32 v62  }
0xd8: {  	v47 =	vld [tilespmem:$0x580];
	v62 =	vshrl.u32 v12, $0x1;
	v20 =	vshll.u32 v20, $0x7;
	vm15 =	vgt.s32 v23, $0x0  }
0xd9: {  	v25 =	vmin.u32 v25, $0x7F;
	v26 =	vmin.u32 v40, $0x7F;
	v27 =	vcvt.f32.s32 v27  }
0xda: {  	v28 =	vtrunc.f32 v28;
	v32 =	vcvt.f32.s32 v32;
	v20 =	vor.u32 v22, v20  }
0xdb: {  	v43 =	vld [tilespmem:$0x180];
	v22 =	vmin.u32 v52, $0x7F;
	v23 =	vnsel vm15, $0x0, v23;
	v25 =	vshll.u32 v25, $0xE  }
0xdc: {  	v26 =	vshll.u32 v26, $0x7;
	v44 =	vtrunc.f32 v42;
	v46 =	vcvt.f32.s32 v28  }
0xdd: {  	v28 =	vmul.f32 $1.280000000e+02, v47;
	v20 =	vor.u32 v21, v20;
	v23 =	vmin.u32 v23, $0x7F  }
0xde: {  	v21 =	vshll.u32 v51, $0xE;
	v22 =	vshll.u32 v22, $0x7;
	vm13 =	vgt.s32 v27, $0x0  }
0xdf: {  	vm11 =	vgt.s32 v32, $0x0;
	v21 =	vor.u32 v21, v22;
	v22 =	vcvt.f32.s32 v56  }
0xe0: {  	v45 =	vnsel vm13, $0x0, v27;
	v48 =	vmul.f32 $1.280000000e+02, v43;
	vm15 =	vgt.s32 v46, $0x0  }
0xe1: {  	v28 =	vtrunc.f32 v28;
	v21 =	vor.u32 v23, v21;
	v23 =	vmin.u32 v58, $0x7F  }
0xe2: {  	v34 =	vld [tilespmem:$0x3B0];
	v27 =	vnsel vm15, $0x0, v46;
	v28 =	vcvt.f32.s32 v28;
	vm6 =	vgt.s32 v22, $0x0  }
0xe3: {  	v56 =	vld [tilespmem:$0x1A0];
	v23 =	vshll.u32 v23, $0x7;
	v29 =	vtrunc.f32 v48;
	v27 =	vmin.u32 v27, $0x7F  }
0xe4: {  	v52 =	vld [tilespmem:$0x590];
	v22 =	vnsel vm6, $0x0, v22;
	v23 =	vor.u32 v25, v23;
	v25 =	vmin.u32 v31, $0x7F  }
0xe5: {  	v31 =	vld [tilespmem:$0x380];
	v29 =	vcvt.f32.s32 v29;
	vm6 =	vgt.s32 v28, $0x0;
	v22 =	vmin.u32 v22, $0x7F  }
0xe6: {  	v50 =	vld [tilespmem:$0x190];
	v25 =	vshll.u32 v25, $0x7;
	v28 =	vnsel vm6, $0x0, v28;
	v22 =	vor.u32 v22, v23  }
0xe7: {  	v23 =	vshll.u32 v63, $0xE;
	vm4 =	vgt.s32 v29, $0x0;
	v28 =	vmin.u32 v28, $0x7F  }
0xe8: {  	v40 =	vld [tilespmem:$0x1C0];
	v61 =	vmul.f32 $1.280000000e+02, v56;
	v23 =	vor.u32 v23, v25;
	v25 =	vnsel vm12, $0x0, v37  }
0xe9: {  	v63 =	vld [tilespmem:$0x1B0];
	v51 =	vnsel vm4, $0x0, v29;
	v29 =	vmul.f32 $1.280000000e+02, v52;
	v23 =	vor.u32 v24, v23  }
0xea: {  	v42 =	vld [tilespmem:$0x5C0];
	v24 =	vmin.u32 v39, $0x7F;
	v39 =	vmul.f32 $1.280000000e+02, v34;
	v49 =	vmul.f32 $1.280000000e+02, v31  }
0xeb: {  	v47 =	vld [tilespmem:$0x1D0];
	v24 =	vshll.u32 v24, $0xE;
	v31 =	vmul.f32 $1.280000000e+02, v50;
	v59 =	vtrunc.f32 v29  }
0xec: {  	v24 =	vor.u32 v24, v26;
	v26 =	vcvt.f32.s32 v44;
	v33 =	vtrunc.f32 v39  }
0xed: {  	v25 =	vmin.u32 v25, $0x7F;
	v30 =	vtrunc.f32 v49;
	v54 =	vtrunc.f32 v31  }
0xee: {  	v58 =	vld [tilespmem:$0x5A0];
	v24 =	vor.u32 v25, v24;
	v31 =	vtrunc.f32 v55;
	v38 =	vmul.f32 $1.280000000e+02, v63  }
0xef: {  	v25 =	vmin.u32 v45, $0x7F;
	v41 =	vcvt.f32.s32 v33;
	v45 =	vmul.f32 $1.280000000e+02, v40  }
0xf0: {  	v37 =	vnsel vm11, $0x0, v32;
	v33 =	vmul.f32 $1.280000000e+02, v42;
	v49 =	vmul.f32 $1.280000000e+02, v47  }
0xf1: {  	v55 =	vshrl.u32 v6, $0x1;
	v47 =	vshrl.u32 v19, $0x1;
	vm14 =	vgt.s32 v26, $0x0  }
0xf2: {  	v50 =	vld [tilespmem:$0x3D0];
	v25 =	vshll.u32 v25, $0xE;
	v30 =	vcvt.f32.s32 v30;
	v57 =	vcvt.f32.s32 v31  }
0xf3: {  	v31 =	vmul.f32 $1.280000000e+02, v58;
	v58 =	vshrl.u32 v9, $0x1;
	v26 =	vnsel vm14, $0x0, v26  }
0xf4: {  	v36 =	vld [tilespmem:$0x5B0];
	v32 =	vtrunc.f32 v38;
	vm14 =	vgt.s32 v41, $0x0;
	v33 =	vtrunc.f32 v33  }
0xf5: {  	v26 =	vmin.u32 v26, $0x7F;
	vm5 =	vgt.s32 v30, $0x0;
	v31 =	vtrunc.f32 v31  }
0xf6: {  	vm8 =	vgt.s32 v57, $0x0;
	v32 =	vcvt.f32.s32 v32;
	v48 =	vcvt.f32.s32 v33  }
0xf7: {  	v33 =	vtrunc.f32 v49;
	v56 =	vmul.f32 $1.280000000e+02, v50;
	v49 =	vshrl.u32 v20, $0x1  }
0xf8: {  	v50 =	vshrl.u32 v21, $0x1;
	v26 =	vshll.u32 v26, $0x7;
	v35 =	vcvt.f32.s32 v31  }
0xf9: {  	v30 =	vnsel vm5, $0x0, v30;
	v31 =	vmul.f32 $1.280000000e+02, v36;
	v33 =	vcvt.f32.s32 v33  }
0xfa: {  	v25 =	vor.u32 v25, v26;
	v26 =	vmin.u32 v51, $0x7F;
	v53 =	vmin.u32 v30, $0x7F  }
0xfb: {  	v30 =	vcvt.f32.s32 v54;
	vm13 =	vgt.s32 v32, $0x0;
	vm6 =	vgt.s32 v48, $0x0  }
0xfc: {  	v6 =	vtrunc.f32 v56;
	v25 =	vor.u32 v27, v25;
	v26 =	vshll.u32 v26, $0xE  }
0xfd: {  	v27 =	vshll.u32 v53, $0x7;
	vm12 =	vgt.s32 v35, $0x0;
	v31 =	vtrunc.f32 v31  }
0xfe: {  	v44 =	vnsel vm13, $0x0, v32;
	v32 =	vtrunc.f32 v45;
	v6 =	vcvt.f32.s32 v6  }
0xff: {  	v52 =	vld [tilespmem:$0x1E0];
	v26 =	vor.u32 v26, v27;
	vm7 =	vgt.s32 v30, $0x0;
	v27 =	vnsel vm8, $0x0, v57  }
0x100: {  	v43 =	vcvt.f32.s32 v31;
	v31 =	vmin.u32 v44, $0x7F;
	v32 =	vcvt.f32.s32 v32  }
0x101: {  	v57 =	vshrl.u32 v8, $0x1;
	v44 =	vshrl.u32 v16, $0x1;
	v26 =	vor.u32 v28, v26  }
0x102: {  	v60 =	vnsel vm7, $0x0, v30;
	v28 =	vcvt.f32.s32 v59;
	v27 =	vmin.u32 v27, $0x7F  }
0x103: {  	v51 =	vld [tilespmem:$0x5D0];
	v30 =	vtrunc.f32 v61;
	v31 =	vshll.u32 v31, $0xE;
	vm7 =	vgt.s32 v33, $0x0  }
0x104: {  	v54 =	vld [tilespmem:$0x3E0];
	v59 =	vshrl.u32 v10, $0x1;
	v61 =	vmul.f32 $1.280000000e+02, v52;
	vm8 =	vgt.s32 v6, $0x0  }
0x105: {  	v52 =	vshrl.u32 v23, $0x1;
	v29 =	vmin.u32 v60, $0x7F;
	v30 =	vcvt.f32.s32 v30  }
0x106: {  	v27 =	vshll.u32 v27, $0x7;
	vm15 =	vgt.s32 v43, $0x0;
	vm4 =	vgt.s32 v32, $0x0  }
0x107: {  	v53 =	vnsel vm7, $0x0, v33;
	v6 =	vnsel vm8, $0x0, v6;
	v33 =	vshrl.u32 v14, $0x1  }
0x108: {  	[tilespmem:$0x640] =	vst v55;
	v45 =	vld [tilespmem:$0x5F0];
	v55 =	vshrl.u32 v26, $0x1;
	vm9 =	vgt.s32 v28, $0x0;
	v29 =	vshll.u32 v29, $0xE  }
0x109: {  	v32 =	vnsel vm4, $0x0, v32;
	v60 =	vmul.f32 $1.280000000e+02, v51;
	v63 =	vmul.f32 $1.280000000e+02, v54  }
0x10a: {  	[tilespmem:$0x6B0] =	vst v2;
	v10 =	vtrunc.f32 v61;
	v2 =	vmin.u32 v6, $0x7F;
	v51 =	vshrl.u32 v22, $0x1  }
0x10b: {  	v54 =	vshrl.u32 v25, $0x1;
	v28 =	vnsel vm9, $0x0, v28;
	v27 =	vor.u32 v29, v27  }
0x10c: {  	vm10 =	vgt.s32 v30, $0x0;
	v29 =	vnsel vm12, $0x0, v35;
	v32 =	vmin.u32 v32, $0x7F  }
0x10d: {  	[tilespmem:$0x620] =	vst v4;
	v35 =	vld [tilespmem:$0x3C0];
	v12 =	vcvt.f32.s32 v10;
	v2 =	vshll.u32 v2, $0x7;
	v4 =	vmul.f32 $1.280000000e+02, v45  }
0x10e: {  	v28 =	vmin.u32 v28, $0x7F;
	v30 =	vnsel vm10, $0x0, v30;
	v29 =	vmin.u32 v29, $0x7F  }
0x10f: {  	v32 =	vshll.u32 v32, $0xE;
	v9 =	vtrunc.f32 v60;
	v13 =	vtrunc.f32 v63  }
0x110: {  	v27 =	vor.u32 v28, v27;
	v30 =	vmin.u32 v30, $0x7F;
	v28 =	vmin.u32 v37, $0x7F  }
0x111: {  	v9 =	vcvt.f32.s32 v9;
	vm10 =	vgt.s32 v12, $0x0;
	v4 =	vtrunc.f32 v4  }
0x112: {  	v30 =	vshll.u32 v30, $0xE;
	v28 =	vshll.u32 v28, $0x7;
	v46 =	vmul.f32 $1.280000000e+02, v35  }
0x113: {  	[tilespmem:$0x670] =	vst v58;
	v7 =	vnsel vm10, $0x0, v12;
	v4 =	vcvt.f32.s32 v4;
	v58 =	vshrl.u32 v27, $0x1  }
0x114: {  	v28 =	vor.u32 v30, v28;
	v30 =	vnsel vm14, $0x0, v41;
	v34 =	vtrunc.f32 v46  }
0x115: {  	vm9 =	vgt.s32 v9, $0x0;
	v39 =	vmin.u32 v7, $0x7F;
	v34 =	vcvt.f32.s32 v34  }
0x116: {  	[tilespmem:$0x6D0] =	vst v3;
	v28 =	vor.u32 v29, v28;
	v29 =	vnsel vm15, $0x0, v43;
	v30 =	vmin.u32 v30, $0x7F  }
0x117: {  	[tilespmem:$0x6A0] =	vst v62;
	v9 =	vnsel vm9, $0x0, v9;
	v35 =	vmin.u32 v53, $0x7F;
	vm5 =	vgt.s32 v34, $0x0  }
0x118: {  	[tilespmem:$0x710] =	vst v47;
	v36 =	vld [tilespmem:$0x5E0];
	v3 =	vshll.u32 v39, $0xE;
	v53 =	vshrl.u32 v24, $0x1;
	v34 =	vnsel vm5, $0x0, v34  }
0x119: {  	[tilespmem:$0x720] =	vst v49;
	vm15 =	vgt.s32 v4, $0x0;
	v30 =	vshll.u32 v30, $0x7;
	v34 =	vmin.u32 v34, $0x7F  }
0x11a: {  	[tilespmem:$0x730] =	vst v50;
	v41 =	vld [tilespmem:$0x1F0];
	v30 =	vor.u32 v31, v30;
	v31 =	vnsel vm6, $0x0, v48;
	v34 =	vshll.u32 v34, $0x7  }
0x11b: {  	[tilespmem:$0x660] =	vst v57;
	v43 =	vld [tilespmem:$0x3F0];
	v29 =	vmin.u32 v29, $0x7F;
	v31 =	vmin.u32 v31, $0x7F;
	v32 =	vor.u32 v32, v34  }
0x11c: {  	[tilespmem:$0x6F0] =	vst v44;
	v29 =	vor.u32 v29, v30;
	v30 =	vor.u32 v31, v32;
	v31 =	vcvt.f32.s32 v13  }
0x11d: {  	[tilespmem:$0x680] =	vst v59;
	v37 =	vmin.u32 v9, $0x7F;
	v38 =	vshll.u32 v35, $0xE;
	v48 =	vmul.f32 $1.280000000e+02, v36  }
0x11e: {  	[tilespmem:$0x750] =	vst v52;
	v4 =	vnsel vm15, $0x0, v4;
	v59 =	vshrl.u32 v28, $0x1;
	vm11 =	vgt.s32 v31, $0x0  }
0x11f: {  	[tilespmem:$0x6C0] =	vst v33;
	v2 =	vor.u32 v38, v2;
	v9 =	vtrunc.f32 v48;
	v8 =	vnsel vm11, $0x0, v31  }
0x120: {  	[tilespmem:$0x780] =	vst v55;
	v7 =	vmul.f32 $1.280000000e+02, v43;
	v40 =	vmin.u32 v8, $0x7F;
	v8 =	vmul.f32 $1.280000000e+02, v41  }
0x121: {  	[tilespmem:$0x740] =	vst v51;
	v46 =	vshrl.u32 v18, $0x1;
	v4 =	vmin.u32 v4, $0x7F;
	v9 =	vcvt.f32.s32 v9  }
0x122: {  	[tilespmem:$0x770] =	vst v54;
	v2 =	vor.u32 v37, v2;
	v7 =	vtrunc.f32 v7;
	v8 =	vtrunc.f32 v8  }
0x123: {  	[tilespmem:$0x790] =	vst v58;
	vm12 =	vgt.s32 v9, $0x0;
	v56 =	vcvt.f32.s32 v7;
	v8 =	vcvt.f32.s32 v8  }
0x124: {  	[tilespmem:$0x760] =	vst v53;
	v60 =	vshrl.u32 v29, $0x1;
	v2 =	vshrl.u32 v2, $0x1;
	v57 =	vnsel vm12, $0x0, v9  }
0x125: {  	[tilespmem:$0x7A0] =	vst v59;
	v34 =	vshrl.u32 v17, $0x1;
	vm14 =	vgt.s32 v56, $0x0;
	vm13 =	vgt.s32 v8, $0x0  }
0x126: {  	[tilespmem:$0x700] =	vst v46;
	v5 =	vmin.u32 v57, $0x7F;
	v6 =	vnsel vm14, $0x0, v56;
	v8 =	vnsel vm13, $0x0, v8  }
0x127: {  	[tilespmem:$0x7B0] =	vst v60;
	v6 =	vmin.u32 v6, $0x7F;
	v42 =	vshll.u32 v40, $0x7;
	v61 =	vmin.u32 v8, $0x7F  }
0x128: {  	[tilespmem:$0x7D0] =	vst v2;
	v6 =	vshll.u32 v6, $0x7;
	v3 =	vor.u32 v3, v42;
	v7 =	vshll.u32 v61, $0xE  }
0x129: {  	[tilespmem:$0x6E0] =	vst v34;
	v62 =	vshrl.u32 v30, $0x1;
	v3 =	vor.u32 v5, v3;
	v63 =	vor.u32 v7, v6  }
0x12a: {  	[tilespmem:$0x7C0] =	vst v62;
	v2 =	vshrl.u32 v3, $0x1;
	v3 =	vor.u32 v4, v63  }
0x12b: {  	[tilespmem:$0x7E0] =	vst v2;
	v2 =	vshrl.u32 v3, $0x1  }
0x12c: {  	s25 =	simm.s32 $0x600;
	[tilespmem:$0x7F0] =	vst v2  }
0x12d: {  	[tilespmem:s20], [sflag:$0x1] =	stream.indirect.gather [hbm4b:s7+s18], $0x28, s25, s18, $0xb8;
	[tilespmem:$0xD800] =	vst v63  }
0x12e: {  	s26 =	simm.s32 $0x680;
	s24 =	simm.s32 $0x1C00  }
0x12f: {  	[tilespmem:s24], [sflag:$0x1] =	stream.indirect.gather [hbm4b:s7+s18], $0x28, s26, s18, $0xb8;
	[tilespmem:$0xD800] =	vst v63  }
0x130: {  	s25 =	simm.s32 $0x700;
	s26 =	simm.s32 $0x3000  }
0x131: {  	[tilespmem:s26], [sflag:$0x1] =	stream.indirect.gather [hbm4b:s7+s18], $0x28, s25, s18, $0xb8;
	[tilespmem:$0xD800] =	vst v63  }
0x132: {  	s25 =	simm.s32 $0x780;
	s26 =	simm.s32 $0x4400  }
0x133: {  	[tilespmem:s26], [sflag:$0x1] =	stream.indirect.gather [hbm4b:s7+s18], $0x28, s25, s18, $0xb8;
	[tilespmem:$0xD800] =	vst v63  }
0x134: {  	_ =	swait.ge [sflag:s28], $0x1400  }
0x135: {  	[sflag:s28] =	ssyncset.done $0x0  }
0x136: {  	[sflag:s28] =	ssyncadd.s32 $0xFFFFEC00  }
0x137: {  	_ =	swait.ge [sflag:s28], $0x1400  }
0x138: {  	[sflag:s28] =	ssyncset.done $0x0  }
0x139: {  	[sflag:s28] =	ssyncadd.s32 $0xFFFFEC00  }
0x13a: {  	_ =	swait.ge [sflag:s28], $0x1400  }
0x13b: {  	[sflag:s28] =	ssyncset.done $0x0  }
0x13c: {  	[sflag:s28] =	ssyncadd.s32 $0xFFFFEC00  }
0x13d: {  	_ =	swait.ge [sflag:s28], $0x1400  }
0x13e: {  	[sflag:s28] =	ssyncset.done $0x0  }
0x13f: {  	s23 =	simm.s32 $0x0;
	s24 =	simm.s32 $0x0;
	[sflag:s28] =	ssyncadd.s32 $0xFFFFEC00  }
.LBB2_3:
0x140: {  	v2 =	vld [tilespmem:s22+$0x0];
	_ =	sdelay $0x3  }
0x141: {  	v3 =	vld [tilespmem:s19+$0x0]  }
0x142: {  	v18 =	vmul.f32 $1.280000000e+02, v2;
	_ =	sdelay $0x1  }
0x143: {  	v2 =	vtrunc.f32 v18  }
0x144: {  	v16 =	vcvt.f32.s32 v2  }
0x145: {  	v2 =	vmul.f32 $1.280000000e+02, v3;
	v3 =	vld [tilespmem:s21+$0x0]  }
0x146: {  	v4 =	vmov s23;
	vm0 =	vgt.s32 v16, $0x0  }
0x147: {  	v4 =	vmul.u32 $0x28, v4;
	v5 =	vtrunc.f32 v2;
	v6 =	vnsel vm0, $0x0, v16  }
0x148: {  	v5 =	vcvt.f32.s32 v5;
	v6 =	vmin.u32 v6, $0x7F  }
0x149: {  	v4 =	vbroadcast v4, $0x0;
	v6 =	vand.u32 $0x1, v6  }
0x14a: {  	v5 =	vcvt.s32.f32 v5;
	v3 =	vmul.f32 $1.280000000e+02, v3;
	vm15 =	veq.s32 v6, $0x1  }
0x14b: {  	v47 =	vadd.s32 $0x8, v1;
	v19 =	vadd.s32 v1, v4;
	v6 =	vsel vm15, $0x14, v0  }
0x14c: {  	v2 =	vsub.f32 v2, v5;
	v9 =	vtrunc.f32 v3;
	v7 =	vand.u32 $0x10, v6  }
0x14d: {  	v42 =	vand.u32 $0x4, v6;
	v9 =	vcvt.f32.s32 v9;
	v12 =	vadd.s32 $0x4, v6  }
0x14e: {  	v17 =	vadd.s32 $0x5, v6;
	v21 =	vadd.s32 $0x6, v6;
	v23 =	vadd.s32 $0x7, v6  }
0x14f: {  	v48 =	vor.u32 $0x9, v6;
	v50 =	vor.u32 $0xA, v6;
	v54 =	vor.u32 $0xB, v6  }
0x150: {  	v57 =	vadd.s32 $0xC, v6;
	v28 =	vadd.s32 $0xD, v6;
	v60 =	vadd.s32 $0xE, v6  }
0x151: {  	v62 =	vadd.s32 $0xF, v6;
	v31 =	vadd.s32 $0x10, v6;
	v2 =	vadd.f32 $-5.000000000e-01, v2  }
0x152: {  	v8 =	vadd.s32 v19, v7;
	v15 =	vand.u32 $0x18, v12;
	v12 =	vand.u32 $0x4, v12  }
0x153: {  	v43 =	vand.u32 $0x18, v17;
	v17 =	vand.u32 $0x5, v17;
	v13 =	vmul.f32 v2, v2  }
0x154: {  	v22 =	vand.u32 $0x18, v21;
	v21 =	vand.u32 $0x6, v21;
	v44 =	vand.u32 $0x18, v23  }
0x155: {  	v45 =	vand.u32 $0x7, v23;
	v4 =	vadd.s32 v7, v4;
	v20 =	vmul.f32 $6.575565810e+00, v13  }
0x156: {  	v49 =	vand.u32 $0x18, v48;
	v51 =	vand.u32 $0x18, v50;
	v24 =	vmul.f32 $3.258183240e+00, v13  }
0x157: {  	v52 =	vand.u32 $0x6, v50;
	v56 =	vand.u32 $0x18, v54;
	v20 =	vsub.f32 $2.600049780e+01, v20  }
0x158: {  	v23 =	vand.u32 $0x7, v54;
	v27 =	vand.u32 $0x38, v57;
	v46 =	vsub.f32 $1.491390510e+01, v24  }
0x159: {  	v29 =	vand.u32 $0x38, v28;
	v22 =	vadd.s32 v19, v22;
	v20 =	vmul.f32 v20, v13  }
0x15a: {  	v28 =	vand.u32 $0x5, v28;
	v25 =	vor.u32 v21, v22;
	v22 =	vmul.f32 v46, v13  }
0x15b: {  	v61 =	vand.u32 $0x38, v60;
	v30 =	vand.u32 $0x38, v62;
	v20 =	vadd.f32 $-6.017622370e+01, v20  }
0x15c: {  	v50 =	vadd.s32 $0x13, v6;
	v8 =	vor.u32 v42, v8;
	v22 =	vadd.f32 $-4.202959820e+01, v22  }
0x15d: {  	v15 =	vadd.s32 v19, v15;
	v4 =	vor.u32 v42, v4;
	v20 =	vmul.f32 v20, v13  }
0x15e: {  	v7 =	vadd.s32 v19, v49;
	v53 =	vadd.s32 v19, v51;
	v22 =	vmul.f32 v22, v13  }
0x15f: {  	v27 =	vadd.s32 v19, v27;
	v29 =	vadd.s32 v19, v29;
	v20 =	vadd.f32 $8.545116420e+01, v20  }
0x160: {  	v30 =	vadd.s32 v19, v30;
	v10 =	vor.u32 $0x1, v8;
	v22 =	vadd.f32 $7.670345310e+01, v22  }
0x161: {  	v11 =	vor.u32 $0x2, v8;
	v14 =	vor.u32 $0x3, v8;
	v26 =	vmul.f32 v20, v13  }
0x162: {  	v12 =	vor.u32 v12, v15;
	v15 =	vadd.s32 v19, v43;
	v22 =	vmul.f32 v22, v13  }
0x163: {  	v21 =	vadd.s32 v47, v4;
	v4 =	vand.u32 $0x5, v48;
	v55 =	vadd.f32 $-6.493917080e+01, v26  }
0x164: {  	v15 =	vor.u32 v17, v15;
	v17 =	vadd.s32 v19, v44;
	v22 =	vadd.f32 $-8.160515590e+01, v22  }
0x165: {  	v17 =	vor.u32 v45, v17;
	v45 =	vcvt.s32.f32 v9;
	v24 =	vmul.f32 v55, v13  }
0x166: {  	v59 =	vor.u32 v28, v29;
	v28 =	vadd.s32 v19, v61;
	v22 =	vmul.f32 v22, v13  }
0x167: {  	v29 =	vand.u32 $0x7, v62;
	v3 =	vsub.f32 v3, v45;
	v24 =	vadd.f32 $1.973920630e+01, v24  }
0x168: {  	v43 =	vand.u32 $0x30, v31;
	v48 =	vadd.s32 $0x12, v6;
	v22 =	vadd.f32 $4.134170150e+01, v22  }
0x169: {  	v63 =	vor.u32 v29, v30;
	v35 =	vadd.f32 $-5.000000000e-01, v3;
	v24 =	vmul.f32 v24, v13  }
0x16a: {  	v29 =	vadd.s32 v19, v43;
	v49 =	vand.u32 $0x30, v48;
	v13 =	vmul.f32 v22, v13  }
0x16b: {  	v5 =	vand.u32 $0x6, v48;
	v38 =	vmul.f32 v35, v35;
	v24 =	vadd.f32 $-1.000000000e+00, v24  }
0x16c: {  	v20 =	vor.u32 v4, v7;
	v4 =	vor.u32 v52, v53;
	v13 =	vadd.f32 $-6.283185480e+00, v13  }
0x16d: {  	v29 =	vor.u32 v42, v29;
	v52 =	vmul.f32 $6.575565810e+00, v38;
	v22 =	vadd.f32 v24, v24  }
0x16e: {  	v7 =	vadd.s32 v19, v56;
	v56 =	vmul.f32 $3.258183240e+00, v38;
	v13 =	vmul.f32 v13, v2  }
0x16f: {  	v7 =	vor.u32 v23, v7;
	v26 =	vand.u32 $0x4, v57;
	v32 =	vmul.f32 v22, v24  }
0x170: {  	v42 =	vsub.f32 $1.491390510e+01, v56;
	v58 =	vor.u32 v26, v27;
	v47 =	vmul.f32 v13, v22  }
0x171: {  	v27 =	vand.u32 $0x6, v60;
	v55 =	vsub.f32 $2.600049780e+01, v52;
	v3 =	vld.idx.msk [tilespmem:v4+s20+$0x0], $0xffff;
	v44 =	vadd.f32 $-1.000000000e+00, v32  }
0x172: {  	v27 =	vor.u32 v27, v28;
	v4 =	vld.idx.msk [tilespmem:v10+s20+$0x0], $0xffff;
	v2 =	vadd.s32 $0x11, v6;
	v34 =	vmul.f32 v47, v22  }
0x173: {  	v6 =	vld.idx.msk [tilespmem:v11+s20+$0x0], $0xffff;
	v11 =	vmul.f32 v55, v38;
	v46 =	vand.u32 $0x30, v2;
	v32 =	vmul.f32 v44, v22  }
0x174: {  	v33 =	vand.u32 $0x5, v2;
	v2 =	vld.idx.msk [tilespmem:v8+s20+$0x0], $0xffff;
	v8 =	vadd.s32 v19, v49;
	v34 =	vsub.f32 v34, v13  }
0x175: {  	v42 =	vmul.f32 v42, v38;
	v37 =	vor.u32 v5, v8;
	v5 =	vld.idx.msk [tilespmem:v7+s20+$0x0], $0xffff;
	v32 =	vsub.f32 v32, v24  }
0x176: {  	v9 =	vadd.s32 v19, v46;
	v7 =	vld.idx.msk [tilespmem:v58+s20+$0x0], $0xffff;
	v61 =	vadd.f32 $-6.017622370e+01, v11;
	v51 =	vmul.f32 v34, v22  }
0x177: {  	v42 =	vadd.f32 $-4.202959820e+01, v42;
	v33 =	vor.u32 v33, v9;
	v9 =	vld.idx.msk [tilespmem:v59+s20+$0x0], $0xffff;
	v36 =	vmul.f32 v32, v22  }
0x178: {  	v41 =	vmul.f32 v13, v3;
	v13 =	vld.idx.msk [tilespmem:v15+s20+$0x0], $0xffff;
	v15 =	vmul.f32 v61, v38;
	v53 =	vsub.f32 v51, v47  }
0x179: {  	v42 =	vmul.f32 v42, v38;
	v8 =	vld.idx.msk [tilespmem:v14+s20+$0x0], $0xffff;
	v26 =	vmul.f32 v44, v4;
	v36 =	vsub.f32 v36, v44  }
0x17a: {  	v31 =	vmul.f32 v47, v5;
	v46 =	vadd.f32 $8.545116420e+01, v15;
	v58 =	vmul.f32 v53, v22  }
0x17b: {  	v10 =	vld.idx.msk [tilespmem:v12+s20+$0x0], $0xffff;
	v42 =	vadd.f32 $7.670345310e+01, v42;
	v24 =	vmul.f32 v24, v2;
	v54 =	vmul.f32 v36, v22  }
0x17c: {  	v12 =	vld.idx.msk [tilespmem:v27+s20+$0x0], $0xffff;
	v27 =	vmul.f32 v32, v6;
	v52 =	vmul.f32 v46, v38;
	v59 =	vsub.f32 v58, v34  }
0x17d: {  	v11 =	vld.idx.msk [tilespmem:v25+s20+$0x0], $0xffff;
	v28 =	vmul.f32 v53, v9;
	v34 =	vmul.f32 v34, v7;
	v57 =	vsub.f32 v54, v32  }
0x17e: {  	v15 =	vld.idx.msk [tilespmem:v29+s20+$0x0], $0xffff;
	v29 =	vadd.f32 $-6.493917080e+01, v52;
	v25 =	vmul.f32 v36, v8;
	v43 =	vmul.f32 v59, v22  }
0x17f: {  	v39 =	vand.u32 $0x30, v50;
	v14 =	vld.idx.msk [tilespmem:v63+s20+$0x0], $0xffff;
	v54 =	vmul.f32 v42, v38;
	v60 =	vmul.f32 v57, v22  }
0x180: {  	v29 =	vmul.f32 v29, v38;
	v23 =	vsub.f32 v43, v53;
	v53 =	vcvt.s32.f32 v16;
	v16 =	vld.idx.msk [tilespmem:v17+s20+$0x0], $0xffff  }
0x181: {  	v45 =	vmul.f32 v59, v12;
	v17 =	vld.idx.msk [tilespmem:v33+s20+$0x0], $0xffff;
	v33 =	vadd.f32 $-8.160515590e+01, v54;
	v36 =	vsub.f32 v60, v36  }
0x182: {  	v44 =	vmul.f32 v57, v10;
	v63 =	vmul.f32 v23, v22;
	v18 =	vsub.f32 v18, v53  }
0x183: {  	v40 =	vand.u32 $0x7, v50;
	v58 =	vmul.f32 v33, v38;
	v62 =	vmul.f32 v36, v22  }
0x184: {  	v48 =	vmul.f32 v23, v14;
	v32 =	vsub.f32 v63, v59;
	v46 =	vadd.f32 $-5.000000000e-01, v18  }
0x185: {  	v47 =	vmul.f32 v36, v13;
	v60 =	vadd.f32 $4.134170150e+01, v58;
	v30 =	vsub.f32 v62, v57  }
0x186: {  	v56 =	vmul.f32 v32, v22;
	v57 =	vadd.f32 $1.973920630e+01, v29;
	v33 =	vmul.f32 v46, v46  }
0x187: {  	v19 =	vadd.s32 v19, v39;
	v18 =	vld.idx.msk [tilespmem:v21+s20+$0x0], $0xffff;
	v49 =	vmul.f32 v32, v15;
	v21 =	vmul.f32 v60, v38  }
0x188: {  	v40 =	vor.u32 v40, v19;
	v59 =	vmul.f32 v57, v38;
	v61 =	vmul.f32 $6.575565810e+00, v33  }
0x189: {  	v43 =	vmul.f32 v30, v11;
	v55 =	vmul.f32 v30, v22;
	v39 =	vsub.f32 v56, v23  }
0x18a: {  	v53 =	vmul.f32 $3.258183240e+00, v33;
	v52 =	vadd.f32 $-1.000000000e+00, v59;
	v63 =	vsub.f32 $2.600049780e+01, v61  }
0x18b: {  	v19 =	vld.idx.msk [tilespmem:v37+s20+$0x0], $0xffff;
	v54 =	vadd.f32 $-6.283185480e+00, v21;
	v36 =	vsub.f32 v55, v36;
	v51 =	vmul.f32 v39, v22  }
0x18c: {  	s25 =	sand.u32 $0xC00, s24;
	s26 =	sand.u32 $0x70, s23;
	v50 =	vmul.f32 v39, v17;
	v23 =	vadd.f32 v52, v52;
	v38 =	vmul.f32 v63, v33  }
0x18d: {  	s25 =	sor.u32 s26, s25;
	v20 =	vld.idx.msk [tilespmem:v20+s20+$0x0], $0xffff;
	v62 =	vmul.f32 v36, v22;
	v51 =	vsub.f32 v51, v32;
	v32 =	vsub.f32 $1.491390510e+01, v53  }
0x18e: {  	v21 =	vld.idx.msk [tilespmem:v40+s20+$0x0], $0xffff;
	[tilespmem:s25+$0x5800] =	vst v24;
	v55 =	vmul.f32 v54, v35;
	v56 =	vmul.f32 v23, v52;
	v57 =	vadd.f32 $-6.017622370e+01, v38  }
0x18f: {  	[tilespmem:s25+$0x5980] =	vst v41;
	v42 =	vmul.f32 v36, v16;
	v29 =	vsub.f32 v62, v30;
	v32 =	vmul.f32 v32, v33  }
0x190: {  	[tilespmem:s25+$0x5B00] =	vst v26;
	v26 =	vmul.f32 v51, v19;
	v58 =	vadd.f32 $-1.000000000e+00, v56;
	v59 =	vmul.f32 v57, v33  }
0x191: {  	[tilespmem:s25+$0x6880] =	vst v31;
	v60 =	vmul.f32 v55, v23;
	v40 =	vmul.f32 v29, v18;
	v32 =	vadd.f32 $-4.202959820e+01, v32  }
0x192: {  	[tilespmem:s25+$0x6A00] =	vst v27;
	v29 =	vmul.f32 v29, v22;
	v61 =	vmul.f32 v58, v23;
	v35 =	vadd.f32 $8.545116420e+01, v59  }
0x193: {  	[tilespmem:s25+$0x6B80] =	vst v34;
	v62 =	vmul.f32 v60, v23;
	v32 =	vmul.f32 v32, v33  }
0x194: {  	[tilespmem:s25+$0x7900] =	vst v25;
	v29 =	vsub.f32 v29, v36;
	v63 =	vsub.f32 v61, v52;
	v41 =	vmul.f32 v35, v33  }
0x195: {  	[tilespmem:s25+$0x7A80] =	vst v28;
	v22 =	vmul.f32 v51, v22;
	v34 =	vsub.f32 v62, v55;
	v32 =	vadd.f32 $7.670345310e+01, v32  }
0x196: {  	[tilespmem:s25+$0x8800] =	vst v44;
	v27 =	vmul.f32 v29, v20;
	v44 =	vmul.f32 v63, v23;
	v29 =	vadd.f32 $-6.493917080e+01, v41  }
0x197: {  	[tilespmem:s25+$0x8980] =	vst v45;
	v51 =	vmul.f32 v34, v23;
	v32 =	vmul.f32 v32, v33  }
0x198: {  	[tilespmem:s25+$0x8B00] =	vst v47;
	v28 =	vmul.f32 v52, v2;
	v35 =	vsub.f32 v44, v58;
	v29 =	vmul.f32 v29, v33  }
0x199: {  	[tilespmem:s25+$0x9880] =	vst v48;
	v24 =	vmul.f32 v55, v3;
	v31 =	vsub.f32 v51, v60;
	v32 =	vadd.f32 $-8.160515590e+01, v32  }
0x19a: {  	[tilespmem:s25+$0x9B80] =	vst v49;
	v30 =	vmul.f32 v58, v4;
	v54 =	vmul.f32 v35, v23;
	v29 =	vadd.f32 $1.973920630e+01, v29  }
0x19b: {  	[tilespmem:s25+$0x9A00] =	vst v43;
	v55 =	vmul.f32 v31, v23;
	v32 =	vmul.f32 v32, v33  }
0x19c: {  	[tilespmem:s25+$0xAA80] =	vst v50;
	v52 =	vmul.f32 v60, v5;
	v25 =	vsub.f32 v54, v63;
	v29 =	vmul.f32 v29, v33  }
0x19d: {  	[tilespmem:s25+$0xA900] =	vst v42;
	v56 =	vmul.f32 v34, v7;
	v34 =	vsub.f32 v55, v34;
	v32 =	vadd.f32 $4.134170150e+01, v32  }
0x19e: {  	[tilespmem:s25+$0x5880] =	vst v28;
	v53 =	vmul.f32 v63, v6;
	v59 =	vmul.f32 v25, v23;
	v29 =	vadd.f32 $-1.000000000e+00, v29  }
0x19f: {  	[tilespmem:s25+$0x5A00] =	vst v24;
	v22 =	vsub.f32 v22, v39;
	v61 =	vmul.f32 v34, v23;
	v60 =	vmul.f32 v32, v33  }
0x1a0: {  	[tilespmem:s25+$0xB980] =	vst v26;
	v57 =	vmul.f32 v35, v8;
	v63 =	vsub.f32 v59, v35;
	v35 =	vadd.f32 v29, v29  }
0x1a1: {  	[tilespmem:s25+$0xB800] =	vst v40;
	v58 =	vmul.f32 v31, v9;
	v31 =	vsub.f32 v61, v31;
	v26 =	vadd.f32 $-6.283185480e+00, v60  }
0x1a2: {  	v22 =	vmul.f32 v22, v21;
	[tilespmem:s25+$0x5B80] =	vst v30;
	v47 =	vmul.f32 v35, v29  }
0x1a3: {  	[tilespmem:s25+$0xBB00] =	vst v27;
	v48 =	vmul.f32 v31, v23;
	v26 =	vmul.f32 v26, v46  }
0x1a4: {  	[tilespmem:s25+$0xC880] =	vst v22;
	v28 =	vadd.f32 $-1.000000000e+00, v47  }
0x1a5: {  	[tilespmem:s25+$0x6900] =	vst v52;
	v44 =	vmul.f32 v34, v12;
	v24 =	vsub.f32 v48, v34;
	v34 =	vmul.f32 v26, v35  }
0x1a6: {  	[tilespmem:s25+$0x7800] =	vst v56;
	v52 =	vmul.f32 v28, v35  }
0x1a7: {  	[tilespmem:s25+$0x6A80] =	vst v53;
	v45 =	vmul.f32 v63, v23;
	v54 =	vmul.f32 v34, v35  }
0x1a8: {  	[tilespmem:s25+$0x7B00] =	vst v58;
	v62 =	vmul.f32 v25, v10;
	v50 =	vmul.f32 v31, v14;
	v36 =	vsub.f32 v52, v29  }
0x1a9: {  	[tilespmem:s25+$0x7980] =	vst v57;
	v2 =	vmul.f32 v29, v2;
	v25 =	vsub.f32 v45, v25;
	v38 =	vsub.f32 v54, v26  }
0x1aa: {  	[tilespmem:s25+$0x8A00] =	vst v44;
	v49 =	vmul.f32 v63, v13;
	v58 =	vmul.f32 v36, v35  }
0x1ab: {  	[tilespmem:s25+$0x8880] =	vst v62;
	v51 =	vmul.f32 v25, v23;
	v40 =	vmul.f32 v38, v35  }
0x1ac: {  	[tilespmem:s25+$0x9900] =	vst v50;
	v53 =	vmul.f32 v24, v23;
	v56 =	vmul.f32 v24, v15;
	v61 =	vsub.f32 v58, v28  }
0x1ad: {  	[tilespmem:s25+$0x5900] =	vst v2;
	v3 =	vmul.f32 v26, v3;
	v33 =	vsub.f32 v51, v63;
	v63 =	vsub.f32 v40, v34  }
0x1ae: {  	[tilespmem:s25+$0x8B80] =	vst v49;
	v55 =	vmul.f32 v25, v11;
	v31 =	vsub.f32 v53, v31;
	v45 =	vmul.f32 v61, v35  }
0x1af: {  	[tilespmem:s25+$0xA800] =	vst v56;
	v2 =	vmul.f32 v28, v4;
	v46 =	vmul.f32 v63, v35  }
0x1b0: {  	[tilespmem:s25+$0x5A80] =	vst v3;
	v3 =	vmul.f32 v34, v5;
	v59 =	vmul.f32 v31, v23;
	v48 =	vsub.f32 v45, v36  }
0x1b1: {  	v62 =	vmul.f32 v31, v17;
	[tilespmem:s25+$0x9A80] =	vst v55;
	v57 =	vmul.f32 v33, v23;
	v49 =	vsub.f32 v46, v38  }
0x1b2: {  	[tilespmem:s25+$0x6800] =	vst v2;
	v60 =	vmul.f32 v33, v16;
	v51 =	vmul.f32 v48, v35  }
0x1b3: {  	[tilespmem:s25+$0x6980] =	vst v3;
	v22 =	vsub.f32 v59, v24;
	v25 =	vsub.f32 v57, v25;
	v53 =	vmul.f32 v49, v35  }
0x1b4: {  	[tilespmem:s25+$0xAB00] =	vst v62;
	v2 =	vmul.f32 v36, v6;
	v3 =	vmul.f32 v38, v7;
	v54 =	vsub.f32 v51, v61  }
0x1b5: {  	[tilespmem:s25+$0xA980] =	vst v60;
	v44 =	vmul.f32 v25, v23;
	v23 =	vmul.f32 v22, v23;
	v55 =	vsub.f32 v53, v63  }
0x1b6: {  	[tilespmem:s25+$0x6B00] =	vst v2;
	v25 =	vmul.f32 v25, v18;
	v56 =	vmul.f32 v54, v35  }
0x1b7: {  	[tilespmem:s25+$0x7880] =	vst v3;
	v22 =	vmul.f32 v22, v19;
	v57 =	vmul.f32 v55, v35  }
0x1b8: {  	v2 =	vmul.f32 v61, v8;
	v47 =	vsub.f32 v44, v33;
	[tilespmem:s25+$0xB880] =	vst v25;
	v4 =	vsub.f32 v56, v48  }
0x1b9: {  	v3 =	vmul.f32 v63, v9;
	v23 =	vsub.f32 v23, v31;
	[tilespmem:s25+$0xBA00] =	vst v22;
	v5 =	vsub.f32 v57, v49  }
0x1ba: {  	[tilespmem:s25+$0x7A00] =	vst v2;
	v50 =	vmul.f32 v47, v20;
	v58 =	vmul.f32 v4, v35  }
0x1bb: {  	[tilespmem:s25+$0x7B80] =	vst v3;
	v52 =	vmul.f32 v23, v21;
	v59 =	vmul.f32 v5, v35  }
0x1bc: {  	v2 =	vmul.f32 v48, v10;
	[tilespmem:s25+$0xBB80] =	vst v50;
	v6 =	vsub.f32 v58, v54  }
0x1bd: {  	v3 =	vmul.f32 v49, v12;
	[tilespmem:s25+$0xC900] =	vst v52;
	v7 =	vsub.f32 v59, v55  }
0x1be: {  	[tilespmem:s25+$0x8900] =	vst v2;
	v2 =	vmul.f32 v54, v13;
	v60 =	vmul.f32 v6, v35  }
0x1bf: {  	[tilespmem:s25+$0x8A80] =	vst v3;
	v3 =	vmul.f32 v55, v14;
	v61 =	vmul.f32 v7, v35  }
0x1c0: {  	[tilespmem:s25+$0x9800] =	vst v2;
	v2 =	vmul.f32 v4, v11;
	v4 =	vsub.f32 v60, v4  }
0x1c1: {  	[tilespmem:s25+$0x9980] =	vst v3;
	v3 =	vmul.f32 v5, v15;
	v5 =	vsub.f32 v61, v5  }
0x1c2: {  	[tilespmem:s25+$0x9B00] =	vst v2;
	v2 =	vmul.f32 v6, v16;
	v8 =	vmul.f32 v4, v35  }
0x1c3: {  	[tilespmem:s25+$0xA880] =	vst v3;
	v3 =	vmul.f32 v7, v17;
	v9 =	vmul.f32 v5, v35  }
0x1c4: {  	p0 =	sne.s32 s24, $0xF80;
	[tilespmem:s25+$0xAA00] =	vst v2;
	v2 =	vmul.f32 v4, v18;
	v62 =	vsub.f32 v8, v6  }
.Ltmp0:
0x1c5: {  	[tilespmem:s25+$0xAB80] =	vst v3;
	v3 =	vmul.f32 v5, v19;
	v63 =	vsub.f32 v9, v7;
	(pc) =	sbr.rel @p0 .LBB2_3-.Ltmp0, $4  }
0x1c6: {  	[tilespmem:s25+$0xB900] =	vst v2;
	v2 =	vmul.f32 v62, v20  }
0x1c7: {  	[tilespmem:s25+$0xBA80] =	vst v3;
	v3 =	vmul.f32 v63, v21  }
0x1c8: {  	s23 =	sadd.s32 $0x10, s23;
	s19 =	sadd.s32 $0x10, s19;
	[tilespmem:s25+$0xC800] =	vst v2  }
0x1c9: {  	s22 =	sadd.s32 $0x10, s22;
	s24 =	sadd.s32 $0x80, s24;
	s21 =	sadd.s32 $0x10, s21;
	[tilespmem:s25+$0xC980] =	vst v3  }
0x1ca: {  	s19 =	sadd.s32 s29, s4;
	s21 =	simm.s32 $0x5800  }
0x1cb: {  	[hbm4b:s19+s5] =	stream.linear.scatter [tilespmem:s21], [sflag:$0x2], $0x1000, $0x38;
	[tilespmem:$0xD800] =	vst v63  }
0x1cc: {  	_ =	swait.ge [sflag:s17], $0x1000  }
0x1cd: {  	[sflag:s17] =	ssyncset.done $0x0  }
0x1ce: {  	s26 =	sadd.s32 s4, s9;
	[sflag:s17] =	ssyncadd.s32 $0xFFFFF000  }
0x1cf: {  	[hbm4b:s26+s5] =	stream.linear.scatter [tilespmem:s30], [sflag:$0x2], $0x1000, $0x38;
	[tilespmem:$0xD800] =	vst v63  }
0x1d0: {  	_ =	swait.ge [sflag:s17], $0x1000  }
0x1d1: {  	[sflag:s17] =	ssyncset.done $0x0  }
0x1d2: {  	s21 =	sadd.s32 s4, s10;
	[sflag:s17] =	ssyncadd.s32 $0xFFFFF000  }
0x1d3: {  	[hbm4b:s21+s5] =	stream.linear.scatter [tilespmem:s31], [sflag:$0x2], $0x1000, $0x38;
	[tilespmem:$0xD800] =	vst v63  }
0x1d4: {  	_ =	swait.ge [sflag:s17], $0x1000  }
0x1d5: {  	[sflag:s17] =	ssyncset.done $0x0  }
0x1d6: {  	s22 =	sadd.s32 s4, s11;
	[sflag:s17] =	ssyncadd.s32 $0xFFFFF000  }
0x1d7: {  	[hbm4b:s22+s5] =	stream.linear.scatter [tilespmem:s0], [sflag:$0x2], $0x1000, $0x38;
	[tilespmem:$0xD800] =	vst v63  }
0x1d8: {  	_ =	swait.ge [sflag:s17], $0x1000  }
0x1d9: {  	[sflag:s17] =	ssyncset.done $0x0  }
0x1da: {  	s23 =	sadd.s32 s4, s12;
	[sflag:s17] =	ssyncadd.s32 $0xFFFFF000  }
0x1db: {  	[hbm4b:s23+s5] =	stream.linear.scatter [tilespmem:s6], [sflag:$0x2], $0x1000, $0x38;
	[tilespmem:$0xD800] =	vst v63  }
0x1dc: {  	_ =	swait.ge [sflag:s17], $0x1000  }
0x1dd: {  	[sflag:s17] =	ssyncset.done $0x0  }
0x1de: {  	s24 =	sadd.s32 s4, s13;
	[sflag:s17] =	ssyncadd.s32 $0xFFFFF000  }
0x1df: {  	[hbm4b:s24+s5] =	stream.linear.scatter [tilespmem:s16], [sflag:$0x2], $0x1000, $0x38;
	[tilespmem:$0xD800] =	vst v63  }
0x1e0: {  	_ =	swait.ge [sflag:s17], $0x1000  }
0x1e1: {  	[sflag:s17] =	ssyncset.done $0x0  }
0x1e2: {  	s25 =	sadd.s32 s4, s14;
	[sflag:s17] =	ssyncadd.s32 $0xFFFFF000  }
0x1e3: {  	[hbm4b:s25+s5] =	stream.linear.scatter [tilespmem:s1], [sflag:$0x2], $0x1000, $0x38;
	[tilespmem:$0xD800] =	vst v63  }
0x1e4: {  	s3 =	sadd.s32 $0x1, s3;
	_ =	swait.ge [sflag:s17], $0x1000  }
0x1e5: {  	p0 =	sne.s32 s3, $0x10;
	[sflag:s17] =	ssyncset.done $0x0  }
.Ltmp1:
0x1e6: {  	s26 =	sadd.s32 s4, s15;
	[sflag:s17] =	ssyncadd.s32 $0xFFFFF000;
	(pc) =	sbr.rel @p0 .LBB2_2-.Ltmp1, $4  }
0x1e7: {  	[hbm4b:s26+s5] =	stream.linear.scatter [tilespmem:s2], [sflag:$0x2], $0x1000, $0x38;
	[tilespmem:$0xD800] =	vst v63  }
0x1e8: {  	_ =	swait.ge [sflag:s17], $0x1000  }
0x1e9: {  	[sflag:s17] =	ssyncset.done $0x0  }
0x1ea: {  	[sflag:s17] =	ssyncadd.s32 $0xFFFFF000  }
0x1eb: {  	s4 =	rddreg [dreg:$0x7]  }
0x1ec: {  	s3 =	rddreg [dreg:$0x6];
	s4 =	sadd.s32 $0x1, s4  }
0x1ed: {  	p0 =	sne.s32 s4, s3  }
.Ltmp2:
0x1ee: {  	_ = 	snop;
	(pc) =	sbr.rel @p0 .LBB2_1-.Ltmp2, $1  }
0x1ef: {  	_ =	sdelay $0x3  }
0x1f0: {  	_ =	sfence.sel $0x180000  }
0x1f1: {  	[bflag:$0x0] =	sbarrier.arrive $0xFFFF  }
0x1f2: {  	_ =	strace $0x90000047  }
0x1f3: {  	s0 =	stileid.u32;
	[bflag:$0x2] =	sbarrier.arrive $0xFFFF  }
0x1f4: {  	p0 =	sne.s32 s0, $0x0;
	s0 =	rddreg [dreg:$0x5]  }
0x1f5: {  	s0 =	sadd.s32 @!p0 $0x100000, s0  }
0x1f6: {  	[sflag:s0] =	ssyncadd.tile.s32 @!p0 $0x1;
	_ =	shalt  }
.Lfunc_end2:
_tile_overlayer_lowered:
.L_overlay_start_2:
0x1f7: {  	(tag) =	ssettag $0x2  }
0x1f8: {  	s0 =	rddreg [dreg:$0x0];
	s2 =	stileid.u32  }
0x1f9: {  	s1 =	rddreg [dreg:$0x1];
	p0 =	sne.s32 s2, $0x0  }
0x1fa: {  	s3 =	rddreg [dreg:$0x2];
	[bflag:$0x3] =	sbarrier.arrive $0xFFFF;
	s2 =	simm.s32 @!p0 $0x1C02  }
0x1fb: {  	[timem:s3], [sflag:s2] =	dma.local @!p0 [hbm:s0], s1  }
0x1fc: {  	s0 =	simm.s32 @!p0 $0x2  }
0x1fd: {  	_ =	swait.ge @!p0 [sflag:s0], s1  }
0x1fe: {  	s1 =	ssub.s32 @!p0 $0x0, s1;
	[sflag:s0] =	ssyncset.done @!p0 $0x0  }
0x1ff: {  	[sflag:s0] =	ssyncadd.s32 @!p0 s1  }
0x200: {  	[bflag:$0x3] =	sbarrier.arrive $0xFFFF  }
0x201: {  	_ =	shalt  }

</sc_bundles>
